<compile_context>
chip_gen: v7x
topology: tpu7x:2x2x1
jax: 0.10.2.dev20260603
libtpu: 0.0.44.dev20260713+nightly
codegen_flags: <defaults>
</compile_context>

<pallas_src>
import functools

import jax
import jax.numpy as jnp
from jax import lax
from jax.experimental import pallas as pl
from jax.experimental.pallas import tpu as pltpu
from jax.experimental.pallas import tpu_sc as plsc

N = 10000
NP = 10240
E = 320000
D = 128
DH = D // 2
NC = 2
NS = 16
NW = NC * NS
CHUNK = 128
EP = NW * 80 * CHUNK
PAD = EP - E

ROWS_PER_TILE = NP // NS
WB = ROWS_PER_TILE // CHUNK

_MESH = plsc.VectorSubcoreMesh(core_axis_name="c", subcore_axis_name="s")


def _fill_vmem(ref, rows, cols, value):
    vv = jnp.full((16,), value, jnp.float32)
    per_row = cols // 16

    def body(i, _):
        ref[i // per_row, pl.ds((i % per_row) * 16, 16)] = vv
        return 0

    lax.fori_loop(0, rows * per_row, body, 0)


_DEG_NCH = EP // NS // CHUNK
DW = D


@functools.partial(
    pl.kernel,
    out_type=jax.ShapeDtypeStruct((2, NP, DW), jnp.float32),
    mesh=_MESH,
    scratch_types=[
        pltpu.VMEM_SHARED((NP, DW), jnp.float32),
        pltpu.VMEM((_DEG_NCH, CHUNK), jnp.int32),
        pltpu.VMEM((CHUNK, DW), jnp.float32),
    ],
)
def _sc_degrees(edge_r, out_hbm, table, idx_v, buf_v):
    c = lax.axis_index("c")
    sid = lax.axis_index("s")

    _fill_vmem(buf_v, CHUNK, DW, 0.0)

    def zero_slice(k, _):
        pltpu.sync_copy(buf_v, table.at[pl.ds(sid * ROWS_PER_TILE + k * CHUNK, CHUNK)])
        return 0

    lax.fori_loop(0, WB, zero_slice, 0)

    pltpu.sync_copy(edge_r.at[c, sid], idx_v)
    _fill_vmem(buf_v, CHUNK, DW, 1.0)
    plsc.subcore_barrier()

    def count(j, _):
        pltpu.sync_copy(buf_v, table.at[idx_v.at[j]], add=True)
        return 0

    lax.fori_loop(0, _DEG_NCH, count, 0)
    plsc.subcore_barrier()

    def wb(k, _):
        off = sid * ROWS_PER_TILE + k * CHUNK
        pltpu.sync_copy(table.at[pl.ds(off, CHUNK)], buf_v)
        pltpu.sync_copy(buf_v, out_hbm.at[c, pl.ds(off, CHUNK)])
        return 0

    lax.fori_loop(0, WB, wb, 0)


_GS_NCH = EP // NW // CHUNK
_PH = _GS_NCH // 2


@functools.partial(
    pl.kernel,
    out_type=jax.ShapeDtypeStruct((NC, NP, D), jnp.float32),
    mesh=_MESH,
    scratch_types=[
        pltpu.VMEM_SHARED((NP, D), jnp.float32),
        pltpu.VMEM((_PH, CHUNK), jnp.int32),
        pltpu.VMEM((_GS_NCH, CHUNK), jnp.int32),
        pltpu.VMEM((2, CHUNK, D), jnp.float32),
        pltpu.SemaphoreType.DMA,
        pltpu.SemaphoreType.DMA,
    ],
)
def _sc_gather_scatter(h_hbm, edge_r, out_hbm, acc, src_v, dst_v, rows_v,
                       sem0, sem1):
    c = lax.axis_index("c")
    sid = lax.axis_index("s")
    wid = sid * NC + c
    sems = (sem0, sem1)
    own = sid * ROWS_PER_TILE

    def _wait_gather(b):
        pltpu.make_async_copy(h_hbm.at[pl.ds(0, CHUNK)], rows_v.at[b],
                              sems[b]).wait()

    _fill_vmem(rows_v.at[0], CHUNK, D, 0.0)

    def zero_slice(k, _):
        pltpu.sync_copy(rows_v.at[0], acc.at[pl.ds(own + k * CHUNK, CHUNK)])
        return 0

    lax.fori_loop(0, WB, zero_slice, 0)
    pltpu.sync_copy(edge_r.at[1, wid], dst_v)
    plsc.subcore_barrier()

    @pl.loop(0, 2)
    def phase(p):
        pltpu.sync_copy(edge_r.at[0, wid, pl.ds(p * _PH, _PH)], src_v)
        for b in range(2):
            pltpu.async_copy(h_hbm.at[src_v.at[b]], rows_v.at[b], sems[b])

        @pl.loop(0, _PH - 2, step=2)
        def pipe(k):
            for b in range(2):
                q = k + b
                _wait_gather(b)
                pltpu.sync_copy(rows_v.at[b], acc.at[dst_v.at[p * _PH + q]],
                                add=True)
                pltpu.async_copy(h_hbm.at[src_v.at[q + 2]], rows_v.at[b],
                                 sems[b])

        for b in range(2):
            _wait_gather(b)
            pltpu.sync_copy(rows_v.at[b],
                            acc.at[dst_v.at[p * _PH + _PH - 2 + b]], add=True)

    plsc.subcore_barrier()

    def wb(k, _):
        off = own + k * CHUNK
        pltpu.sync_copy(acc.at[pl.ds(off, CHUNK)], rows_v.at[0])
        pltpu.sync_copy(rows_v.at[0], out_hbm.at[c, pl.ds(off, CHUNK)])
        return 0

    lax.fori_loop(0, WB, wb, 0)


_BR = 1000


def _norm_col(deg_ref):
    deg = deg_ref[:, 0:1]
    return jnp.where(deg > 0.0, lax.rsqrt(jnp.maximum(deg, 1.0)), 0.0)


def _join_agg(agg_ref):
    return agg_ref[0] + agg_ref[1]


def _prep1_body(feat_ref, dego_ref, w_ref, out_ref):
    h = feat_ref[...] * _norm_col(dego_ref)
    out_ref[...] = jnp.dot(h, w_ref[...], preferred_element_type=jnp.float32)


def _mid_body(agg_ref, degi_ref, dego_ref, b_ref, w_ref, out_ref):
    agg = _join_agg(agg_ref)
    x = jnp.maximum(agg * _norm_col(degi_ref) + b_ref[...], 0.0)
    h = x * _norm_col(dego_ref)
    out_ref[...] = jnp.dot(h, w_ref[...], preferred_element_type=jnp.float32)


def _final_body(agg_ref, degi_ref, b_ref, out_ref):
    out_ref[...] = _join_agg(agg_ref) * _norm_col(degi_ref) + b_ref[...]


def _row_spec(shape):
    return pl.BlockSpec(shape, lambda i: (i,) + (0,) * (len(shape) - 1))


def _fixed_spec(shape):
    return pl.BlockSpec(shape, lambda i: (0,) * len(shape))


def _agg_spec():
    return pl.BlockSpec((NC, _BR, D), lambda i: (0, i, 0))


_prep1 = pl.pallas_call(
    _prep1_body,
    grid=(N // _BR,),
    in_specs=[
        _row_spec((_BR, D)),
        _row_spec((_BR, DW)),
        _fixed_spec((D, D)),
    ],
    out_specs=_row_spec((_BR, D)),
    out_shape=jax.ShapeDtypeStruct((N, D), jnp.float32),
)

_mid = pl.pallas_call(
    _mid_body,
    grid=(N // _BR,),
    in_specs=[
        _agg_spec(),
        _row_spec((_BR, DW)),
        _row_spec((_BR, DW)),
        _fixed_spec((1, D)),
        _fixed_spec((D, D)),
    ],
    out_specs=_row_spec((_BR, D)),
    out_shape=jax.ShapeDtypeStruct((N, D), jnp.float32),
)

_final = pl.pallas_call(
    _final_body,
    grid=(N // _BR,),
    in_specs=[
        _agg_spec(),
        _row_spec((_BR, DW)),
        _fixed_spec((1, D)),
    ],
    out_specs=_row_spec((_BR, D)),
    out_shape=jax.ShapeDtypeStruct((N, D), jnp.float32),
)


def kernel(features, edge_index, W1, b1, W2, b2):
    edge = edge_index.astype(jnp.int32)
    src, dst = edge[0], edge[1]
    pad_hi = jnp.full((PAD,), NP - 1, jnp.int32)
    pad_lo = jnp.zeros((PAD,), jnp.int32)
    dst_p = jnp.concatenate([dst, pad_hi])
    edge_deg = jnp.stack([jnp.concatenate([src, pad_hi]), dst_p])
    edge_deg = edge_deg.reshape(2, NS, _DEG_NCH, CHUNK)
    srcw = jnp.concatenate([src, pad_lo]).reshape(NW, _GS_NCH, CHUNK)
    woff = (jnp.arange(NW, dtype=jnp.int32) % NC) * N
    edge_gs = jnp.stack([srcw + woff[:, None, None],
                         dst_p.reshape(NW, _GS_NCH, CHUNK)])
    b1r = b1.reshape(1, D)
    b2r = b2.reshape(1, D)

    degs = _sc_degrees(edge_deg)
    dego = degs[0]
    degi = degs[1]

    h1 = _prep1(features, dego, W1)
    agg1 = _sc_gather_scatter(jnp.concatenate([h1, h1]), edge_gs)
    h2 = _mid(agg1, degi, dego, b1r, W2)
    agg2 = _sc_gather_scatter(jnp.concatenate([h2, h2]), edge_gs)
    return _final(agg2, degi, b2r)

# --- scband reference (transcript-rebuilt; emitter-appended) ---
"""Pipeline reference for scband-graph-conv-model-8392366096423 (READ-ONLY COPY).

The authoritative reference and input builder live on the scoring server;
editing this copy changes nothing except your own understanding.
"""

import jax, jax.numpy as jnp
import numpy as np

N_NODES = 10000
N_EDGES = 320000
D_IN = 128
D_HID = 128
D_OUT = 128


def setup_inputs(seed: int = 0) -> dict:
    key = jax.random.key(seed)
    k1, k2, k3, k4, k5, k6 = jax.random.split(key, 6)
    features = jax.random.normal(k1, (N_NODES, D_IN), dtype=jnp.float32)
    edge_index = jax.random.randint(k2, (2, N_EDGES), 0, N_NODES, dtype=jnp.int64)
    # GraphConv layer params (glorot-like init)
    W1 = jax.random.normal(k3, (D_IN, D_HID), dtype=jnp.float32) * (1.0 / np.sqrt(D_IN))
    b1 = jnp.zeros((D_HID,), dtype=jnp.float32)
    W2 = jax.random.normal(k4, (D_HID, D_OUT), dtype=jnp.float32) * (1.0 / np.sqrt(D_HID))
    b2 = jnp.zeros((D_OUT,), dtype=jnp.float32)
    return {"features": features, "edge_index": edge_index, "W1": W1, "b1": b1, "W2": W2, "b2": b2}


def _graph_conv(x, src, dst, W, b, n_nodes):
    # DGL GraphConv with norm='both':
    # h = D_dst^{-1/2} * A * (D_src^{-1/2} * x) @ W + b
    deg_out = jnp.zeros((n_nodes,), dtype=x.dtype).at[src].add(1.0)
    deg_in = jnp.zeros((n_nodes,), dtype=x.dtype).at[dst].add(1.0)
    norm_src = jnp.where(deg_out > 0, jax.lax.rsqrt(jnp.maximum(deg_out, 1.0)), 0.0)
    norm_dst = jnp.where(deg_in > 0, jax.lax.rsqrt(jnp.maximum(deg_in, 1.0)), 0.0)
    h = x * norm_src[:, None]
    h = h @ W  # in_feats == out_feats: apply weight before aggregation
    msg = jnp.take(h, src, axis=0)
    agg = jnp.zeros((n_nodes, h.shape[1]), dtype=x.dtype).at[dst].add(msg)
    agg = agg * norm_dst[:, None]
    return agg + b


def reference(features, edge_index, W1, b1, W2, b2):
    src = edge_index[0]
    dst = edge_index[1]
    h = _graph_conv(features, src, dst, W1, b1, N_NODES)
    h = jax.nn.relu(h)
    out = _graph_conv(h, src, dst, W2, b2, N_NODES)
    return out

if __name__ == "__main__":
    import jax
    _d = setup_inputs()
    print(jax.jit(kernel)(*tuple(_d.values())))

</pallas_src>

<mosaic_0001>
#map = affine_map<(d0, d1) -> (0, 0, 0, 0)>
#map1 = affine_map<(d0, d1) -> (0, 0, 0)>
module attributes {stable_mosaic.version = 14 : i64} {
  func.func @_sc_degrees(%arg0: i32, %arg1: i32, %arg2: memref<2x16x160x128xi32, #tpu.memory_space<hbm>>, %arg3: memref<2x10240x128xf32, #tpu.memory_space<hbm>>, %arg4: memref<10240x128xf32, #tpu.memory_space<vmem_shared>>, %arg5: memref<160x128xi32, #tpu.memory_space<vmem>>, %arg6: memref<128x128xf32, #tpu.memory_space<vmem>>) attributes {dimension_semantics = [#tpu.dimension_semantics<core_parallel>, #tpu.dimension_semantics<subcore_parallel>], iteration_bounds = array<i64: 2, 16>, scalar_prefetch = 0 : i64, scratch_operands = 3 : i64, tpu.core_type = #tpu.core_type<sc_vector_subcore>, window_params = [{transform_indices = #map}, {transform_indices = #map1}]} {
    %broadcast_in_dim3A = arith.constant 0.000000e+00 : f32
    %broadcast_in_dim3A_0 = vector.broadcast %broadcast_in_dim3A : f32 to vector<16xf32>
    %scan3A = arith.constant 0 : i32
    %scan3A_1 = arith.constant 0 : i32
    %scan3A_2 = arith.constant 1024 : i32
    %scan3A_3 = arith.addi %scan3A_1, %scan3A_2 : i32
    %scan3A_4 = arith.constant 1 : i32
    %scan3A_5 = scf.for %scan3A_38 = %scan3A_1 to %scan3A_3 step %scan3A_4 iter_args(%scan3A_39 = %scan3A) -> (i32)  : i32 {
      %jit3A = arith.constant 8 : i32
      %div3A = arith.divsi %scan3A_38, %jit3A : i32
      %sign3A = arith.constant 0 : i32
      %sign3A_40 = arith.cmpi sgt, %scan3A_38, %sign3A : i32
      %sign3A_41 = arith.extui %sign3A_40 : i1 to i32
      %sign3A_42 = arith.constant 0 : i32
      %sign3A_43 = arith.cmpi slt, %scan3A_38, %sign3A_42 : i32
      %sign3A_44 = arith.extui %sign3A_43 : i1 to i32
      %sign3A_45 = arith.subi %sign3A_41, %sign3A_44 : i32
      %sign3A_46 = arith.constant 0 : i32
      %sign3A_47 = arith.cmpi sgt, %jit3A, %sign3A_46 : i32
      %sign3A_48 = arith.extui %sign3A_47 : i1 to i32
      %sign3A_49 = arith.constant 0 : i32
      %sign3A_50 = arith.cmpi slt, %jit3A, %sign3A_49 : i32
      %sign3A_51 = arith.extui %sign3A_50 : i1 to i32
      %sign3A_52 = arith.subi %sign3A_48, %sign3A_51 : i32
      %ne3A = arith.cmpi ne, %sign3A_45, %sign3A_52 : i32
      %rem3A = arith.remsi %scan3A_38, %jit3A : i32
      %ne3A_53 = arith.constant 0 : i32
      %ne3A_54 = arith.cmpi ne, %rem3A, %ne3A_53 : i32
      %and3A = arith.andi %ne3A, %ne3A_54 : i1
      %sub3A = arith.constant 1 : i32
      %sub3A_55 = arith.subi %div3A, %sub3A : i32
      %select_n3A = arith.select %and3A, %sub3A_55, %div3A : i32
      %jit3A_56 = arith.constant 8 : i32
      %eq3A = arith.constant 0 : i32
      %eq3A_57 = arith.cmpi eq, %jit3A_56, %eq3A : i32
      %jit3A_58 = arith.constant 1 : i32
      %select_n3A_59 = arith.select %eq3A_57, %jit3A_58, %jit3A_56 : i32
      %rem3A_60 = arith.remsi %scan3A_38, %select_n3A_59 : i32
      %ne3A_61 = arith.constant 0 : i32
      %ne3A_62 = arith.cmpi ne, %rem3A_60, %ne3A_61 : i32
      %lt3A = arith.constant 0 : i32
      %lt3A_63 = arith.cmpi slt, %rem3A_60, %lt3A : i32
      %lt3A_64 = arith.constant 0 : i32
      %lt3A_65 = arith.cmpi slt, %select_n3A_59, %lt3A_64 : i32
      %ne3A_66 = arith.xori %lt3A_63, %lt3A_65 : i1
      %and3A_67 = arith.andi %ne3A_66, %ne3A_62 : i1
      %add3A = arith.addi %rem3A_60, %select_n3A_59 : i32
      %select_n3A_68 = arith.select %and3A_67, %add3A, %rem3A_60 : i32
      %mul3A = arith.constant 16 : i32
      %mul3A_69 = arith.muli %select_n3A_68, %mul3A : i32
      %swap3A = arith.index_cast %select_n3A : i32 to index
      %swap3A_70 = arith.index_cast %mul3A_69 : i32 to index
      %swap3A_71 = tpu.vector_load %arg6[%swap3A, %swap3A_70] {strides = array<i32>} : memref<128x128xf32, #tpu.memory_space<vmem>>, vector<1x16xf32>,
      %swap3A_72 = vector.shape_cast %swap3A_71 : vector<1x16xf32> to vector<16xf32>
      %swap3A_73 = vector.shape_cast %broadcast_in_dim3A_0 : vector<16xf32> to vector<1x16xf32>
      tpu.vector_store %arg6[%swap3A, %swap3A_70], %swap3A_73 {strides = array<i32>} : memref<128x128xf32, #tpu.memory_space<vmem>>, vector<1x16xf32>,
      %scan3A_74 = arith.constant 0 : i32
      scf.yield %scan3A_74 : i32
    }
    %scan3A_6 = arith.constant 1024 : i32
    %scan3A_7 = arith.constant 0 : i32
    %scan3A_8 = arith.constant 0 : i32
    %scan3A_9 = arith.constant 5 : i32
    %scan3A_10 = arith.addi %scan3A_8, %scan3A_9 : i32
    %scan3A_11 = arith.constant 1 : i32
    %scan3A_12 = scf.for %scan3A_38 = %scan3A_8 to %scan3A_10 step %scan3A_11 iter_args(%scan3A_39 = %scan3A_7) -> (i32)  : i32 {
      %mul3A = arith.constant 640 : i32
      %mul3A_40 = arith.muli %arg1, %mul3A : i32
      %mul3A_41 = arith.constant 128 : i32
      %mul3A_42 = arith.muli %scan3A_38, %mul3A_41 : i32
      %add3A = arith.addi %mul3A_40, %mul3A_42 : i32
      "tpu.region"() ({
        %run_scoped3A = tpu.sem_alloc : memref<!tpu.dma_semaphore, #tpu.memory_space<semaphore_mem>>
        %dma_start3A = arith.constant 0 : i32
        %dma_start3A_44 = tpu.memref_slice %arg4[%add3A, %dma_start3A] : memref<10240x128xf32, #tpu.memory_space<vmem_shared>> -> memref<128x128xf32, #tpu.memory_space<vmem_shared>>
        %dma_start3A_45 = arith.constant 0 : i32
        %dma_start3A_46 = tpu.memref_slice %arg4[%add3A, %dma_start3A_45] : memref<10240x128xf32, #tpu.memory_space<vmem_shared>> -> memref<128x128xf32, #tpu.memory_space<vmem_shared>>
        tpu.enqueue_dma source(%arg6 : memref<128x128xf32, #tpu.memory_space<vmem>>) target(%dma_start3A_46 : memref<128x128xf32, #tpu.memory_space<vmem_shared>>) target_semaphore(%run_scoped3A : memref<!tpu.dma_semaphore, #tpu.memory_space<semaphore_mem>>)
        %dma_wait3A = arith.constant 0 : i32
        %dma_wait3A_47 = tpu.memref_slice %arg4[%add3A, %dma_wait3A] : memref<10240x128xf32, #tpu.memory_space<vmem_shared>> -> memref<128x128xf32, #tpu.memory_space<vmem_shared>>
        %dma_wait3A_48 = arith.constant 0 : i32
        %dma_wait3A_49 = tpu.memref_slice %arg4[%add3A, %dma_wait3A_48] : memref<10240x128xf32, #tpu.memory_space<vmem_shared>> -> memref<128x128xf32, #tpu.memory_space<vmem_shared>>
        tpu.wait_dma2 semaphore(%run_scoped3A : memref<!tpu.dma_semaphore, #tpu.memory_space<semaphore_mem>>) src(%arg6 : memref<128x128xf32, #tpu.memory_space<vmem>>) dst(%dma_wait3A_49 : memref<128x128xf32, #tpu.memory_space<vmem_shared>>)
        tpu.yield
      }) : () -> ()
      %scan3A_43 = arith.constant 0 : i32
      scf.yield %scan3A_43 : i32
    }
    %scan3A_13 = arith.constant 5 : i32
    "tpu.region"() ({
      %run_scoped3A = tpu.sem_alloc : memref<!tpu.dma_semaphore, #tpu.memory_space<semaphore_mem>>
      %dma_start3A = arith.constant 0 : i32
      %dma_start3A_38 = arith.constant 0 : i32
      %dma_start3A_39 = tpu.memref_slice %arg2[%arg0, %arg1, %dma_start3A, %dma_start3A_38] : memref<2x16x160x128xi32, #tpu.memory_space<hbm>> -> memref<1x1x160x128xi32, #tpu.memory_space<hbm>>
      %dma_start3A_40 = tpu.memref_squeeze %dma_start3A_39 : memref<1x1x160x128xi32, #tpu.memory_space<hbm>> -> memref<160x128xi32, #tpu.memory_space<hbm>>
      %dma_start3A_41 = arith.constant 0 : i32
      %dma_start3A_42 = arith.constant 0 : i32
      %dma_start3A_43 = tpu.memref_slice %arg2[%arg0, %arg1, %dma_start3A_41, %dma_start3A_42] : memref<2x16x160x128xi32, #tpu.memory_space<hbm>> -> memref<1x1x160x128xi32, #tpu.memory_space<hbm>>
      %dma_start3A_44 = tpu.memref_squeeze %dma_start3A_43 : memref<1x1x160x128xi32, #tpu.memory_space<hbm>> -> memref<160x128xi32, #tpu.memory_space<hbm>>
      tpu.enqueue_dma source(%dma_start3A_44 : memref<160x128xi32, #tpu.memory_space<hbm>>) target(%arg5 : memref<160x128xi32, #tpu.memory_space<vmem>>) target_semaphore(%run_scoped3A : memref<!tpu.dma_semaphore, #tpu.memory_space<semaphore_mem>>)
      %dma_wait3A = arith.constant 0 : i32
      %dma_wait3A_45 = arith.constant 0 : i32
      %dma_wait3A_46 = tpu.memref_slice %arg2[%arg0, %arg1, %dma_wait3A, %dma_wait3A_45] : memref<2x16x160x128xi32, #tpu.memory_space<hbm>> -> memref<1x1x160x128xi32, #tpu.memory_space<hbm>>
      %dma_wait3A_47 = tpu.memref_squeeze %dma_wait3A_46 : memref<1x1x160x128xi32, #tpu.memory_space<hbm>> -> memref<160x128xi32, #tpu.memory_space<hbm>>
      %dma_wait3A_48 = arith.constant 0 : i32
      %dma_wait3A_49 = arith.constant 0 : i32
      %dma_wait3A_50 = tpu.memref_slice %arg2[%arg0, %arg1, %dma_wait3A_48, %dma_wait3A_49] : memref<2x16x160x128xi32, #tpu.memory_space<hbm>> -> memref<1x1x160x128xi32, #tpu.memory_space<hbm>>
      %dma_wait3A_51 = tpu.memref_squeeze %dma_wait3A_50 : memref<1x1x160x128xi32, #tpu.memory_space<hbm>> -> memref<160x128xi32, #tpu.memory_space<hbm>>
      tpu.wait_dma2 semaphore(%run_scoped3A : memref<!tpu.dma_semaphore, #tpu.memory_space<semaphore_mem>>) src(%dma_wait3A_51 : memref<160x128xi32, #tpu.memory_space<hbm>>) dst(%arg5 : memref<160x128xi32, #tpu.memory_space<vmem>>)
      tpu.yield
    }) : () -> ()
    %broadcast_in_dim3A_14 = arith.constant 1.000000e+00 : f32
    %broadcast_in_dim3A_15 = vector.broadcast %broadcast_in_dim3A_14 : f32 to vector<16xf32>
    %scan3A_16 = arith.constant 0 : i32
    %scan3A_17 = arith.constant 0 : i32
    %scan3A_18 = arith.constant 1024 : i32
    %scan3A_19 = arith.addi %scan3A_17, %scan3A_18 : i32
    %scan3A_20 = arith.constant 1 : i32
    %scan3A_21 = scf.for %scan3A_38 = %scan3A_17 to %scan3A_19 step %scan3A_20 iter_args(%scan3A_39 = %scan3A_16) -> (i32)  : i32 {
      %jit3A = arith.constant 8 : i32
      %div3A = arith.divsi %scan3A_38, %jit3A : i32
      %sign3A = arith.constant 0 : i32
      %sign3A_40 = arith.cmpi sgt, %scan3A_38, %sign3A : i32
      %sign3A_41 = arith.extui %sign3A_40 : i1 to i32
      %sign3A_42 = arith.constant 0 : i32
      %sign3A_43 = arith.cmpi slt, %scan3A_38, %sign3A_42 : i32
      %sign3A_44 = arith.extui %sign3A_43 : i1 to i32
      %sign3A_45 = arith.subi %sign3A_41, %sign3A_44 : i32
      %sign3A_46 = arith.constant 0 : i32
      %sign3A_47 = arith.cmpi sgt, %jit3A, %sign3A_46 : i32
      %sign3A_48 = arith.extui %sign3A_47 : i1 to i32
      %sign3A_49 = arith.constant 0 : i32
      %sign3A_50 = arith.cmpi slt, %jit3A, %sign3A_49 : i32
      %sign3A_51 = arith.extui %sign3A_50 : i1 to i32
      %sign3A_52 = arith.subi %sign3A_48, %sign3A_51 : i32
      %ne3A = arith.cmpi ne, %sign3A_45, %sign3A_52 : i32
      %rem3A = arith.remsi %scan3A_38, %jit3A : i32
      %ne3A_53 = arith.constant 0 : i32
      %ne3A_54 = arith.cmpi ne, %rem3A, %ne3A_53 : i32
      %and3A = arith.andi %ne3A, %ne3A_54 : i1
      %sub3A = arith.constant 1 : i32
      %sub3A_55 = arith.subi %div3A, %sub3A : i32
      %select_n3A = arith.select %and3A, %sub3A_55, %div3A : i32
      %jit3A_56 = arith.constant 8 : i32
      %eq3A = arith.constant 0 : i32
      %eq3A_57 = arith.cmpi eq, %jit3A_56, %eq3A : i32
      %jit3A_58 = arith.constant 1 : i32
      %select_n3A_59 = arith.select %eq3A_57, %jit3A_58, %jit3A_56 : i32
      %rem3A_60 = arith.remsi %scan3A_38, %select_n3A_59 : i32
      %ne3A_61 = arith.constant 0 : i32
      %ne3A_62 = arith.cmpi ne, %rem3A_60, %ne3A_61 : i32
      %lt3A = arith.constant 0 : i32
      %lt3A_63 = arith.cmpi slt, %rem3A_60, %lt3A : i32
      %lt3A_64 = arith.constant 0 : i32
      %lt3A_65 = arith.cmpi slt, %select_n3A_59, %lt3A_64 : i32
      %ne3A_66 = arith.xori %lt3A_63, %lt3A_65 : i1
      %and3A_67 = arith.andi %ne3A_66, %ne3A_62 : i1
      %add3A = arith.addi %rem3A_60, %select_n3A_59 : i32
      %select_n3A_68 = arith.select %and3A_67, %add3A, %rem3A_60 : i32
      %mul3A = arith.constant 16 : i32
      %mul3A_69 = arith.muli %select_n3A_68, %mul3A : i32
      %swap3A = arith.index_cast %select_n3A : i32 to index
      %swap3A_70 = arith.index_cast %mul3A_69 : i32 to index
      %swap3A_71 = tpu.vector_load %arg6[%swap3A, %swap3A_70] {strides = array<i32>} : memref<128x128xf32, #tpu.memory_space<vmem>>, vector<1x16xf32>,
      %swap3A_72 = vector.shape_cast %swap3A_71 : vector<1x16xf32> to vector<16xf32>
      %swap3A_73 = vector.shape_cast %broadcast_in_dim3A_15 : vector<16xf32> to vector<1x16xf32>
      tpu.vector_store %arg6[%swap3A, %swap3A_70], %swap3A_73 {strides = array<i32>} : memref<128x128xf32, #tpu.memory_space<vmem>>, vector<1x16xf32>,
      %scan3A_74 = arith.constant 0 : i32
      scf.yield %scan3A_74 : i32
    }
    %scan3A_22 = arith.constant 1024 : i32
    %barrier3A = arith.constant 0 : index
    tpu.barrier barrier_id(%barrier3A)
    %scan3A_23 = arith.constant 0 : i32
    %scan3A_24 = arith.constant 0 : i32
    %scan3A_25 = arith.constant 160 : i32
    %scan3A_26 = arith.addi %scan3A_24, %scan3A_25 : i32
    %scan3A_27 = arith.constant 1 : i32
    %scan3A_28 = scf.for %scan3A_38 = %scan3A_24 to %scan3A_26 step %scan3A_27 iter_args(%scan3A_39 = %scan3A_23) -> (i32)  : i32 {
      "tpu.region"() ({
        %run_scoped3A = tpu.sem_alloc : memref<!tpu.dma_semaphore, #tpu.memory_space<semaphore_mem>>
        %dma_start3A = arith.constant 0 : i32
        %dma_start3A_41 = tpu.memref_slice %arg5[%scan3A_38, %dma_start3A] : memref<160x128xi32, #tpu.memory_space<vmem>> -> memref<1x128xi32, #tpu.memory_space<vmem>>
        %dma_start3A_42 = tpu.memref_squeeze %dma_start3A_41 : memref<1x128xi32, #tpu.memory_space<vmem>> -> memref<128xi32, #tpu.memory_space<vmem>>
        %dma_start3A_43 = arith.constant 0 : i32
        %dma_start3A_44 = arith.constant 0 : i32
        %dma_start3A_45 = tpu.memref_slice %arg4[%dma_start3A_43, %dma_start3A_44] : memref<10240x128xf32, #tpu.memory_space<vmem_shared>> -> memref<10240x128xf32, #tpu.memory_space<vmem_shared>>
        tpu.enqueue_indirect_dma source(%arg6 : memref<128x128xf32, #tpu.memory_space<vmem>>) target(%dma_start3A_45 : memref<10240x128xf32, #tpu.memory_space<vmem_shared>>) offsets(%dma_start3A_42 : memref<128xi32, #tpu.memory_space<vmem>>) semaphore(%run_scoped3A : memref<!tpu.dma_semaphore, #tpu.memory_space<semaphore_mem>>) {add = true}
        %dma_wait3A = arith.constant 0 : i32
        %dma_wait3A_46 = tpu.memref_slice %arg5[%scan3A_38, %dma_wait3A] : memref<160x128xi32, #tpu.memory_space<vmem>> -> memref<1x128xi32, #tpu.memory_space<vmem>>
        %dma_wait3A_47 = tpu.memref_squeeze %dma_wait3A_46 : memref<1x128xi32, #tpu.memory_space<vmem>> -> memref<128xi32, #tpu.memory_space<vmem>>
        %dma_wait3A_48 = arith.constant 0 : i32
        %dma_wait3A_49 = arith.constant 0 : i32
        %dma_wait3A_50 = tpu.memref_slice %arg4[%dma_wait3A_48, %dma_wait3A_49] : memref<10240x128xf32, #tpu.memory_space<vmem_shared>> -> memref<10240x128xf32, #tpu.memory_space<vmem_shared>>
        tpu.wait_indirect_dma semaphore(%run_scoped3A : memref<!tpu.dma_semaphore, #tpu.memory_space<semaphore_mem>>) src(%arg6 : memref<128x128xf32, #tpu.memory_space<vmem>>) dst(%dma_wait3A_50 : memref<10240x128xf32, #tpu.memory_space<vmem_shared>>)
        tpu.yield
      }) : () -> ()
      %scan3A_40 = arith.constant 0 : i32
      scf.yield %scan3A_40 : i32
    }
    %scan3A_29 = arith.constant 160 : i32
    %barrier3A_30 = arith.constant 0 : index
    tpu.barrier barrier_id(%barrier3A_30)
    %scan3A_31 = arith.constant 0 : i32
    %scan3A_32 = arith.constant 0 : i32
    %scan3A_33 = arith.constant 5 : i32
    %scan3A_34 = arith.addi %scan3A_32, %scan3A_33 : i32
    %scan3A_35 = arith.constant 1 : i32
    %scan3A_36 = scf.for %scan3A_38 = %scan3A_32 to %scan3A_34 step %scan3A_35 iter_args(%scan3A_39 = %scan3A_31) -> (i32)  : i32 {
      %mul3A = arith.constant 640 : i32
      %mul3A_40 = arith.muli %arg1, %mul3A : i32
      %mul3A_41 = arith.constant 128 : i32
      %mul3A_42 = arith.muli %scan3A_38, %mul3A_41 : i32
      %add3A = arith.addi %mul3A_40, %mul3A_42 : i32
      "tpu.region"() ({
        %run_scoped3A = tpu.sem_alloc : memref<!tpu.dma_semaphore, #tpu.memory_space<semaphore_mem>>
        %dma_start3A = arith.constant 0 : i32
        %dma_start3A_44 = tpu.memref_slice %arg4[%add3A, %dma_start3A] : memref<10240x128xf32, #tpu.memory_space<vmem_shared>> -> memref<128x128xf32, #tpu.memory_space<vmem_shared>>
        %dma_start3A_45 = arith.constant 0 : i32
        %dma_start3A_46 = tpu.memref_slice %arg4[%add3A, %dma_start3A_45] : memref<10240x128xf32, #tpu.memory_space<vmem_shared>> -> memref<128x128xf32, #tpu.memory_space<vmem_shared>>
        tpu.enqueue_dma source(%dma_start3A_46 : memref<128x128xf32, #tpu.memory_space<vmem_shared>>) target(%arg6 : memref<128x128xf32, #tpu.memory_space<vmem>>) target_semaphore(%run_scoped3A : memref<!tpu.dma_semaphore, #tpu.memory_space<semaphore_mem>>)
        %dma_wait3A = arith.constant 0 : i32
        %dma_wait3A_47 = tpu.memref_slice %arg4[%add3A, %dma_wait3A] : memref<10240x128xf32, #tpu.memory_space<vmem_shared>> -> memref<128x128xf32, #tpu.memory_space<vmem_shared>>
        %dma_wait3A_48 = arith.constant 0 : i32
        %dma_wait3A_49 = tpu.memref_slice %arg4[%add3A, %dma_wait3A_48] : memref<10240x128xf32, #tpu.memory_space<vmem_shared>> -> memref<128x128xf32, #tpu.memory_space<vmem_shared>>
        tpu.wait_dma2 semaphore(%run_scoped3A : memref<!tpu.dma_semaphore, #tpu.memory_space<semaphore_mem>>) src(%dma_wait3A_49 : memref<128x128xf32, #tpu.memory_space<vmem_shared>>) dst(%arg6 : memref<128x128xf32, #tpu.memory_space<vmem>>)
        tpu.yield
      }) : () -> ()
      "tpu.region"() ({
        %run_scoped3A = tpu.sem_alloc : memref<!tpu.dma_semaphore, #tpu.memory_space<semaphore_mem>>
        %dma_start3A = arith.constant 0 : i32
        %dma_start3A_44 = tpu.memref_slice %arg3[%arg0, %add3A, %dma_start3A] : memref<2x10240x128xf32, #tpu.memory_space<hbm>> -> memref<1x128x128xf32, #tpu.memory_space<hbm>>
        %dma_start3A_45 = tpu.memref_squeeze %dma_start3A_44 : memref<1x128x128xf32, #tpu.memory_space<hbm>> -> memref<128x128xf32, #tpu.memory_space<hbm>>
        %dma_start3A_46 = arith.constant 0 : i32
        %dma_start3A_47 = tpu.memref_slice %arg3[%arg0, %add3A, %dma_start3A_46] : memref<2x10240x128xf32, #tpu.memory_space<hbm>> -> memref<1x128x128xf32, #tpu.memory_space<hbm>>
        %dma_start3A_48 = tpu.memref_squeeze %dma_start3A_47 : memref<1x128x128xf32, #tpu.memory_space<hbm>> -> memref<128x128xf32, #tpu.memory_space<hbm>>
        tpu.enqueue_dma source(%arg6 : memref<128x128xf32, #tpu.memory_space<vmem>>) target(%dma_start3A_48 : memref<128x128xf32, #tpu.memory_space<hbm>>) target_semaphore(%run_scoped3A : memref<!tpu.dma_semaphore, #tpu.memory_space<semaphore_mem>>)
        %dma_wait3A = arith.constant 0 : i32
        %dma_wait3A_49 = tpu.memref_slice %arg3[%arg0, %add3A, %dma_wait3A] : memref<2x10240x128xf32, #tpu.memory_space<hbm>> -> memref<1x128x128xf32, #tpu.memory_space<hbm>>
        %dma_wait3A_50 = tpu.memref_squeeze %dma_wait3A_49 : memref<1x128x128xf32, #tpu.memory_space<hbm>> -> memref<128x128xf32, #tpu.memory_space<hbm>>
        %dma_wait3A_51 = arith.constant 0 : i32
        %dma_wait3A_52 = tpu.memref_slice %arg3[%arg0, %add3A, %dma_wait3A_51] : memref<2x10240x128xf32, #tpu.memory_space<hbm>> -> memref<1x128x128xf32, #tpu.memory_space<hbm>>
        %dma_wait3A_53 = tpu.memref_squeeze %dma_wait3A_52 : memref<1x128x128xf32, #tpu.memory_space<hbm>> -> memref<128x128xf32, #tpu.memory_space<hbm>>
        tpu.wait_dma2 semaphore(%run_scoped3A : memref<!tpu.dma_semaphore, #tpu.memory_space<semaphore_mem>>) src(%arg6 : memref<128x128xf32, #tpu.memory_space<vmem>>) dst(%dma_wait3A_53 : memref<128x128xf32, #tpu.memory_space<hbm>>)
        tpu.yield
      }) : () -> ()
      %scan3A_43 = arith.constant 0 : i32
      scf.yield %scan3A_43 : i32
    }
    %scan3A_37 = arith.constant 5 : i32
    return
  }
}

#map = affine_map<(d0, d1) -> (0, 0)>
#map1 = affine_map<(d0, d1) -> (0, 0, 0, 0)>
#map2 = affine_map<(d0, d1) -> (0, 0, 0)>
module attributes {stable_mosaic.version = 14 : i64} {
  func.func @_sc_gather_scatter(%arg0: i32, %arg1: i32, %arg2: memref<20000x128xf32, #tpu.memory_space<hbm>>, %arg3: memref<2x32x80x128xi32, #tpu.memory_space<hbm>>, %arg4: memref<2x10240x128xf32, #tpu.memory_space<hbm>>, %arg5: memref<10240x128xf32, #tpu.memory_space<vmem_shared>>, %arg6: memref<40x128xi32, #tpu.memory_space<vmem>>, %arg7: memref<80x128xi32, #tpu.memory_space<vmem>>, %arg8: memref<2x128x128xf32, #tpu.memory_space<vmem>>, %arg9: memref<!tpu.dma_semaphore, #tpu.memory_space<semaphore_mem>>, %arg10: memref<!tpu.dma_semaphore, #tpu.memory_space<semaphore_mem>>) attributes {dimension_semantics = [#tpu.dimension_semantics<core_parallel>, #tpu.dimension_semantics<subcore_parallel>], iteration_bounds = array<i64: 2, 16>, scalar_prefetch = 0 : i64, scratch_operands = 6 : i64, tpu.core_type = #tpu.core_type<sc_vector_subcore>, window_params = [{transform_indices = #map}, {transform_indices = #map1}, {transform_indices = #map2}]} {
    %mul3A = arith.constant 2 : i32
    %mul3A_0 = arith.muli %arg1, %mul3A : i32
    %add3A = arith.addi %mul3A_0, %arg0 : i32
    %mul3A_1 = arith.constant 640 : i32
    %mul3A_2 = arith.muli %arg1, %mul3A_1 : i32
    %broadcast_in_dim3A = arith.constant 0.000000e+00 : f32
    %broadcast_in_dim3A_3 = vector.broadcast %broadcast_in_dim3A : f32 to vector<16xf32>
    %scan3A = arith.constant 0 : i32
    %scan3A_4 = arith.constant 0 : i32
    %scan3A_5 = arith.constant 0 : i32
    %scan3A_6 = arith.constant 1024 : i32
    %scan3A_7 = arith.addi %scan3A_5, %scan3A_6 : i32
    %scan3A_8 = arith.constant 1 : i32
    %scan3A_9 = scf.for %scan3A_31 = %scan3A_5 to %scan3A_7 step %scan3A_8 iter_args(%scan3A_32 = %scan3A_4) -> (i32)  : i32 {
      %jit3A = arith.constant 8 : i32
      %div3A = arith.divsi %scan3A_31, %jit3A : i32
      %sign3A = arith.constant 0 : i32
      %sign3A_33 = arith.cmpi sgt, %scan3A_31, %sign3A : i32
      %sign3A_34 = arith.extui %sign3A_33 : i1 to i32
      %sign3A_35 = arith.constant 0 : i32
      %sign3A_36 = arith.cmpi slt, %scan3A_31, %sign3A_35 : i32
      %sign3A_37 = arith.extui %sign3A_36 : i1 to i32
      %sign3A_38 = arith.subi %sign3A_34, %sign3A_37 : i32
      %sign3A_39 = arith.constant 0 : i32
      %sign3A_40 = arith.cmpi sgt, %jit3A, %sign3A_39 : i32
      %sign3A_41 = arith.extui %sign3A_40 : i1 to i32
      %sign3A_42 = arith.constant 0 : i32
      %sign3A_43 = arith.cmpi slt, %jit3A, %sign3A_42 : i32
      %sign3A_44 = arith.extui %sign3A_43 : i1 to i32
      %sign3A_45 = arith.subi %sign3A_41, %sign3A_44 : i32
      %ne3A = arith.cmpi ne, %sign3A_38, %sign3A_45 : i32
      %rem3A = arith.remsi %scan3A_31, %jit3A : i32
      %ne3A_46 = arith.constant 0 : i32
      %ne3A_47 = arith.cmpi ne, %rem3A, %ne3A_46 : i32
      %and3A = arith.andi %ne3A, %ne3A_47 : i1
      %sub3A = arith.constant 1 : i32
      %sub3A_48 = arith.subi %div3A, %sub3A : i32
      %select_n3A = arith.select %and3A, %sub3A_48, %div3A : i32
      %jit3A_49 = arith.constant 8 : i32
      %eq3A = arith.constant 0 : i32
      %eq3A_50 = arith.cmpi eq, %jit3A_49, %eq3A : i32
      %jit3A_51 = arith.constant 1 : i32
      %select_n3A_52 = arith.select %eq3A_50, %jit3A_51, %jit3A_49 : i32
      %rem3A_53 = arith.remsi %scan3A_31, %select_n3A_52 : i32
      %ne3A_54 = arith.constant 0 : i32
      %ne3A_55 = arith.cmpi ne, %rem3A_53, %ne3A_54 : i32
      %lt3A = arith.constant 0 : i32
      %lt3A_56 = arith.cmpi slt, %rem3A_53, %lt3A : i32
      %lt3A_57 = arith.constant 0 : i32
      %lt3A_58 = arith.cmpi slt, %select_n3A_52, %lt3A_57 : i32
      %ne3A_59 = arith.xori %lt3A_56, %lt3A_58 : i1
      %and3A_60 = arith.andi %ne3A_59, %ne3A_55 : i1
      %add3A_61 = arith.addi %rem3A_53, %select_n3A_52 : i32
      %select_n3A_62 = arith.select %and3A_60, %add3A_61, %rem3A_53 : i32
      %mul3A_63 = arith.constant 16 : i32
      %mul3A_64 = arith.muli %select_n3A_62, %mul3A_63 : i32
      %swap3A = arith.constant 0 : i32
      %swap3A_65 = arith.constant 0 : i32
      %swap3A_66 = tpu.memref_slice %arg8[%scan3A, %swap3A, %swap3A_65] : memref<2x128x128xf32, #tpu.memory_space<vmem>> -> memref<1x128x128xf32, #tpu.memory_space<vmem>>
      %swap3A_67 = tpu.memref_squeeze %swap3A_66 : memref<1x128x128xf32, #tpu.memory_space<vmem>> -> memref<128x128xf32, #tpu.memory_space<vmem>>
      %swap3A_68 = arith.index_cast %select_n3A : i32 to index
      %swap3A_69 = arith.index_cast %mul3A_64 : i32 to index
      %swap3A_70 = tpu.vector_load %swap3A_67[%swap3A_68, %swap3A_69] {strides = array<i32>} : memref<128x128xf32, #tpu.memory_space<vmem>>, vector<1x16xf32>,
      %swap3A_71 = vector.shape_cast %swap3A_70 : vector<1x16xf32> to vector<16xf32>
      %swap3A_72 = vector.shape_cast %broadcast_in_dim3A_3 : vector<16xf32> to vector<1x16xf32>
      tpu.vector_store %swap3A_67[%swap3A_68, %swap3A_69], %swap3A_72 {strides = array<i32>} : memref<128x128xf32, #tpu.memory_space<vmem>>, vector<1x16xf32>,
      %scan3A_73 = arith.constant 0 : i32
      scf.yield %scan3A_73 : i32
    }
    %scan3A_10 = arith.constant 1024 : i32
    %scan3A_11 = arith.constant 0 : i32
    %scan3A_12 = arith.constant 0 : i32
    %scan3A_13 = arith.constant 5 : i32
    %scan3A_14 = arith.addi %scan3A_12, %scan3A_13 : i32
    %scan3A_15 = arith.constant 1 : i32
    %scan3A_16 = scf.for %scan3A_31 = %scan3A_12 to %scan3A_14 step %scan3A_15 iter_args(%scan3A_32 = %scan3A_11) -> (i32)  : i32 {
      %mul3A_33 = arith.constant 128 : i32
      %mul3A_34 = arith.muli %scan3A_31, %mul3A_33 : i32
      %add3A_35 = arith.addi %mul3A_2, %mul3A_34 : i32
      %run_scoped3A_36 = arith.constant 0 : i32
      "tpu.region"() ({
        %run_scoped3A_38 = tpu.sem_alloc : memref<!tpu.dma_semaphore, #tpu.memory_space<semaphore_mem>>
        %dma_start3A = arith.constant 0 : i32
        %dma_start3A_39 = arith.constant 0 : i32
        %dma_start3A_40 = tpu.memref_slice %arg8[%run_scoped3A_36, %dma_start3A, %dma_start3A_39] : memref<2x128x128xf32, #tpu.memory_space<vmem>> -> memref<1x128x128xf32, #tpu.memory_space<vmem>>
        %dma_start3A_41 = tpu.memref_squeeze %dma_start3A_40 : memref<1x128x128xf32, #tpu.memory_space<vmem>> -> memref<128x128xf32, #tpu.memory_space<vmem>>
        %dma_start3A_42 = arith.constant 0 : i32
        %dma_start3A_43 = tpu.memref_slice %arg5[%add3A_35, %dma_start3A_42] : memref<10240x128xf32, #tpu.memory_space<vmem_shared>> -> memref<128x128xf32, #tpu.memory_space<vmem_shared>>
        %dma_start3A_44 = arith.constant 0 : i32
        %dma_start3A_45 = tpu.memref_slice %arg5[%add3A_35, %dma_start3A_44] : memref<10240x128xf32, #tpu.memory_space<vmem_shared>> -> memref<128x128xf32, #tpu.memory_space<vmem_shared>>
        %dma_start3A_46 = arith.constant 0 : i32
        %dma_start3A_47 = arith.constant 0 : i32
        %dma_start3A_48 = tpu.memref_slice %arg8[%run_scoped3A_36, %dma_start3A_46, %dma_start3A_47] : memref<2x128x128xf32, #tpu.memory_space<vmem>> -> memref<1x128x128xf32, #tpu.memory_space<vmem>>
        %dma_start3A_49 = tpu.memref_squeeze %dma_start3A_48 : memref<1x128x128xf32, #tpu.memory_space<vmem>> -> memref<128x128xf32, #tpu.memory_space<vmem>>
        tpu.enqueue_dma source(%dma_start3A_49 : memref<128x128xf32, #tpu.memory_space<vmem>>) target(%dma_start3A_45 : memref<128x128xf32, #tpu.memory_space<vmem_shared>>) target_semaphore(%run_scoped3A_38 : memref<!tpu.dma_semaphore, #tpu.memory_space<semaphore_mem>>)
        %dma_wait3A = arith.constant 0 : i32
        %dma_wait3A_50 = arith.constant 0 : i32
        %dma_wait3A_51 = tpu.memref_slice %arg8[%run_scoped3A_36, %dma_wait3A, %dma_wait3A_50] : memref<2x128x128xf32, #tpu.memory_space<vmem>> -> memref<1x128x128xf32, #tpu.memory_space<vmem>>
        %dma_wait3A_52 = tpu.memref_squeeze %dma_wait3A_51 : memref<1x128x128xf32, #tpu.memory_space<vmem>> -> memref<128x128xf32, #tpu.memory_space<vmem>>
        %dma_wait3A_53 = arith.constant 0 : i32
        %dma_wait3A_54 = tpu.memref_slice %arg5[%add3A_35, %dma_wait3A_53] : memref<10240x128xf32, #tpu.memory_space<vmem_shared>> -> memref<128x128xf32, #tpu.memory_space<vmem_shared>>
        %dma_wait3A_55 = arith.constant 0 : i32
        %dma_wait3A_56 = tpu.memref_slice %arg5[%add3A_35, %dma_wait3A_55] : memref<10240x128xf32, #tpu.memory_space<vmem_shared>> -> memref<128x128xf32, #tpu.memory_space<vmem_shared>>
        %dma_wait3A_57 = arith.constant 0 : i32
        %dma_wait3A_58 = arith.constant 0 : i32
        %dma_wait3A_59 = tpu.memref_slice %arg8[%run_scoped3A_36, %dma_wait3A_57, %dma_wait3A_58] : memref<2x128x128xf32, #tpu.memory_space<vmem>> -> memref<1x128x128xf32, #tpu.memory_space<vmem>>
        %dma_wait3A_60 = tpu.memref_squeeze %dma_wait3A_59 : memref<1x128x128xf32, #tpu.memory_space<vmem>> -> memref<128x128xf32, #tpu.memory_space<vmem>>
        tpu.wait_dma2 semaphore(%run_scoped3A_38 : memref<!tpu.dma_semaphore, #tpu.memory_space<semaphore_mem>>) src(%dma_wait3A_60 : memref<128x128xf32, #tpu.memory_space<vmem>>) dst(%dma_wait3A_56 : memref<128x128xf32, #tpu.memory_space<vmem_shared>>)
        tpu.yield
      }) : () -> ()
      %scan3A_37 = arith.constant 0 : i32
      scf.yield %scan3A_37 : i32
    }
    %scan3A_17 = arith.constant 5 : i32
    %run_scoped3A = arith.constant 1 : i32
    "tpu.region"() ({
      %run_scoped3A_31 = tpu.sem_alloc : memref<!tpu.dma_semaphore, #tpu.memory_space<semaphore_mem>>
      %dma_start3A = arith.constant 0 : i32
      %dma_start3A_32 = arith.constant 0 : i32
      %dma_start3A_33 = tpu.memref_slice %arg3[%run_scoped3A, %add3A, %dma_start3A, %dma_start3A_32] : memref<2x32x80x128xi32, #tpu.memory_space<hbm>> -> memref<1x1x80x128xi32, #tpu.memory_space<hbm>>
      %dma_start3A_34 = tpu.memref_squeeze %dma_start3A_33 : memref<1x1x80x128xi32, #tpu.memory_space<hbm>> -> memref<80x128xi32, #tpu.memory_space<hbm>>
      %dma_start3A_35 = arith.constant 0 : i32
      %dma_start3A_36 = arith.constant 0 : i32
      %dma_start3A_37 = tpu.memref_slice %arg3[%run_scoped3A, %add3A, %dma_start3A_35, %dma_start3A_36] : memref<2x32x80x128xi32, #tpu.memory_space<hbm>> -> memref<1x1x80x128xi32, #tpu.memory_space<hbm>>
      %dma_start3A_38 = tpu.memref_squeeze %dma_start3A_37 : memref<1x1x80x128xi32, #tpu.memory_space<hbm>> -> memref<80x128xi32, #tpu.memory_space<hbm>>
      tpu.enqueue_dma source(%dma_start3A_38 : memref<80x128xi32, #tpu.memory_space<hbm>>) target(%arg7 : memref<80x128xi32, #tpu.memory_space<vmem>>) target_semaphore(%run_scoped3A_31 : memref<!tpu.dma_semaphore, #tpu.memory_space<semaphore_mem>>)
      %dma_wait3A = arith.constant 0 : i32
      %dma_wait3A_39 = arith.constant 0 : i32
      %dma_wait3A_40 = tpu.memref_slice %arg3[%run_scoped3A, %add3A, %dma_wait3A, %dma_wait3A_39] : memref<2x32x80x128xi32, #tpu.memory_space<hbm>> -> memref<1x1x80x128xi32, #tpu.memory_space<hbm>>
      %dma_wait3A_41 = tpu.memref_squeeze %dma_wait3A_40 : memref<1x1x80x128xi32, #tpu.memory_space<hbm>> -> memref<80x128xi32, #tpu.memory_space<hbm>>
      %dma_wait3A_42 = arith.constant 0 : i32
      %dma_wait3A_43 = arith.constant 0 : i32
      %dma_wait3A_44 = tpu.memref_slice %arg3[%run_scoped3A, %add3A, %dma_wait3A_42, %dma_wait3A_43] : memref<2x32x80x128xi32, #tpu.memory_space<hbm>> -> memref<1x1x80x128xi32, #tpu.memory_space<hbm>>
      %dma_wait3A_45 = tpu.memref_squeeze %dma_wait3A_44 : memref<1x1x80x128xi32, #tpu.memory_space<hbm>> -> memref<80x128xi32, #tpu.memory_space<hbm>>
      tpu.wait_dma2 semaphore(%run_scoped3A_31 : memref<!tpu.dma_semaphore, #tpu.memory_space<semaphore_mem>>) src(%dma_wait3A_45 : memref<80x128xi32, #tpu.memory_space<hbm>>) dst(%arg7 : memref<80x128xi32, #tpu.memory_space<vmem>>)
      tpu.yield
    }) : () -> ()
    %barrier3A = arith.constant 0 : index
    tpu.barrier barrier_id(%barrier3A)
    %scan3A_18 = arith.constant 0 : i32
    %scan3A_19 = arith.constant 2 : i32
    %scan3A_20 = arith.addi %scan3A_18, %scan3A_19 : i32
    %scan3A_21 = arith.constant 1 : i32
    scf.for %scan3A_31 = %scan3A_18 to %scan3A_20 step %scan3A_21  : i32 {
      %mul3A_32 = arith.constant 1 : i32
      %mul3A_33 = arith.muli %scan3A_31, %mul3A_32 : i32
      %add3A_34 = arith.constant 0 : i32
      %add3A_35 = arith.addi %add3A_34, %mul3A_33 : i32
      %mul3A_36 = arith.constant 40 : i32
      %mul3A_37 = arith.muli %add3A_35, %mul3A_36 : i32
      %run_scoped3A_38 = arith.constant 0 : i32
      "tpu.region"() ({
        %run_scoped3A_113 = tpu.sem_alloc : memref<!tpu.dma_semaphore, #tpu.memory_space<semaphore_mem>>
        %dma_start3A_114 = arith.constant 0 : i32
        %dma_start3A_115 = tpu.memref_slice %arg3[%run_scoped3A_38, %add3A, %mul3A_37, %dma_start3A_114] : memref<2x32x80x128xi32, #tpu.memory_space<hbm>> -> memref<1x1x40x128xi32, #tpu.memory_space<hbm>>
        %dma_start3A_116 = tpu.memref_squeeze %dma_start3A_115 : memref<1x1x40x128xi32, #tpu.memory_space<hbm>> -> memref<40x128xi32, #tpu.memory_space<hbm>>
        %dma_start3A_117 = arith.constant 0 : i32
        %dma_start3A_118 = tpu.memref_slice %arg3[%run_scoped3A_38, %add3A, %mul3A_37, %dma_start3A_117] : memref<2x32x80x128xi32, #tpu.memory_space<hbm>> -> memref<1x1x40x128xi32, #tpu.memory_space<hbm>>
        %dma_start3A_119 = tpu.memref_squeeze %dma_start3A_118 : memref<1x1x40x128xi32, #tpu.memory_space<hbm>> -> memref<40x128xi32, #tpu.memory_space<hbm>>
        tpu.enqueue_dma source(%dma_start3A_119 : memref<40x128xi32, #tpu.memory_space<hbm>>) target(%arg6 : memref<40x128xi32, #tpu.memory_space<vmem>>) target_semaphore(%run_scoped3A_113 : memref<!tpu.dma_semaphore, #tpu.memory_space<semaphore_mem>>)
        %dma_wait3A_120 = arith.constant 0 : i32
        %dma_wait3A_121 = tpu.memref_slice %arg3[%run_scoped3A_38, %add3A, %mul3A_37, %dma_wait3A_120] : memref<2x32x80x128xi32, #tpu.memory_space<hbm>> -> memref<1x1x40x128xi32, #tpu.memory_space<hbm>>
        %dma_wait3A_122 = tpu.memref_squeeze %dma_wait3A_121 : memref<1x1x40x128xi32, #tpu.memory_space<hbm>> -> memref<40x128xi32, #tpu.memory_space<hbm>>
        %dma_wait3A_123 = arith.constant 0 : i32
        %dma_wait3A_124 = tpu.memref_slice %arg3[%run_scoped3A_38, %add3A, %mul3A_37, %dma_wait3A_123] : memref<2x32x80x128xi32, #tpu.memory_space<hbm>> -> memref<1x1x40x128xi32, #tpu.memory_space<hbm>>
        %dma_wait3A_125 = tpu.memref_squeeze %dma_wait3A_124 : memref<1x1x40x128xi32, #tpu.memory_space<hbm>> -> memref<40x128xi32, #tpu.memory_space<hbm>>
        tpu.wait_dma2 semaphore(%run_scoped3A_113 : memref<!tpu.dma_semaphore, #tpu.memory_space<semaphore_mem>>) src(%dma_wait3A_125 : memref<40x128xi32, #tpu.memory_space<hbm>>) dst(%arg6 : memref<40x128xi32, #tpu.memory_space<vmem>>)
        tpu.yield
      }) : () -> ()
      %dma_start3A = arith.constant 0 : i32
      %dma_start3A_39 = arith.constant 0 : i32
      %dma_start3A_40 = arith.constant 0 : i32
      %dma_start3A_41 = arith.constant 0 : i32
      %dma_start3A_42 = tpu.memref_slice %arg8[%dma_start3A_39, %dma_start3A_40, %dma_start3A_41] : memref<2x128x128xf32, #tpu.memory_space<vmem>> -> memref<1x128x128xf32, #tpu.memory_space<vmem>>
      %dma_start3A_43 = tpu.memref_squeeze %dma_start3A_42 : memref<1x128x128xf32, #tpu.memory_space<vmem>> -> memref<128x128xf32, #tpu.memory_space<vmem>>
      %dma_start3A_44 = arith.constant 0 : i32
      %dma_start3A_45 = tpu.memref_slice %arg6[%dma_start3A, %dma_start3A_44] : memref<40x128xi32, #tpu.memory_space<vmem>> -> memref<1x128xi32, #tpu.memory_space<vmem>>
      %dma_start3A_46 = tpu.memref_squeeze %dma_start3A_45 : memref<1x128xi32, #tpu.memory_space<vmem>> -> memref<128xi32, #tpu.memory_space<vmem>>
      %dma_start3A_47 = arith.constant 0 : i32
      %dma_start3A_48 = arith.constant 0 : i32
      %dma_start3A_49 = tpu.memref_slice %arg2[%dma_start3A_47, %dma_start3A_48] : memref<20000x128xf32, #tpu.memory_space<hbm>> -> memref<20000x128xf32, #tpu.memory_space<hbm>>
      tpu.enqueue_indirect_dma source(%dma_start3A_49 : memref<20000x128xf32, #tpu.memory_space<hbm>>) target(%dma_start3A_43 : memref<128x128xf32, #tpu.memory_space<vmem>>) offsets(%dma_start3A_46 : memref<128xi32, #tpu.memory_space<vmem>>) semaphore(%arg9 : memref<!tpu.dma_semaphore, #tpu.memory_space<semaphore_mem>>)
      %dma_start3A_50 = arith.constant 1 : i32
      %dma_start3A_51 = arith.constant 1 : i32
      %dma_start3A_52 = arith.constant 0 : i32
      %dma_start3A_53 = arith.constant 0 : i32
      %dma_start3A_54 = tpu.memref_slice %arg8[%dma_start3A_51, %dma_start3A_52, %dma_start3A_53] : memref<2x128x128xf32, #tpu.memory_space<vmem>> -> memref<1x128x128xf32, #tpu.memory_space<vmem>>
      %dma_start3A_55 = tpu.memref_squeeze %dma_start3A_54 : memref<1x128x128xf32, #tpu.memory_space<vmem>> -> memref<128x128xf32, #tpu.memory_space<vmem>>
      %dma_start3A_56 = arith.constant 0 : i32
      %dma_start3A_57 = tpu.memref_slice %arg6[%dma_start3A_50, %dma_start3A_56] : memref<40x128xi32, #tpu.memory_space<vmem>> -> memref<1x128xi32, #tpu.memory_space<vmem>>
      %dma_start3A_58 = tpu.memref_squeeze %dma_start3A_57 : memref<1x128xi32, #tpu.memory_space<vmem>> -> memref<128xi32, #tpu.memory_space<vmem>>
      %dma_start3A_59 = arith.constant 0 : i32
      %dma_start3A_60 = arith.constant 0 : i32
      %dma_start3A_61 = tpu.memref_slice %arg2[%dma_start3A_59, %dma_start3A_60] : memref<20000x128xf32, #tpu.memory_space<hbm>> -> memref<20000x128xf32, #tpu.memory_space<hbm>>
      tpu.enqueue_indirect_dma source(%dma_start3A_61 : memref<20000x128xf32, #tpu.memory_space<hbm>>) target(%dma_start3A_55 : memref<128x128xf32, #tpu.memory_space<vmem>>) offsets(%dma_start3A_58 : memref<128xi32, #tpu.memory_space<vmem>>) semaphore(%arg10 : memref<!tpu.dma_semaphore, #tpu.memory_space<semaphore_mem>>)
      %scan3A_62 = arith.constant 0 : i32
      %scan3A_63 = arith.constant 19 : i32
      %scan3A_64 = arith.addi %scan3A_62, %scan3A_63 : i32
      %scan3A_65 = arith.constant 1 : i32
      scf.for %scan3A_113 = %scan3A_62 to %scan3A_64 step %scan3A_65  : i32 {
        %mul3A_114 = arith.constant 2 : i32
        %mul3A_115 = arith.muli %scan3A_113, %mul3A_114 : i32
        %add3A_116 = arith.constant 0 : i32
        %add3A_117 = arith.addi %add3A_116, %mul3A_115 : i32
        %add3A_118 = arith.constant 0 : i32
        %add3A_119 = arith.addi %add3A_117, %add3A_118 : i32
        %dma_wait3A_120 = arith.constant 0 : i32
        %dma_wait3A_121 = arith.constant 0 : i32
        %dma_wait3A_122 = arith.constant 0 : i32
        %dma_wait3A_123 = tpu.memref_slice %arg8[%dma_wait3A_120, %dma_wait3A_121, %dma_wait3A_122] : memref<2x128x128xf32, #tpu.memory_space<vmem>> -> memref<1x128x128xf32, #tpu.memory_space<vmem>>
        %dma_wait3A_124 = tpu.memref_squeeze %dma_wait3A_123 : memref<1x128x128xf32, #tpu.memory_space<vmem>> -> memref<128x128xf32, #tpu.memory_space<vmem>>
        %dma_wait3A_125 = arith.constant 0 : i32
        %dma_wait3A_126 = arith.constant 0 : i32
        %dma_wait3A_127 = tpu.memref_slice %arg2[%dma_wait3A_125, %dma_wait3A_126] : memref<20000x128xf32, #tpu.memory_space<hbm>> -> memref<128x128xf32, #tpu.memory_space<hbm>>
        %dma_wait3A_128 = arith.constant 0 : i32
        %dma_wait3A_129 = arith.constant 0 : i32
        %dma_wait3A_130 = tpu.memref_slice %arg8[%dma_wait3A_120, %dma_wait3A_128, %dma_wait3A_129] : memref<2x128x128xf32, #tpu.memory_space<vmem>> -> memref<1x128x128xf32, #tpu.memory_space<vmem>>
        %dma_wait3A_131 = tpu.memref_squeeze %dma_wait3A_130 : memref<1x128x128xf32, #tpu.memory_space<vmem>> -> memref<128x128xf32, #tpu.memory_space<vmem>>
        %dma_wait3A_132 = arith.constant 0 : i32
        %dma_wait3A_133 = arith.constant 0 : i32
        %dma_wait3A_134 = tpu.memref_slice %arg2[%dma_wait3A_132, %dma_wait3A_133] : memref<20000x128xf32, #tpu.memory_space<hbm>> -> memref<128x128xf32, #tpu.memory_space<hbm>>
        tpu.wait_dma2 semaphore(%arg9 : memref<!tpu.dma_semaphore, #tpu.memory_space<semaphore_mem>>) src(%dma_wait3A_134 : memref<128x128xf32, #tpu.memory_space<hbm>>) dst(%dma_wait3A_131 : memref<128x128xf32, #tpu.memory_space<vmem>>)
        %mul3A_135 = arith.constant 40 : i32
        %mul3A_136 = arith.muli %add3A_35, %mul3A_135 : i32
        %add3A_137 = arith.addi %mul3A_136, %add3A_119 : i32
        %run_scoped3A_138 = arith.constant 0 : i32
        "tpu.region"() ({
          %run_scoped3A_186 = tpu.sem_alloc : memref<!tpu.dma_semaphore, #tpu.memory_space<semaphore_mem>>
          %dma_start3A_187 = arith.constant 0 : i32
          %dma_start3A_188 = arith.constant 0 : i32
          %dma_start3A_189 = tpu.memref_slice %arg8[%run_scoped3A_138, %dma_start3A_187, %dma_start3A_188] : memref<2x128x128xf32, #tpu.memory_space<vmem>> -> memref<1x128x128xf32, #tpu.memory_space<vmem>>
          %dma_start3A_190 = tpu.memref_squeeze %dma_start3A_189 : memref<1x128x128xf32, #tpu.memory_space<vmem>> -> memref<128x128xf32, #tpu.memory_space<vmem>>
          %dma_start3A_191 = arith.constant 0 : i32
          %dma_start3A_192 = tpu.memref_slice %arg7[%add3A_137, %dma_start3A_191] : memref<80x128xi32, #tpu.memory_space<vmem>> -> memref<1x128xi32, #tpu.memory_space<vmem>>
          %dma_start3A_193 = tpu.memref_squeeze %dma_start3A_192 : memref<1x128xi32, #tpu.memory_space<vmem>> -> memref<128xi32, #tpu.memory_space<vmem>>
          %dma_start3A_194 = arith.constant 0 : i32
          %dma_start3A_195 = arith.constant 0 : i32
          %dma_start3A_196 = tpu.memref_slice %arg5[%dma_start3A_194, %dma_start3A_195] : memref<10240x128xf32, #tpu.memory_space<vmem_shared>> -> memref<10240x128xf32, #tpu.memory_space<vmem_shared>>
          tpu.enqueue_indirect_dma source(%dma_start3A_190 : memref<128x128xf32, #tpu.memory_space<vmem>>) target(%dma_start3A_196 : memref<10240x128xf32, #tpu.memory_space<vmem_shared>>) offsets(%dma_start3A_193 : memref<128xi32, #tpu.memory_space<vmem>>) semaphore(%run_scoped3A_186 : memref<!tpu.dma_semaphore, #tpu.memory_space<semaphore_mem>>) {add = true}
          %dma_wait3A_197 = arith.constant 0 : i32
          %dma_wait3A_198 = arith.constant 0 : i32
          %dma_wait3A_199 = tpu.memref_slice %arg8[%run_scoped3A_138, %dma_wait3A_197, %dma_wait3A_198] : memref<2x128x128xf32, #tpu.memory_space<vmem>> -> memref<1x128x128xf32, #tpu.memory_space<vmem>>
          %dma_wait3A_200 = tpu.memref_squeeze %dma_wait3A_199 : memref<1x128x128xf32, #tpu.memory_space<vmem>> -> memref<128x128xf32, #tpu.memory_space<vmem>>
          %dma_wait3A_201 = arith.constant 0 : i32
          %dma_wait3A_202 = tpu.memref_slice %arg7[%add3A_137, %dma_wait3A_201] : memref<80x128xi32, #tpu.memory_space<vmem>> -> memref<1x128xi32, #tpu.memory_space<vmem>>
          %dma_wait3A_203 = tpu.memref_squeeze %dma_wait3A_202 : memref<1x128xi32, #tpu.memory_space<vmem>> -> memref<128xi32, #tpu.memory_space<vmem>>
          %dma_wait3A_204 = arith.constant 0 : i32
          %dma_wait3A_205 = arith.constant 0 : i32
          %dma_wait3A_206 = tpu.memref_slice %arg5[%dma_wait3A_204, %dma_wait3A_205] : memref<10240x128xf32, #tpu.memory_space<vmem_shared>> -> memref<10240x128xf32, #tpu.memory_space<vmem_shared>>
          tpu.wait_indirect_dma semaphore(%run_scoped3A_186 : memref<!tpu.dma_semaphore, #tpu.memory_space<semaphore_mem>>) src(%dma_wait3A_200 : memref<128x128xf32, #tpu.memory_space<vmem>>) dst(%dma_wait3A_206 : memref<10240x128xf32, #tpu.memory_space<vmem_shared>>)
          tpu.yield
        }) : () -> ()
        %add3A_139 = arith.constant 2 : i32
        %add3A_140 = arith.addi %add3A_119, %add3A_139 : i32
        %dma_start3A_141 = arith.constant 0 : i32
        %dma_start3A_142 = arith.constant 0 : i32
        %dma_start3A_143 = arith.constant 0 : i32
        %dma_start3A_144 = tpu.memref_slice %arg8[%dma_start3A_141, %dma_start3A_142, %dma_start3A_143] : memref<2x128x128xf32, #tpu.memory_space<vmem>> -> memref<1x128x128xf32, #tpu.memory_space<vmem>>
        %dma_start3A_145 = tpu.memref_squeeze %dma_start3A_144 : memref<1x128x128xf32, #tpu.memory_space<vmem>> -> memref<128x128xf32, #tpu.memory_space<vmem>>
        %dma_start3A_146 = arith.constant 0 : i32
        %dma_start3A_147 = tpu.memref_slice %arg6[%add3A_140, %dma_start3A_146] : memref<40x128xi32, #tpu.memory_space<vmem>> -> memref<1x128xi32, #tpu.memory_space<vmem>>
        %dma_start3A_148 = tpu.memref_squeeze %dma_start3A_147 : memref<1x128xi32, #tpu.memory_space<vmem>> -> memref<128xi32, #tpu.memory_space<vmem>>
        %dma_start3A_149 = arith.constant 0 : i32
        %dma_start3A_150 = arith.constant 0 : i32
        %dma_start3A_151 = tpu.memref_slice %arg2[%dma_start3A_149, %dma_start3A_150] : memref<20000x128xf32, #tpu.memory_space<hbm>> -> memref<20000x128xf32, #tpu.memory_space<hbm>>
        tpu.enqueue_indirect_dma source(%dma_start3A_151 : memref<20000x128xf32, #tpu.memory_space<hbm>>) target(%dma_start3A_145 : memref<128x128xf32, #tpu.memory_space<vmem>>) offsets(%dma_start3A_148 : memref<128xi32, #tpu.memory_space<vmem>>) semaphore(%arg9 : memref<!tpu.dma_semaphore, #tpu.memory_space<semaphore_mem>>)
        %add3A_152 = arith.constant 1 : i32
        %add3A_153 = arith.addi %add3A_117, %add3A_152 : i32
        %dma_wait3A_154 = arith.constant 1 : i32
        %dma_wait3A_155 = arith.constant 0 : i32
        %dma_wait3A_156 = arith.constant 0 : i32
        %dma_wait3A_157 = tpu.memref_slice %arg8[%dma_wait3A_154, %dma_wait3A_155, %dma_wait3A_156] : memref<2x128x128xf32, #tpu.memory_space<vmem>> -> memref<1x128x128xf32, #tpu.memory_space<vmem>>
        %dma_wait3A_158 = tpu.memref_squeeze %dma_wait3A_157 : memref<1x128x128xf32, #tpu.memory_space<vmem>> -> memref<128x128xf32, #tpu.memory_space<vmem>>
        %dma_wait3A_159 = arith.constant 0 : i32
        %dma_wait3A_160 = arith.constant 0 : i32
        %dma_wait3A_161 = tpu.memref_slice %arg2[%dma_wait3A_159, %dma_wait3A_160] : memref<20000x128xf32, #tpu.memory_space<hbm>> -> memref<128x128xf32, #tpu.memory_space<hbm>>
        %dma_wait3A_162 = arith.constant 0 : i32
        %dma_wait3A_163 = arith.constant 0 : i32
        %dma_wait3A_164 = tpu.memref_slice %arg8[%dma_wait3A_154, %dma_wait3A_162, %dma_wait3A_163] : memref<2x128x128xf32, #tpu.memory_space<vmem>> -> memref<1x128x128xf32, #tpu.memory_space<vmem>>
        %dma_wait3A_165 = tpu.memref_squeeze %dma_wait3A_164 : memref<1x128x128xf32, #tpu.memory_space<vmem>> -> memref<128x128xf32, #tpu.memory_space<vmem>>
        %dma_wait3A_166 = arith.constant 0 : i32
        %dma_wait3A_167 = arith.constant 0 : i32
        %dma_wait3A_168 = tpu.memref_slice %arg2[%dma_wait3A_166, %dma_wait3A_167] : memref<20000x128xf32, #tpu.memory_space<hbm>> -> memref<128x128xf32, #tpu.memory_space<hbm>>
        tpu.wait_dma2 semaphore(%arg10 : memref<!tpu.dma_semaphore, #tpu.memory_space<semaphore_mem>>) src(%dma_wait3A_168 : memref<128x128xf32, #tpu.memory_space<hbm>>) dst(%dma_wait3A_165 : memref<128x128xf32, #tpu.memory_space<vmem>>)
        %mul3A_169 = arith.constant 40 : i32
        %mul3A_170 = arith.muli %add3A_35, %mul3A_169 : i32
        %add3A_171 = arith.addi %mul3A_170, %add3A_153 : i32
        %run_scoped3A_172 = arith.constant 1 : i32
        "tpu.region"() ({
          %run_scoped3A_186 = tpu.sem_alloc : memref<!tpu.dma_semaphore, #tpu.memory_space<semaphore_mem>>
          %dma_start3A_187 = arith.constant 0 : i32
          %dma_start3A_188 = arith.constant 0 : i32
          %dma_start3A_189 = tpu.memref_slice %arg8[%run_scoped3A_172, %dma_start3A_187, %dma_start3A_188] : memref<2x128x128xf32, #tpu.memory_space<vmem>> -> memref<1x128x128xf32, #tpu.memory_space<vmem>>
          %dma_start3A_190 = tpu.memref_squeeze %dma_start3A_189 : memref<1x128x128xf32, #tpu.memory_space<vmem>> -> memref<128x128xf32, #tpu.memory_space<vmem>>
          %dma_start3A_191 = arith.constant 0 : i32
          %dma_start3A_192 = tpu.memref_slice %arg7[%add3A_171, %dma_start3A_191] : memref<80x128xi32, #tpu.memory_space<vmem>> -> memref<1x128xi32, #tpu.memory_space<vmem>>
          %dma_start3A_193 = tpu.memref_squeeze %dma_start3A_192 : memref<1x128xi32, #tpu.memory_space<vmem>> -> memref<128xi32, #tpu.memory_space<vmem>>
          %dma_start3A_194 = arith.constant 0 : i32
          %dma_start3A_195 = arith.constant 0 : i32
          %dma_start3A_196 = tpu.memref_slice %arg5[%dma_start3A_194, %dma_start3A_195] : memref<10240x128xf32, #tpu.memory_space<vmem_shared>> -> memref<10240x128xf32, #tpu.memory_space<vmem_shared>>
          tpu.enqueue_indirect_dma source(%dma_start3A_190 : memref<128x128xf32, #tpu.memory_space<vmem>>) target(%dma_start3A_196 : memref<10240x128xf32, #tpu.memory_space<vmem_shared>>) offsets(%dma_start3A_193 : memref<128xi32, #tpu.memory_space<vmem>>) semaphore(%run_scoped3A_186 : memref<!tpu.dma_semaphore, #tpu.memory_space<semaphore_mem>>) {add = true}
          %dma_wait3A_197 = arith.constant 0 : i32
          %dma_wait3A_198 = arith.constant 0 : i32
          %dma_wait3A_199 = tpu.memref_slice %arg8[%run_scoped3A_172, %dma_wait3A_197, %dma_wait3A_198] : memref<2x128x128xf32, #tpu.memory_space<vmem>> -> memref<1x128x128xf32, #tpu.memory_space<vmem>>
          %dma_wait3A_200 = tpu.memref_squeeze %dma_wait3A_199 : memref<1x128x128xf32, #tpu.memory_space<vmem>> -> memref<128x128xf32, #tpu.memory_space<vmem>>
          %dma_wait3A_201 = arith.constant 0 : i32
          %dma_wait3A_202 = tpu.memref_slice %arg7[%add3A_171, %dma_wait3A_201] : memref<80x128xi32, #tpu.memory_space<vmem>> -> memref<1x128xi32, #tpu.memory_space<vmem>>
          %dma_wait3A_203 = tpu.memref_squeeze %dma_wait3A_202 : memref<1x128xi32, #tpu.memory_space<vmem>> -> memref<128xi32, #tpu.memory_space<vmem>>
          %dma_wait3A_204 = arith.constant 0 : i32
          %dma_wait3A_205 = arith.constant 0 : i32
          %dma_wait3A_206 = tpu.memref_slice %arg5[%dma_wait3A_204, %dma_wait3A_205] : memref<10240x128xf32, #tpu.memory_space<vmem_shared>> -> memref<10240x128xf32, #tpu.memory_space<vmem_shared>>
          tpu.wait_indirect_dma semaphore(%run_scoped3A_186 : memref<!tpu.dma_semaphore, #tpu.memory_space<semaphore_mem>>) src(%dma_wait3A_200 : memref<128x128xf32, #tpu.memory_space<vmem>>) dst(%dma_wait3A_206 : memref<10240x128xf32, #tpu.memory_space<vmem_shared>>)
          tpu.yield
        }) : () -> ()
        %add3A_173 = arith.constant 2 : i32
        %add3A_174 = arith.addi %add3A_153, %add3A_173 : i32
        %dma_start3A_175 = arith.constant 1 : i32
        %dma_start3A_176 = arith.constant 0 : i32
        %dma_start3A_177 = arith.constant 0 : i32
        %dma_start3A_178 = tpu.memref_slice %arg8[%dma_start3A_175, %dma_start3A_176, %dma_start3A_177] : memref<2x128x128xf32, #tpu.memory_space<vmem>> -> memref<1x128x128xf32, #tpu.memory_space<vmem>>
        %dma_start3A_179 = tpu.memref_squeeze %dma_start3A_178 : memref<1x128x128xf32, #tpu.memory_space<vmem>> -> memref<128x128xf32, #tpu.memory_space<vmem>>
        %dma_start3A_180 = arith.constant 0 : i32
        %dma_start3A_181 = tpu.memref_slice %arg6[%add3A_174, %dma_start3A_180] : memref<40x128xi32, #tpu.memory_space<vmem>> -> memref<1x128xi32, #tpu.memory_space<vmem>>
        %dma_start3A_182 = tpu.memref_squeeze %dma_start3A_181 : memref<1x128xi32, #tpu.memory_space<vmem>> -> memref<128xi32, #tpu.memory_space<vmem>>
        %dma_start3A_183 = arith.constant 0 : i32
        %dma_start3A_184 = arith.constant 0 : i32
        %dma_start3A_185 = tpu.memref_slice %arg2[%dma_start3A_183, %dma_start3A_184] : memref<20000x128xf32, #tpu.memory_space<hbm>> -> memref<20000x128xf32, #tpu.memory_space<hbm>>
        tpu.enqueue_indirect_dma source(%dma_start3A_185 : memref<20000x128xf32, #tpu.memory_space<hbm>>) target(%dma_start3A_179 : memref<128x128xf32, #tpu.memory_space<vmem>>) offsets(%dma_start3A_182 : memref<128xi32, #tpu.memory_space<vmem>>) semaphore(%arg10 : memref<!tpu.dma_semaphore, #tpu.memory_space<semaphore_mem>>)
      }
      %scan3A_66 = arith.constant 19 : i32
      %dma_wait3A = arith.constant 0 : i32
      %dma_wait3A_67 = arith.constant 0 : i32
      %dma_wait3A_68 = arith.constant 0 : i32
      %dma_wait3A_69 = tpu.memref_slice %arg8[%dma_wait3A, %dma_wait3A_67, %dma_wait3A_68] : memref<2x128x128xf32, #tpu.memory_space<vmem>> -> memref<1x128x128xf32, #tpu.memory_space<vmem>>
      %dma_wait3A_70 = tpu.memref_squeeze %dma_wait3A_69 : memref<1x128x128xf32, #tpu.memory_space<vmem>> -> memref<128x128xf32, #tpu.memory_space<vmem>>
      %dma_wait3A_71 = arith.constant 0 : i32
      %dma_wait3A_72 = arith.constant 0 : i32
      %dma_wait3A_73 = tpu.memref_slice %arg2[%dma_wait3A_71, %dma_wait3A_72] : memref<20000x128xf32, #tpu.memory_space<hbm>> -> memref<128x128xf32, #tpu.memory_space<hbm>>
      %dma_wait3A_74 = arith.constant 0 : i32
      %dma_wait3A_75 = arith.constant 0 : i32
      %dma_wait3A_76 = tpu.memref_slice %arg8[%dma_wait3A, %dma_wait3A_74, %dma_wait3A_75] : memref<2x128x128xf32, #tpu.memory_space<vmem>> -> memref<1x128x128xf32, #tpu.memory_space<vmem>>
      %dma_wait3A_77 = tpu.memref_squeeze %dma_wait3A_76 : memref<1x128x128xf32, #tpu.memory_space<vmem>> -> memref<128x128xf32, #tpu.memory_space<vmem>>
      %dma_wait3A_78 = arith.constant 0 : i32
      %dma_wait3A_79 = arith.constant 0 : i32
      %dma_wait3A_80 = tpu.memref_slice %arg2[%dma_wait3A_78, %dma_wait3A_79] : memref<20000x128xf32, #tpu.memory_space<hbm>> -> memref<128x128xf32, #tpu.memory_space<hbm>>
      tpu.wait_dma2 semaphore(%arg9 : memref<!tpu.dma_semaphore, #tpu.memory_space<semaphore_mem>>) src(%dma_wait3A_80 : memref<128x128xf32, #tpu.memory_space<hbm>>) dst(%dma_wait3A_77 : memref<128x128xf32, #tpu.memory_space<vmem>>)
      %mul3A_81 = arith.constant 40 : i32
      %mul3A_82 = arith.muli %add3A_35, %mul3A_81 : i32
      %add3A_83 = arith.constant 40 : i32
      %add3A_84 = arith.addi %mul3A_82, %add3A_83 : i32
      %sub3A = arith.constant 2 : i32
      %sub3A_85 = arith.subi %add3A_84, %sub3A : i32
      %add3A_86 = arith.constant 0 : i32
      %add3A_87 = arith.addi %sub3A_85, %add3A_86 : i32
      %run_scoped3A_88 = arith.constant 0 : i32
      "tpu.region"() ({
        %run_scoped3A_113 = tpu.sem_alloc : memref<!tpu.dma_semaphore, #tpu.memory_space<semaphore_mem>>
        %dma_start3A_114 = arith.constant 0 : i32
        %dma_start3A_115 = arith.constant 0 : i32
        %dma_start3A_116 = tpu.memref_slice %arg8[%run_scoped3A_88, %dma_start3A_114, %dma_start3A_115] : memref<2x128x128xf32, #tpu.memory_space<vmem>> -> memref<1x128x128xf32, #tpu.memory_space<vmem>>
        %dma_start3A_117 = tpu.memref_squeeze %dma_start3A_116 : memref<1x128x128xf32, #tpu.memory_space<vmem>> -> memref<128x128xf32, #tpu.memory_space<vmem>>
        %dma_start3A_118 = arith.constant 0 : i32
        %dma_start3A_119 = tpu.memref_slice %arg7[%add3A_87, %dma_start3A_118] : memref<80x128xi32, #tpu.memory_space<vmem>> -> memref<1x128xi32, #tpu.memory_space<vmem>>
        %dma_start3A_120 = tpu.memref_squeeze %dma_start3A_119 : memref<1x128xi32, #tpu.memory_space<vmem>> -> memref<128xi32, #tpu.memory_space<vmem>>
        %dma_start3A_121 = arith.constant 0 : i32
        %dma_start3A_122 = arith.constant 0 : i32
        %dma_start3A_123 = tpu.memref_slice %arg5[%dma_start3A_121, %dma_start3A_122] : memref<10240x128xf32, #tpu.memory_space<vmem_shared>> -> memref<10240x128xf32, #tpu.memory_space<vmem_shared>>
        tpu.enqueue_indirect_dma source(%dma_start3A_117 : memref<128x128xf32, #tpu.memory_space<vmem>>) target(%dma_start3A_123 : memref<10240x128xf32, #tpu.memory_space<vmem_shared>>) offsets(%dma_start3A_120 : memref<128xi32, #tpu.memory_space<vmem>>) semaphore(%run_scoped3A_113 : memref<!tpu.dma_semaphore, #tpu.memory_space<semaphore_mem>>) {add = true}
        %dma_wait3A_124 = arith.constant 0 : i32
        %dma_wait3A_125 = arith.constant 0 : i32
        %dma_wait3A_126 = tpu.memref_slice %arg8[%run_scoped3A_88, %dma_wait3A_124, %dma_wait3A_125] : memref<2x128x128xf32, #tpu.memory_space<vmem>> -> memref<1x128x128xf32, #tpu.memory_space<vmem>>
        %dma_wait3A_127 = tpu.memref_squeeze %dma_wait3A_126 : memref<1x128x128xf32, #tpu.memory_space<vmem>> -> memref<128x128xf32, #tpu.memory_space<vmem>>
        %dma_wait3A_128 = arith.constant 0 : i32
        %dma_wait3A_129 = tpu.memref_slice %arg7[%add3A_87, %dma_wait3A_128] : memref<80x128xi32, #tpu.memory_space<vmem>> -> memref<1x128xi32, #tpu.memory_space<vmem>>
        %dma_wait3A_130 = tpu.memref_squeeze %dma_wait3A_129 : memref<1x128xi32, #tpu.memory_space<vmem>> -> memref<128xi32, #tpu.memory_space<vmem>>
        %dma_wait3A_131 = arith.constant 0 : i32
        %dma_wait3A_132 = arith.constant 0 : i32
        %dma_wait3A_133 = tpu.memref_slice %arg5[%dma_wait3A_131, %dma_wait3A_132] : memref<10240x128xf32, #tpu.memory_space<vmem_shared>> -> memref<10240x128xf32, #tpu.memory_space<vmem_shared>>
        tpu.wait_indirect_dma semaphore(%run_scoped3A_113 : memref<!tpu.dma_semaphore, #tpu.memory_space<semaphore_mem>>) src(%dma_wait3A_127 : memref<128x128xf32, #tpu.memory_space<vmem>>) dst(%dma_wait3A_133 : memref<10240x128xf32, #tpu.memory_space<vmem_shared>>)
        tpu.yield
      }) : () -> ()
      %dma_wait3A_89 = arith.constant 1 : i32
      %dma_wait3A_90 = arith.constant 0 : i32
      %dma_wait3A_91 = arith.constant 0 : i32
      %dma_wait3A_92 = tpu.memref_slice %arg8[%dma_wait3A_89, %dma_wait3A_90, %dma_wait3A_91] : memref<2x128x128xf32, #tpu.memory_space<vmem>> -> memref<1x128x128xf32, #tpu.memory_space<vmem>>
      %dma_wait3A_93 = tpu.memref_squeeze %dma_wait3A_92 : memref<1x128x128xf32, #tpu.memory_space<vmem>> -> memref<128x128xf32, #tpu.memory_space<vmem>>
      %dma_wait3A_94 = arith.constant 0 : i32
      %dma_wait3A_95 = arith.constant 0 : i32
      %dma_wait3A_96 = tpu.memref_slice %arg2[%dma_wait3A_94, %dma_wait3A_95] : memref<20000x128xf32, #tpu.memory_space<hbm>> -> memref<128x128xf32, #tpu.memory_space<hbm>>
      %dma_wait3A_97 = arith.constant 0 : i32
      %dma_wait3A_98 = arith.constant 0 : i32
      %dma_wait3A_99 = tpu.memref_slice %arg8[%dma_wait3A_89, %dma_wait3A_97, %dma_wait3A_98] : memref<2x128x128xf32, #tpu.memory_space<vmem>> -> memref<1x128x128xf32, #tpu.memory_space<vmem>>
      %dma_wait3A_100 = tpu.memref_squeeze %dma_wait3A_99 : memref<1x128x128xf32, #tpu.memory_space<vmem>> -> memref<128x128xf32, #tpu.memory_space<vmem>>
      %dma_wait3A_101 = arith.constant 0 : i32
      %dma_wait3A_102 = arith.constant 0 : i32
      %dma_wait3A_103 = tpu.memref_slice %arg2[%dma_wait3A_101, %dma_wait3A_102] : memref<20000x128xf32, #tpu.memory_space<hbm>> -> memref<128x128xf32, #tpu.memory_space<hbm>>
      tpu.wait_dma2 semaphore(%arg10 : memref<!tpu.dma_semaphore, #tpu.memory_space<semaphore_mem>>) src(%dma_wait3A_103 : memref<128x128xf32, #tpu.memory_space<hbm>>) dst(%dma_wait3A_100 : memref<128x128xf32, #tpu.memory_space<vmem>>)
      %mul3A_104 = arith.constant 40 : i32
      %mul3A_105 = arith.muli %add3A_35, %mul3A_104 : i32
      %add3A_106 = arith.constant 40 : i32
      %add3A_107 = arith.addi %mul3A_105, %add3A_106 : i32
      %sub3A_108 = arith.constant 2 : i32
      %sub3A_109 = arith.subi %add3A_107, %sub3A_108 : i32
      %add3A_110 = arith.constant 1 : i32
      %add3A_111 = arith.addi %sub3A_109, %add3A_110 : i32
      %run_scoped3A_112 = arith.constant 1 : i32
      "tpu.region"() ({
        %run_scoped3A_113 = tpu.sem_alloc : memref<!tpu.dma_semaphore, #tpu.memory_space<semaphore_mem>>
        %dma_start3A_114 = arith.constant 0 : i32
        %dma_start3A_115 = arith.constant 0 : i32
        %dma_start3A_116 = tpu.memref_slice %arg8[%run_scoped3A_112, %dma_start3A_114, %dma_start3A_115] : memref<2x128x128xf32, #tpu.memory_space<vmem>> -> memref<1x128x128xf32, #tpu.memory_space<vmem>>
        %dma_start3A_117 = tpu.memref_squeeze %dma_start3A_116 : memref<1x128x128xf32, #tpu.memory_space<vmem>> -> memref<128x128xf32, #tpu.memory_space<vmem>>
        %dma_start3A_118 = arith.constant 0 : i32
        %dma_start3A_119 = tpu.memref_slice %arg7[%add3A_111, %dma_start3A_118] : memref<80x128xi32, #tpu.memory_space<vmem>> -> memref<1x128xi32, #tpu.memory_space<vmem>>
        %dma_start3A_120 = tpu.memref_squeeze %dma_start3A_119 : memref<1x128xi32, #tpu.memory_space<vmem>> -> memref<128xi32, #tpu.memory_space<vmem>>
        %dma_start3A_121 = arith.constant 0 : i32
        %dma_start3A_122 = arith.constant 0 : i32
        %dma_start3A_123 = tpu.memref_slice %arg5[%dma_start3A_121, %dma_start3A_122] : memref<10240x128xf32, #tpu.memory_space<vmem_shared>> -> memref<10240x128xf32, #tpu.memory_space<vmem_shared>>
        tpu.enqueue_indirect_dma source(%dma_start3A_117 : memref<128x128xf32, #tpu.memory_space<vmem>>) target(%dma_start3A_123 : memref<10240x128xf32, #tpu.memory_space<vmem_shared>>) offsets(%dma_start3A_120 : memref<128xi32, #tpu.memory_space<vmem>>) semaphore(%run_scoped3A_113 : memref<!tpu.dma_semaphore, #tpu.memory_space<semaphore_mem>>) {add = true}
        %dma_wait3A_124 = arith.constant 0 : i32
        %dma_wait3A_125 = arith.constant 0 : i32
        %dma_wait3A_126 = tpu.memref_slice %arg8[%run_scoped3A_112, %dma_wait3A_124, %dma_wait3A_125] : memref<2x128x128xf32, #tpu.memory_space<vmem>> -> memref<1x128x128xf32, #tpu.memory_space<vmem>>
        %dma_wait3A_127 = tpu.memref_squeeze %dma_wait3A_126 : memref<1x128x128xf32, #tpu.memory_space<vmem>> -> memref<128x128xf32, #tpu.memory_space<vmem>>
        %dma_wait3A_128 = arith.constant 0 : i32
        %dma_wait3A_129 = tpu.memref_slice %arg7[%add3A_111, %dma_wait3A_128] : memref<80x128xi32, #tpu.memory_space<vmem>> -> memref<1x128xi32, #tpu.memory_space<vmem>>
        %dma_wait3A_130 = tpu.memref_squeeze %dma_wait3A_129 : memref<1x128xi32, #tpu.memory_space<vmem>> -> memref<128xi32, #tpu.memory_space<vmem>>
        %dma_wait3A_131 = arith.constant 0 : i32
        %dma_wait3A_132 = arith.constant 0 : i32
        %dma_wait3A_133 = tpu.memref_slice %arg5[%dma_wait3A_131, %dma_wait3A_132] : memref<10240x128xf32, #tpu.memory_space<vmem_shared>> -> memref<10240x128xf32, #tpu.memory_space<vmem_shared>>
        tpu.wait_indirect_dma semaphore(%run_scoped3A_113 : memref<!tpu.dma_semaphore, #tpu.memory_space<semaphore_mem>>) src(%dma_wait3A_127 : memref<128x128xf32, #tpu.memory_space<vmem>>) dst(%dma_wait3A_133 : memref<10240x128xf32, #tpu.memory_space<vmem_shared>>)
        tpu.yield
      }) : () -> ()
    }
    %scan3A_22 = arith.constant 2 : i32
    %barrier3A_23 = arith.constant 0 : index
    tpu.barrier barrier_id(%barrier3A_23)
    %scan3A_24 = arith.constant 0 : i32
    %scan3A_25 = arith.constant 0 : i32
    %scan3A_26 = arith.constant 5 : i32
    %scan3A_27 = arith.addi %scan3A_25, %scan3A_26 : i32
    %scan3A_28 = arith.constant 1 : i32
    %scan3A_29 = scf.for %scan3A_31 = %scan3A_25 to %scan3A_27 step %scan3A_28 iter_args(%scan3A_32 = %scan3A_24) -> (i32)  : i32 {
      %mul3A_33 = arith.constant 128 : i32
      %mul3A_34 = arith.muli %scan3A_31, %mul3A_33 : i32
      %add3A_35 = arith.addi %mul3A_2, %mul3A_34 : i32
      %run_scoped3A_36 = arith.constant 0 : i32
      "tpu.region"() ({
        %run_scoped3A_39 = tpu.sem_alloc : memref<!tpu.dma_semaphore, #tpu.memory_space<semaphore_mem>>
        %dma_start3A = arith.constant 0 : i32
        %dma_start3A_40 = arith.constant 0 : i32
        %dma_start3A_41 = tpu.memref_slice %arg8[%run_scoped3A_36, %dma_start3A, %dma_start3A_40] : memref<2x128x128xf32, #tpu.memory_space<vmem>> -> memref<1x128x128xf32, #tpu.memory_space<vmem>>
        %dma_start3A_42 = tpu.memref_squeeze %dma_start3A_41 : memref<1x128x128xf32, #tpu.memory_space<vmem>> -> memref<128x128xf32, #tpu.memory_space<vmem>>
        %dma_start3A_43 = arith.constant 0 : i32
        %dma_start3A_44 = tpu.memref_slice %arg5[%add3A_35, %dma_start3A_43] : memref<10240x128xf32, #tpu.memory_space<vmem_shared>> -> memref<128x128xf32, #tpu.memory_space<vmem_shared>>
        %dma_start3A_45 = arith.constant 0 : i32
        %dma_start3A_46 = arith.constant 0 : i32
        %dma_start3A_47 = tpu.memref_slice %arg8[%run_scoped3A_36, %dma_start3A_45, %dma_start3A_46] : memref<2x128x128xf32, #tpu.memory_space<vmem>> -> memref<1x128x128xf32, #tpu.memory_space<vmem>>
        %dma_start3A_48 = tpu.memref_squeeze %dma_start3A_47 : memref<1x128x128xf32, #tpu.memory_space<vmem>> -> memref<128x128xf32, #tpu.memory_space<vmem>>
        %dma_start3A_49 = arith.constant 0 : i32
        %dma_start3A_50 = tpu.memref_slice %arg5[%add3A_35, %dma_start3A_49] : memref<10240x128xf32, #tpu.memory_space<vmem_shared>> -> memref<128x128xf32, #tpu.memory_space<vmem_shared>>
        tpu.enqueue_dma source(%dma_start3A_50 : memref<128x128xf32, #tpu.memory_space<vmem_shared>>) target(%dma_start3A_48 : memref<128x128xf32, #tpu.memory_space<vmem>>) target_semaphore(%run_scoped3A_39 : memref<!tpu.dma_semaphore, #tpu.memory_space<semaphore_mem>>)
        %dma_wait3A = arith.constant 0 : i32
        %dma_wait3A_51 = arith.constant 0 : i32
        %dma_wait3A_52 = tpu.memref_slice %arg8[%run_scoped3A_36, %dma_wait3A, %dma_wait3A_51] : memref<2x128x128xf32, #tpu.memory_space<vmem>> -> memref<1x128x128xf32, #tpu.memory_space<vmem>>
        %dma_wait3A_53 = tpu.memref_squeeze %dma_wait3A_52 : memref<1x128x128xf32, #tpu.memory_space<vmem>> -> memref<128x128xf32, #tpu.memory_space<vmem>>
        %dma_wait3A_54 = arith.constant 0 : i32
        %dma_wait3A_55 = tpu.memref_slice %arg5[%add3A_35, %dma_wait3A_54] : memref<10240x128xf32, #tpu.memory_space<vmem_shared>> -> memref<128x128xf32, #tpu.memory_space<vmem_shared>>
        %dma_wait3A_56 = arith.constant 0 : i32
        %dma_wait3A_57 = arith.constant 0 : i32
        %dma_wait3A_58 = tpu.memref_slice %arg8[%run_scoped3A_36, %dma_wait3A_56, %dma_wait3A_57] : memref<2x128x128xf32, #tpu.memory_space<vmem>> -> memref<1x128x128xf32, #tpu.memory_space<vmem>>
        %dma_wait3A_59 = tpu.memref_squeeze %dma_wait3A_58 : memref<1x128x128xf32, #tpu.memory_space<vmem>> -> memref<128x128xf32, #tpu.memory_space<vmem>>
        %dma_wait3A_60 = arith.constant 0 : i32
        %dma_wait3A_61 = tpu.memref_slice %arg5[%add3A_35, %dma_wait3A_60] : memref<10240x128xf32, #tpu.memory_space<vmem_shared>> -> memref<128x128xf32, #tpu.memory_space<vmem_shared>>
        tpu.wait_dma2 semaphore(%run_scoped3A_39 : memref<!tpu.dma_semaphore, #tpu.memory_space<semaphore_mem>>) src(%dma_wait3A_61 : memref<128x128xf32, #tpu.memory_space<vmem_shared>>) dst(%dma_wait3A_59 : memref<128x128xf32, #tpu.memory_space<vmem>>)
        tpu.yield
      }) : () -> ()
      %run_scoped3A_37 = arith.constant 0 : i32
      "tpu.region"() ({
        %run_scoped3A_39 = tpu.sem_alloc : memref<!tpu.dma_semaphore, #tpu.memory_space<semaphore_mem>>
        %dma_start3A = arith.constant 0 : i32
        %dma_start3A_40 = arith.constant 0 : i32
        %dma_start3A_41 = tpu.memref_slice %arg8[%run_scoped3A_37, %dma_start3A, %dma_start3A_40] : memref<2x128x128xf32, #tpu.memory_space<vmem>> -> memref<1x128x128xf32, #tpu.memory_space<vmem>>
        %dma_start3A_42 = tpu.memref_squeeze %dma_start3A_41 : memref<1x128x128xf32, #tpu.memory_space<vmem>> -> memref<128x128xf32, #tpu.memory_space<vmem>>
        %dma_start3A_43 = arith.constant 0 : i32
        %dma_start3A_44 = tpu.memref_slice %arg4[%arg0, %add3A_35, %dma_start3A_43] : memref<2x10240x128xf32, #tpu.memory_space<hbm>> -> memref<1x128x128xf32, #tpu.memory_space<hbm>>
        %dma_start3A_45 = tpu.memref_squeeze %dma_start3A_44 : memref<1x128x128xf32, #tpu.memory_space<hbm>> -> memref<128x128xf32, #tpu.memory_space<hbm>>
        %dma_start3A_46 = arith.constant 0 : i32
        %dma_start3A_47 = tpu.memref_slice %arg4[%arg0, %add3A_35, %dma_start3A_46] : memref<2x10240x128xf32, #tpu.memory_space<hbm>> -> memref<1x128x128xf32, #tpu.memory_space<hbm>>
        %dma_start3A_48 = tpu.memref_squeeze %dma_start3A_47 : memref<1x128x128xf32, #tpu.memory_space<hbm>> -> memref<128x128xf32, #tpu.memory_space<hbm>>
        %dma_start3A_49 = arith.constant 0 : i32
        %dma_start3A_50 = arith.constant 0 : i32
        %dma_start3A_51 = tpu.memref_slice %arg8[%run_scoped3A_37, %dma_start3A_49, %dma_start3A_50] : memref<2x128x128xf32, #tpu.memory_space<vmem>> -> memref<1x128x128xf32, #tpu.memory_space<vmem>>
        %dma_start3A_52 = tpu.memref_squeeze %dma_start3A_51 : memref<1x128x128xf32, #tpu.memory_space<vmem>> -> memref<128x128xf32, #tpu.memory_space<vmem>>
        tpu.enqueue_dma source(%dma_start3A_52 : memref<128x128xf32, #tpu.memory_space<vmem>>) target(%dma_start3A_48 : memref<128x128xf32, #tpu.memory_space<hbm>>) target_semaphore(%run_scoped3A_39 : memref<!tpu.dma_semaphore, #tpu.memory_space<semaphore_mem>>)
        %dma_wait3A = arith.constant 0 : i32
        %dma_wait3A_53 = arith.constant 0 : i32
        %dma_wait3A_54 = tpu.memref_slice %arg8[%run_scoped3A_37, %dma_wait3A, %dma_wait3A_53] : memref<2x128x128xf32, #tpu.memory_space<vmem>> -> memref<1x128x128xf32, #tpu.memory_space<vmem>>
        %dma_wait3A_55 = tpu.memref_squeeze %dma_wait3A_54 : memref<1x128x128xf32, #tpu.memory_space<vmem>> -> memref<128x128xf32, #tpu.memory_space<vmem>>
        %dma_wait3A_56 = arith.constant 0 : i32
        %dma_wait3A_57 = tpu.memref_slice %arg4[%arg0, %add3A_35, %dma_wait3A_56] : memref<2x10240x128xf32, #tpu.memory_space<hbm>> -> memref<1x128x128xf32, #tpu.memory_space<hbm>>
        %dma_wait3A_58 = tpu.memref_squeeze %dma_wait3A_57 : memref<1x128x128xf32, #tpu.memory_space<hbm>> -> memref<128x128xf32, #tpu.memory_space<hbm>>
        %dma_wait3A_59 = arith.constant 0 : i32
        %dma_wait3A_60 = tpu.memref_slice %arg4[%arg0, %add3A_35, %dma_wait3A_59] : memref<2x10240x128xf32, #tpu.memory_space<hbm>> -> memref<1x128x128xf32, #tpu.memory_space<hbm>>
        %dma_wait3A_61 = tpu.memref_squeeze %dma_wait3A_60 : memref<1x128x128xf32, #tpu.memory_space<hbm>> -> memref<128x128xf32, #tpu.memory_space<hbm>>
        %dma_wait3A_62 = arith.constant 0 : i32
        %dma_wait3A_63 = arith.constant 0 : i32
        %dma_wait3A_64 = tpu.memref_slice %arg8[%run_scoped3A_37, %dma_wait3A_62, %dma_wait3A_63] : memref<2x128x128xf32, #tpu.memory_space<vmem>> -> memref<1x128x128xf32, #tpu.memory_space<vmem>>
        %dma_wait3A_65 = tpu.memref_squeeze %dma_wait3A_64 : memref<1x128x128xf32, #tpu.memory_space<vmem>> -> memref<128x128xf32, #tpu.memory_space<vmem>>
        tpu.wait_dma2 semaphore(%run_scoped3A_39 : memref<!tpu.dma_semaphore, #tpu.memory_space<semaphore_mem>>) src(%dma_wait3A_65 : memref<128x128xf32, #tpu.memory_space<vmem>>) dst(%dma_wait3A_61 : memref<128x128xf32, #tpu.memory_space<hbm>>)
        tpu.yield
      }) : () -> ()
      %scan3A_38 = arith.constant 0 : i32
      scf.yield %scan3A_38 : i32
    }
    %scan3A_30 = arith.constant 5 : i32
    return
  }
}

#map = affine_map<(d0, d1) -> (0, 0)>
#map1 = affine_map<(d0, d1) -> (0, 0, 0, 0)>
#map2 = affine_map<(d0, d1) -> (0, 0, 0)>
module attributes {stable_mosaic.version = 14 : i64} {
  func.func @_sc_gather_scatter(%arg0: i32, %arg1: i32, %arg2: memref<20000x128xf32, #tpu.memory_space<hbm>>, %arg3: memref<2x32x80x128xi32, #tpu.memory_space<hbm>>, %arg4: memref<2x10240x128xf32, #tpu.memory_space<hbm>>, %arg5: memref<10240x128xf32, #tpu.memory_space<vmem_shared>>, %arg6: memref<40x128xi32, #tpu.memory_space<vmem>>, %arg7: memref<80x128xi32, #tpu.memory_space<vmem>>, %arg8: memref<2x128x128xf32, #tpu.memory_space<vmem>>, %arg9: memref<!tpu.dma_semaphore, #tpu.memory_space<semaphore_mem>>, %arg10: memref<!tpu.dma_semaphore, #tpu.memory_space<semaphore_mem>>) attributes {dimension_semantics = [#tpu.dimension_semantics<core_parallel>, #tpu.dimension_semantics<subcore_parallel>], iteration_bounds = array<i64: 2, 16>, scalar_prefetch = 0 : i64, scratch_operands = 6 : i64, tpu.core_type = #tpu.core_type<sc_vector_subcore>, window_params = [{transform_indices = #map}, {transform_indices = #map1}, {transform_indices = #map2}]} {
    %mul3A = arith.constant 2 : i32
    %mul3A_0 = arith.muli %arg1, %mul3A : i32
    %add3A = arith.addi %mul3A_0, %arg0 : i32
    %mul3A_1 = arith.constant 640 : i32
    %mul3A_2 = arith.muli %arg1, %mul3A_1 : i32
    %broadcast_in_dim3A = arith.constant 0.000000e+00 : f32
    %broadcast_in_dim3A_3 = vector.broadcast %broadcast_in_dim3A : f32 to vector<16xf32>
    %scan3A = arith.constant 0 : i32
    %scan3A_4 = arith.constant 0 : i32
    %scan3A_5 = arith.constant 0 : i32
    %scan3A_6 = arith.constant 1024 : i32
    %scan3A_7 = arith.addi %scan3A_5, %scan3A_6 : i32
    %scan3A_8 = arith.constant 1 : i32
    %scan3A_9 = scf.for %scan3A_31 = %scan3A_5 to %scan3A_7 step %scan3A_8 iter_args(%scan3A_32 = %scan3A_4) -> (i32)  : i32 {
      %jit3A = arith.constant 8 : i32
      %div3A = arith.divsi %scan3A_31, %jit3A : i32
      %sign3A = arith.constant 0 : i32
      %sign3A_33 = arith.cmpi sgt, %scan3A_31, %sign3A : i32
      %sign3A_34 = arith.extui %sign3A_33 : i1 to i32
      %sign3A_35 = arith.constant 0 : i32
      %sign3A_36 = arith.cmpi slt, %scan3A_31, %sign3A_35 : i32
      %sign3A_37 = arith.extui %sign3A_36 : i1 to i32
      %sign3A_38 = arith.subi %sign3A_34, %sign3A_37 : i32
      %sign3A_39 = arith.constant 0 : i32
      %sign3A_40 = arith.cmpi sgt, %jit3A, %sign3A_39 : i32
      %sign3A_41 = arith.extui %sign3A_40 : i1 to i32
      %sign3A_42 = arith.constant 0 : i32
      %sign3A_43 = arith.cmpi slt, %jit3A, %sign3A_42 : i32
      %sign3A_44 = arith.extui %sign3A_43 : i1 to i32
      %sign3A_45 = arith.subi %sign3A_41, %sign3A_44 : i32
      %ne3A = arith.cmpi ne, %sign3A_38, %sign3A_45 : i32
      %rem3A = arith.remsi %scan3A_31, %jit3A : i32
      %ne3A_46 = arith.constant 0 : i32
      %ne3A_47 = arith.cmpi ne, %rem3A, %ne3A_46 : i32
      %and3A = arith.andi %ne3A, %ne3A_47 : i1
      %sub3A = arith.constant 1 : i32
      %sub3A_48 = arith.subi %div3A, %sub3A : i32
      %select_n3A = arith.select %and3A, %sub3A_48, %div3A : i32
      %jit3A_49 = arith.constant 8 : i32
      %eq3A = arith.constant 0 : i32
      %eq3A_50 = arith.cmpi eq, %jit3A_49, %eq3A : i32
      %jit3A_51 = arith.constant 1 : i32
      %select_n3A_52 = arith.select %eq3A_50, %jit3A_51, %jit3A_49 : i32
      %rem3A_53 = arith.remsi %scan3A_31, %select_n3A_52 : i32
      %ne3A_54 = arith.constant 0 : i32
      %ne3A_55 = arith.cmpi ne, %rem3A_53, %ne3A_54 : i32
      %lt3A = arith.constant 0 : i32
      %lt3A_56 = arith.cmpi slt, %rem3A_53, %lt3A : i32
      %lt3A_57 = arith.constant 0 : i32
      %lt3A_58 = arith.cmpi slt, %select_n3A_52, %lt3A_57 : i32
      %ne3A_59 = arith.xori %lt3A_56, %lt3A_58 : i1
      %and3A_60 = arith.andi %ne3A_59, %ne3A_55 : i1
      %add3A_61 = arith.addi %rem3A_53, %select_n3A_52 : i32
      %select_n3A_62 = arith.select %and3A_60, %add3A_61, %rem3A_53 : i32
      %mul3A_63 = arith.constant 16 : i32
      %mul3A_64 = arith.muli %select_n3A_62, %mul3A_63 : i32
      %swap3A = arith.constant 0 : i32
      %swap3A_65 = arith.constant 0 : i32
      %swap3A_66 = tpu.memref_slice %arg8[%scan3A, %swap3A, %swap3A_65] : memref<2x128x128xf32, #tpu.memory_space<vmem>> -> memref<1x128x128xf32, #tpu.memory_space<vmem>>
      %swap3A_67 = tpu.memref_squeeze %swap3A_66 : memref<1x128x128xf32, #tpu.memory_space<vmem>> -> memref<128x128xf32, #tpu.memory_space<vmem>>
      %swap3A_68 = arith.index_cast %select_n3A : i32 to index
      %swap3A_69 = arith.index_cast %mul3A_64 : i32 to index
      %swap3A_70 = tpu.vector_load %swap3A_67[%swap3A_68, %swap3A_69] {strides = array<i32>} : memref<128x128xf32, #tpu.memory_space<vmem>>, vector<1x16xf32>,
      %swap3A_71 = vector.shape_cast %swap3A_70 : vector<1x16xf32> to vector<16xf32>
      %swap3A_72 = vector.shape_cast %broadcast_in_dim3A_3 : vector<16xf32> to vector<1x16xf32>
      tpu.vector_store %swap3A_67[%swap3A_68, %swap3A_69], %swap3A_72 {strides = array<i32>} : memref<128x128xf32, #tpu.memory_space<vmem>>, vector<1x16xf32>,
      %scan3A_73 = arith.constant 0 : i32
      scf.yield %scan3A_73 : i32
    }
    %scan3A_10 = arith.constant 1024 : i32
    %scan3A_11 = arith.constant 0 : i32
    %scan3A_12 = arith.constant 0 : i32
    %scan3A_13 = arith.constant 5 : i32
    %scan3A_14 = arith.addi %scan3A_12, %scan3A_13 : i32
    %scan3A_15 = arith.constant 1 : i32
    %scan3A_16 = scf.for %scan3A_31 = %scan3A_12 to %scan3A_14 step %scan3A_15 iter_args(%scan3A_32 = %scan3A_11) -> (i32)  : i32 {
      %mul3A_33 = arith.constant 128 : i32
      %mul3A_34 = arith.muli %scan3A_31, %mul3A_33 : i32
      %add3A_35 = arith.addi %mul3A_2, %mul3A_34 : i32
      %run_scoped3A_36 = arith.constant 0 : i32
      "tpu.region"() ({
        %run_scoped3A_38 = tpu.sem_alloc : memref<!tpu.dma_semaphore, #tpu.memory_space<semaphore_mem>>
        %dma_start3A = arith.constant 0 : i32
        %dma_start3A_39 = arith.constant 0 : i32
        %dma_start3A_40 = tpu.memref_slice %arg8[%run_scoped3A_36, %dma_start3A, %dma_start3A_39] : memref<2x128x128xf32, #tpu.memory_space<vmem>> -> memref<1x128x128xf32, #tpu.memory_space<vmem>>
        %dma_start3A_41 = tpu.memref_squeeze %dma_start3A_40 : memref<1x128x128xf32, #tpu.memory_space<vmem>> -> memref<128x128xf32, #tpu.memory_space<vmem>>
        %dma_start3A_42 = arith.constant 0 : i32
        %dma_start3A_43 = tpu.memref_slice %arg5[%add3A_35, %dma_start3A_42] : memref<10240x128xf32, #tpu.memory_space<vmem_shared>> -> memref<128x128xf32, #tpu.memory_space<vmem_shared>>
        %dma_start3A_44 = arith.constant 0 : i32
        %dma_start3A_45 = tpu.memref_slice %arg5[%add3A_35, %dma_start3A_44] : memref<10240x128xf32, #tpu.memory_space<vmem_shared>> -> memref<128x128xf32, #tpu.memory_space<vmem_shared>>
        %dma_start3A_46 = arith.constant 0 : i32
        %dma_start3A_47 = arith.constant 0 : i32
        %dma_start3A_48 = tpu.memref_slice %arg8[%run_scoped3A_36, %dma_start3A_46, %dma_start3A_47] : memref<2x128x128xf32, #tpu.memory_space<vmem>> -> memref<1x128x128xf32, #tpu.memory_space<vmem>>
        %dma_start3A_49 = tpu.memref_squeeze %dma_start3A_48 : memref<1x128x128xf32, #tpu.memory_space<vmem>> -> memref<128x128xf32, #tpu.memory_space<vmem>>
        tpu.enqueue_dma source(%dma_start3A_49 : memref<128x128xf32, #tpu.memory_space<vmem>>) target(%dma_start3A_45 : memref<128x128xf32, #tpu.memory_space<vmem_shared>>) target_semaphore(%run_scoped3A_38 : memref<!tpu.dma_semaphore, #tpu.memory_space<semaphore_mem>>)
        %dma_wait3A = arith.constant 0 : i32
        %dma_wait3A_50 = arith.constant 0 : i32
        %dma_wait3A_51 = tpu.memref_slice %arg8[%run_scoped3A_36, %dma_wait3A, %dma_wait3A_50] : memref<2x128x128xf32, #tpu.memory_space<vmem>> -> memref<1x128x128xf32, #tpu.memory_space<vmem>>
        %dma_wait3A_52 = tpu.memref_squeeze %dma_wait3A_51 : memref<1x128x128xf32, #tpu.memory_space<vmem>> -> memref<128x128xf32, #tpu.memory_space<vmem>>
        %dma_wait3A_53 = arith.constant 0 : i32
        %dma_wait3A_54 = tpu.memref_slice %arg5[%add3A_35, %dma_wait3A_53] : memref<10240x128xf32, #tpu.memory_space<vmem_shared>> -> memref<128x128xf32, #tpu.memory_space<vmem_shared>>
        %dma_wait3A_55 = arith.constant 0 : i32
        %dma_wait3A_56 = tpu.memref_slice %arg5[%add3A_35, %dma_wait3A_55] : memref<10240x128xf32, #tpu.memory_space<vmem_shared>> -> memref<128x128xf32, #tpu.memory_space<vmem_shared>>
        %dma_wait3A_57 = arith.constant 0 : i32
        %dma_wait3A_58 = arith.constant 0 : i32
        %dma_wait3A_59 = tpu.memref_slice %arg8[%run_scoped3A_36, %dma_wait3A_57, %dma_wait3A_58] : memref<2x128x128xf32, #tpu.memory_space<vmem>> -> memref<1x128x128xf32, #tpu.memory_space<vmem>>
        %dma_wait3A_60 = tpu.memref_squeeze %dma_wait3A_59 : memref<1x128x128xf32, #tpu.memory_space<vmem>> -> memref<128x128xf32, #tpu.memory_space<vmem>>
        tpu.wait_dma2 semaphore(%run_scoped3A_38 : memref<!tpu.dma_semaphore, #tpu.memory_space<semaphore_mem>>) src(%dma_wait3A_60 : memref<128x128xf32, #tpu.memory_space<vmem>>) dst(%dma_wait3A_56 : memref<128x128xf32, #tpu.memory_space<vmem_shared>>)
        tpu.yield
      }) : () -> ()
      %scan3A_37 = arith.constant 0 : i32
      scf.yield %scan3A_37 : i32
    }
    %scan3A_17 = arith.constant 5 : i32
    %run_scoped3A = arith.constant 1 : i32
    "tpu.region"() ({
      %run_scoped3A_31 = tpu.sem_alloc : memref<!tpu.dma_semaphore, #tpu.memory_space<semaphore_mem>>
      %dma_start3A = arith.constant 0 : i32
      %dma_start3A_32 = arith.constant 0 : i32
      %dma_start3A_33 = tpu.memref_slice %arg3[%run_scoped3A, %add3A, %dma_start3A, %dma_start3A_32] : memref<2x32x80x128xi32, #tpu.memory_space<hbm>> -> memref<1x1x80x128xi32, #tpu.memory_space<hbm>>
      %dma_start3A_34 = tpu.memref_squeeze %dma_start3A_33 : memref<1x1x80x128xi32, #tpu.memory_space<hbm>> -> memref<80x128xi32, #tpu.memory_space<hbm>>
      %dma_start3A_35 = arith.constant 0 : i32
      %dma_start3A_36 = arith.constant 0 : i32
      %dma_start3A_37 = tpu.memref_slice %arg3[%run_scoped3A, %add3A, %dma_start3A_35, %dma_start3A_36] : memref<2x32x80x128xi32, #tpu.memory_space<hbm>> -> memref<1x1x80x128xi32, #tpu.memory_space<hbm>>
      %dma_start3A_38 = tpu.memref_squeeze %dma_start3A_37 : memref<1x1x80x128xi32, #tpu.memory_space<hbm>> -> memref<80x128xi32, #tpu.memory_space<hbm>>
      tpu.enqueue_dma source(%dma_start3A_38 : memref<80x128xi32, #tpu.memory_space<hbm>>) target(%arg7 : memref<80x128xi32, #tpu.memory_space<vmem>>) target_semaphore(%run_scoped3A_31 : memref<!tpu.dma_semaphore, #tpu.memory_space<semaphore_mem>>)
      %dma_wait3A = arith.constant 0 : i32
      %dma_wait3A_39 = arith.constant 0 : i32
      %dma_wait3A_40 = tpu.memref_slice %arg3[%run_scoped3A, %add3A, %dma_wait3A, %dma_wait3A_39] : memref<2x32x80x128xi32, #tpu.memory_space<hbm>> -> memref<1x1x80x128xi32, #tpu.memory_space<hbm>>
      %dma_wait3A_41 = tpu.memref_squeeze %dma_wait3A_40 : memref<1x1x80x128xi32, #tpu.memory_space<hbm>> -> memref<80x128xi32, #tpu.memory_space<hbm>>
      %dma_wait3A_42 = arith.constant 0 : i32
      %dma_wait3A_43 = arith.constant 0 : i32
      %dma_wait3A_44 = tpu.memref_slice %arg3[%run_scoped3A, %add3A, %dma_wait3A_42, %dma_wait3A_43] : memref<2x32x80x128xi32, #tpu.memory_space<hbm>> -> memref<1x1x80x128xi32, #tpu.memory_space<hbm>>
      %dma_wait3A_45 = tpu.memref_squeeze %dma_wait3A_44 : memref<1x1x80x128xi32, #tpu.memory_space<hbm>> -> memref<80x128xi32, #tpu.memory_space<hbm>>
      tpu.wait_dma2 semaphore(%run_scoped3A_31 : memref<!tpu.dma_semaphore, #tpu.memory_space<semaphore_mem>>) src(%dma_wait3A_45 : memref<80x128xi32, #tpu.memory_space<hbm>>) dst(%arg7 : memref<80x128xi32, #tpu.memory_space<vmem>>)
      tpu.yield
    }) : () -> ()
    %barrier3A = arith.constant 0 : index
    tpu.barrier barrier_id(%barrier3A)
    %scan3A_18 = arith.constant 0 : i32
    %scan3A_19 = arith.constant 2 : i32
    %scan3A_20 = arith.addi %scan3A_18, %scan3A_19 : i32
    %scan3A_21 = arith.constant 1 : i32
    scf.for %scan3A_31 = %scan3A_18 to %scan3A_20 step %scan3A_21  : i32 {
      %mul3A_32 = arith.constant 1 : i32
      %mul3A_33 = arith.muli %scan3A_31, %mul3A_32 : i32
      %add3A_34 = arith.constant 0 : i32
      %add3A_35 = arith.addi %add3A_34, %mul3A_33 : i32
      %mul3A_36 = arith.constant 40 : i32
      %mul3A_37 = arith.muli %add3A_35, %mul3A_36 : i32
      %run_scoped3A_38 = arith.constant 0 : i32
      "tpu.region"() ({
        %run_scoped3A_113 = tpu.sem_alloc : memref<!tpu.dma_semaphore, #tpu.memory_space<semaphore_mem>>
        %dma_start3A_114 = arith.constant 0 : i32
        %dma_start3A_115 = tpu.memref_slice %arg3[%run_scoped3A_38, %add3A, %mul3A_37, %dma_start3A_114] : memref<2x32x80x128xi32, #tpu.memory_space<hbm>> -> memref<1x1x40x128xi32, #tpu.memory_space<hbm>>
        %dma_start3A_116 = tpu.memref_squeeze %dma_start3A_115 : memref<1x1x40x128xi32, #tpu.memory_space<hbm>> -> memref<40x128xi32, #tpu.memory_space<hbm>>
        %dma_start3A_117 = arith.constant 0 : i32
        %dma_start3A_118 = tpu.memref_slice %arg3[%run_scoped3A_38, %add3A, %mul3A_37, %dma_start3A_117] : memref<2x32x80x128xi32, #tpu.memory_space<hbm>> -> memref<1x1x40x128xi32, #tpu.memory_space<hbm>>
        %dma_start3A_119 = tpu.memref_squeeze %dma_start3A_118 : memref<1x1x40x128xi32, #tpu.memory_space<hbm>> -> memref<40x128xi32, #tpu.memory_space<hbm>>
        tpu.enqueue_dma source(%dma_start3A_119 : memref<40x128xi32, #tpu.memory_space<hbm>>) target(%arg6 : memref<40x128xi32, #tpu.memory_space<vmem>>) target_semaphore(%run_scoped3A_113 : memref<!tpu.dma_semaphore, #tpu.memory_space<semaphore_mem>>)
        %dma_wait3A_120 = arith.constant 0 : i32
        %dma_wait3A_121 = tpu.memref_slice %arg3[%run_scoped3A_38, %add3A, %mul3A_37, %dma_wait3A_120] : memref<2x32x80x128xi32, #tpu.memory_space<hbm>> -> memref<1x1x40x128xi32, #tpu.memory_space<hbm>>
        %dma_wait3A_122 = tpu.memref_squeeze %dma_wait3A_121 : memref<1x1x40x128xi32, #tpu.memory_space<hbm>> -> memref<40x128xi32, #tpu.memory_space<hbm>>
        %dma_wait3A_123 = arith.constant 0 : i32
        %dma_wait3A_124 = tpu.memref_slice %arg3[%run_scoped3A_38, %add3A, %mul3A_37, %dma_wait3A_123] : memref<2x32x80x128xi32, #tpu.memory_space<hbm>> -> memref<1x1x40x128xi32, #tpu.memory_space<hbm>>
        %dma_wait3A_125 = tpu.memref_squeeze %dma_wait3A_124 : memref<1x1x40x128xi32, #tpu.memory_space<hbm>> -> memref<40x128xi32, #tpu.memory_space<hbm>>
        tpu.wait_dma2 semaphore(%run_scoped3A_113 : memref<!tpu.dma_semaphore, #tpu.memory_space<semaphore_mem>>) src(%dma_wait3A_125 : memref<40x128xi32, #tpu.memory_space<hbm>>) dst(%arg6 : memref<40x128xi32, #tpu.memory_space<vmem>>)
        tpu.yield
      }) : () -> ()
      %dma_start3A = arith.constant 0 : i32
      %dma_start3A_39 = arith.constant 0 : i32
      %dma_start3A_40 = arith.constant 0 : i32
      %dma_start3A_41 = arith.constant 0 : i32
      %dma_start3A_42 = tpu.memref_slice %arg8[%dma_start3A_39, %dma_start3A_40, %dma_start3A_41] : memref<2x128x128xf32, #tpu.memory_space<vmem>> -> memref<1x128x128xf32, #tpu.memory_space<vmem>>
      %dma_start3A_43 = tpu.memref_squeeze %dma_start3A_42 : memref<1x128x128xf32, #tpu.memory_space<vmem>> -> memref<128x128xf32, #tpu.memory_space<vmem>>
      %dma_start3A_44 = arith.constant 0 : i32
      %dma_start3A_45 = tpu.memref_slice %arg6[%dma_start3A, %dma_start3A_44] : memref<40x128xi32, #tpu.memory_space<vmem>> -> memref<1x128xi32, #tpu.memory_space<vmem>>
      %dma_start3A_46 = tpu.memref_squeeze %dma_start3A_45 : memref<1x128xi32, #tpu.memory_space<vmem>> -> memref<128xi32, #tpu.memory_space<vmem>>
      %dma_start3A_47 = arith.constant 0 : i32
      %dma_start3A_48 = arith.constant 0 : i32
      %dma_start3A_49 = tpu.memref_slice %arg2[%dma_start3A_47, %dma_start3A_48] : memref<20000x128xf32, #tpu.memory_space<hbm>> -> memref<20000x128xf32, #tpu.memory_space<hbm>>
      tpu.enqueue_indirect_dma source(%dma_start3A_49 : memref<20000x128xf32, #tpu.memory_space<hbm>>) target(%dma_start3A_43 : memref<128x128xf32, #tpu.memory_space<vmem>>) offsets(%dma_start3A_46 : memref<128xi32, #tpu.memory_space<vmem>>) semaphore(%arg9 : memref<!tpu.dma_semaphore, #tpu.memory_space<semaphore_mem>>)
      %dma_start3A_50 = arith.constant 1 : i32
      %dma_start3A_51 = arith.constant 1 : i32
      %dma_start3A_52 = arith.constant 0 : i32
      %dma_start3A_53 = arith.constant 0 : i32
      %dma_start3A_54 = tpu.memref_slice %arg8[%dma_start3A_51, %dma_start3A_52, %dma_start3A_53] : memref<2x128x128xf32, #tpu.memory_space<vmem>> -> memref<1x128x128xf32, #tpu.memory_space<vmem>>
      %dma_start3A_55 = tpu.memref_squeeze %dma_start3A_54 : memref<1x128x128xf32, #tpu.memory_space<vmem>> -> memref<128x128xf32, #tpu.memory_space<vmem>>
      %dma_start3A_56 = arith.constant 0 : i32
      %dma_start3A_57 = tpu.memref_slice %arg6[%dma_start3A_50, %dma_start3A_56] : memref<40x128xi32, #tpu.memory_space<vmem>> -> memref<1x128xi32, #tpu.memory_space<vmem>>
      %dma_start3A_58 = tpu.memref_squeeze %dma_start3A_57 : memref<1x128xi32, #tpu.memory_space<vmem>> -> memref<128xi32, #tpu.memory_space<vmem>>
      %dma_start3A_59 = arith.constant 0 : i32
      %dma_start3A_60 = arith.constant 0 : i32
      %dma_start3A_61 = tpu.memref_slice %arg2[%dma_start3A_59, %dma_start3A_60] : memref<20000x128xf32, #tpu.memory_space<hbm>> -> memref<20000x128xf32, #tpu.memory_space<hbm>>
      tpu.enqueue_indirect_dma source(%dma_start3A_61 : memref<20000x128xf32, #tpu.memory_space<hbm>>) target(%dma_start3A_55 : memref<128x128xf32, #tpu.memory_space<vmem>>) offsets(%dma_start3A_58 : memref<128xi32, #tpu.memory_space<vmem>>) semaphore(%arg10 : memref<!tpu.dma_semaphore, #tpu.memory_space<semaphore_mem>>)
      %scan3A_62 = arith.constant 0 : i32
      %scan3A_63 = arith.constant 19 : i32
      %scan3A_64 = arith.addi %scan3A_62, %scan3A_63 : i32
      %scan3A_65 = arith.constant 1 : i32
      scf.for %scan3A_113 = %scan3A_62 to %scan3A_64 step %scan3A_65  : i32 {
        %mul3A_114 = arith.constant 2 : i32
        %mul3A_115 = arith.muli %scan3A_113, %mul3A_114 : i32
        %add3A_116 = arith.constant 0 : i32
        %add3A_117 = arith.addi %add3A_116, %mul3A_115 : i32
        %add3A_118 = arith.constant 0 : i32
        %add3A_119 = arith.addi %add3A_117, %add3A_118 : i32
        %dma_wait3A_120 = arith.constant 0 : i32
        %dma_wait3A_121 = arith.constant 0 : i32
        %dma_wait3A_122 = arith.constant 0 : i32
        %dma_wait3A_123 = tpu.memref_slice %arg8[%dma_wait3A_120, %dma_wait3A_121, %dma_wait3A_122] : memref<2x128x128xf32, #tpu.memory_space<vmem>> -> memref<1x128x128xf32, #tpu.memory_space<vmem>>
        %dma_wait3A_124 = tpu.memref_squeeze %dma_wait3A_123 : memref<1x128x128xf32, #tpu.memory_space<vmem>> -> memref<128x128xf32, #tpu.memory_space<vmem>>
        %dma_wait3A_125 = arith.constant 0 : i32
        %dma_wait3A_126 = arith.constant 0 : i32
        %dma_wait3A_127 = tpu.memref_slice %arg2[%dma_wait3A_125, %dma_wait3A_126] : memref<20000x128xf32, #tpu.memory_space<hbm>> -> memref<128x128xf32, #tpu.memory_space<hbm>>
        %dma_wait3A_128 = arith.constant 0 : i32
        %dma_wait3A_129 = arith.constant 0 : i32
        %dma_wait3A_130 = tpu.memref_slice %arg8[%dma_wait3A_120, %dma_wait3A_128, %dma_wait3A_129] : memref<2x128x128xf32, #tpu.memory_space<vmem>> -> memref<1x128x128xf32, #tpu.memory_space<vmem>>
        %dma_wait3A_131 = tpu.memref_squeeze %dma_wait3A_130 : memref<1x128x128xf32, #tpu.memory_space<vmem>> -> memref<128x128xf32, #tpu.memory_space<vmem>>
        %dma_wait3A_132 = arith.constant 0 : i32
        %dma_wait3A_133 = arith.constant 0 : i32
        %dma_wait3A_134 = tpu.memref_slice %arg2[%dma_wait3A_132, %dma_wait3A_133] : memref<20000x128xf32, #tpu.memory_space<hbm>> -> memref<128x128xf32, #tpu.memory_space<hbm>>
        tpu.wait_dma2 semaphore(%arg9 : memref<!tpu.dma_semaphore, #tpu.memory_space<semaphore_mem>>) src(%dma_wait3A_134 : memref<128x128xf32, #tpu.memory_space<hbm>>) dst(%dma_wait3A_131 : memref<128x128xf32, #tpu.memory_space<vmem>>)
        %mul3A_135 = arith.constant 40 : i32
        %mul3A_136 = arith.muli %add3A_35, %mul3A_135 : i32
        %add3A_137 = arith.addi %mul3A_136, %add3A_119 : i32
        %run_scoped3A_138 = arith.constant 0 : i32
        "tpu.region"() ({
          %run_scoped3A_186 = tpu.sem_alloc : memref<!tpu.dma_semaphore, #tpu.memory_space<semaphore_mem>>
          %dma_start3A_187 = arith.constant 0 : i32
          %dma_start3A_188 = arith.constant 0 : i32
          %dma_start3A_189 = tpu.memref_slice %arg8[%run_scoped3A_138, %dma_start3A_187, %dma_start3A_188] : memref<2x128x128xf32, #tpu.memory_space<vmem>> -> memref<1x128x128xf32, #tpu.memory_space<vmem>>
          %dma_start3A_190 = tpu.memref_squeeze %dma_start3A_189 : memref<1x128x128xf32, #tpu.memory_space<vmem>> -> memref<128x128xf32, #tpu.memory_space<vmem>>
          %dma_start3A_191 = arith.constant 0 : i32
          %dma_start3A_192 = tpu.memref_slice %arg7[%add3A_137, %dma_start3A_191] : memref<80x128xi32, #tpu.memory_space<vmem>> -> memref<1x128xi32, #tpu.memory_space<vmem>>
          %dma_start3A_193 = tpu.memref_squeeze %dma_start3A_192 : memref<1x128xi32, #tpu.memory_space<vmem>> -> memref<128xi32, #tpu.memory_space<vmem>>
          %dma_start3A_194 = arith.constant 0 : i32
          %dma_start3A_195 = arith.constant 0 : i32
          %dma_start3A_196 = tpu.memref_slice %arg5[%dma_start3A_194, %dma_start3A_195] : memref<10240x128xf32, #tpu.memory_space<vmem_shared>> -> memref<10240x128xf32, #tpu.memory_space<vmem_shared>>
          tpu.enqueue_indirect_dma source(%dma_start3A_190 : memref<128x128xf32, #tpu.memory_space<vmem>>) target(%dma_start3A_196 : memref<10240x128xf32, #tpu.memory_space<vmem_shared>>) offsets(%dma_start3A_193 : memref<128xi32, #tpu.memory_space<vmem>>) semaphore(%run_scoped3A_186 : memref<!tpu.dma_semaphore, #tpu.memory_space<semaphore_mem>>) {add = true}
          %dma_wait3A_197 = arith.constant 0 : i32
          %dma_wait3A_198 = arith.constant 0 : i32
          %dma_wait3A_199 = tpu.memref_slice %arg8[%run_scoped3A_138, %dma_wait3A_197, %dma_wait3A_198] : memref<2x128x128xf32, #tpu.memory_space<vmem>> -> memref<1x128x128xf32, #tpu.memory_space<vmem>>
          %dma_wait3A_200 = tpu.memref_squeeze %dma_wait3A_199 : memref<1x128x128xf32, #tpu.memory_space<vmem>> -> memref<128x128xf32, #tpu.memory_space<vmem>>
          %dma_wait3A_201 = arith.constant 0 : i32
          %dma_wait3A_202 = tpu.memref_slice %arg7[%add3A_137, %dma_wait3A_201] : memref<80x128xi32, #tpu.memory_space<vmem>> -> memref<1x128xi32, #tpu.memory_space<vmem>>
          %dma_wait3A_203 = tpu.memref_squeeze %dma_wait3A_202 : memref<1x128xi32, #tpu.memory_space<vmem>> -> memref<128xi32, #tpu.memory_space<vmem>>
          %dma_wait3A_204 = arith.constant 0 : i32
          %dma_wait3A_205 = arith.constant 0 : i32
          %dma_wait3A_206 = tpu.memref_slice %arg5[%dma_wait3A_204, %dma_wait3A_205] : memref<10240x128xf32, #tpu.memory_space<vmem_shared>> -> memref<10240x128xf32, #tpu.memory_space<vmem_shared>>
          tpu.wait_indirect_dma semaphore(%run_scoped3A_186 : memref<!tpu.dma_semaphore, #tpu.memory_space<semaphore_mem>>) src(%dma_wait3A_200 : memref<128x128xf32, #tpu.memory_space<vmem>>) dst(%dma_wait3A_206 : memref<10240x128xf32, #tpu.memory_space<vmem_shared>>)
          tpu.yield
        }) : () -> ()
        %add3A_139 = arith.constant 2 : i32
        %add3A_140 = arith.addi %add3A_119, %add3A_139 : i32
        %dma_start3A_141 = arith.constant 0 : i32
        %dma_start3A_142 = arith.constant 0 : i32
        %dma_start3A_143 = arith.constant 0 : i32
        %dma_start3A_144 = tpu.memref_slice %arg8[%dma_start3A_141, %dma_start3A_142, %dma_start3A_143] : memref<2x128x128xf32, #tpu.memory_space<vmem>> -> memref<1x128x128xf32, #tpu.memory_space<vmem>>
        %dma_start3A_145 = tpu.memref_squeeze %dma_start3A_144 : memref<1x128x128xf32, #tpu.memory_space<vmem>> -> memref<128x128xf32, #tpu.memory_space<vmem>>
        %dma_start3A_146 = arith.constant 0 : i32
        %dma_start3A_147 = tpu.memref_slice %arg6[%add3A_140, %dma_start3A_146] : memref<40x128xi32, #tpu.memory_space<vmem>> -> memref<1x128xi32, #tpu.memory_space<vmem>>
        %dma_start3A_148 = tpu.memref_squeeze %dma_start3A_147 : memref<1x128xi32, #tpu.memory_space<vmem>> -> memref<128xi32, #tpu.memory_space<vmem>>
        %dma_start3A_149 = arith.constant 0 : i32
        %dma_start3A_150 = arith.constant 0 : i32
        %dma_start3A_151 = tpu.memref_slice %arg2[%dma_start3A_149, %dma_start3A_150] : memref<20000x128xf32, #tpu.memory_space<hbm>> -> memref<20000x128xf32, #tpu.memory_space<hbm>>
        tpu.enqueue_indirect_dma source(%dma_start3A_151 : memref<20000x128xf32, #tpu.memory_space<hbm>>) target(%dma_start3A_145 : memref<128x128xf32, #tpu.memory_space<vmem>>) offsets(%dma_start3A_148 : memref<128xi32, #tpu.memory_space<vmem>>) semaphore(%arg9 : memref<!tpu.dma_semaphore, #tpu.memory_space<semaphore_mem>>)
        %add3A_152 = arith.constant 1 : i32
        %add3A_153 = arith.addi %add3A_117, %add3A_152 : i32
        %dma_wait3A_154 = arith.constant 1 : i32
        %dma_wait3A_155 = arith.constant 0 : i32
        %dma_wait3A_156 = arith.constant 0 : i32
        %dma_wait3A_157 = tpu.memref_slice %arg8[%dma_wait3A_154, %dma_wait3A_155, %dma_wait3A_156] : memref<2x128x128xf32, #tpu.memory_space<vmem>> -> memref<1x128x128xf32, #tpu.memory_space<vmem>>
        %dma_wait3A_158 = tpu.memref_squeeze %dma_wait3A_157 : memref<1x128x128xf32, #tpu.memory_space<vmem>> -> memref<128x128xf32, #tpu.memory_space<vmem>>
        %dma_wait3A_159 = arith.constant 0 : i32
        %dma_wait3A_160 = arith.constant 0 : i32
        %dma_wait3A_161 = tpu.memref_slice %arg2[%dma_wait3A_159, %dma_wait3A_160] : memref<20000x128xf32, #tpu.memory_space<hbm>> -> memref<128x128xf32, #tpu.memory_space<hbm>>
        %dma_wait3A_162 = arith.constant 0 : i32
        %dma_wait3A_163 = arith.constant 0 : i32
        %dma_wait3A_164 = tpu.memref_slice %arg8[%dma_wait3A_154, %dma_wait3A_162, %dma_wait3A_163] : memref<2x128x128xf32, #tpu.memory_space<vmem>> -> memref<1x128x128xf32, #tpu.memory_space<vmem>>
        %dma_wait3A_165 = tpu.memref_squeeze %dma_wait3A_164 : memref<1x128x128xf32, #tpu.memory_space<vmem>> -> memref<128x128xf32, #tpu.memory_space<vmem>>
        %dma_wait3A_166 = arith.constant 0 : i32
        %dma_wait3A_167 = arith.constant 0 : i32
        %dma_wait3A_168 = tpu.memref_slice %arg2[%dma_wait3A_166, %dma_wait3A_167] : memref<20000x128xf32, #tpu.memory_space<hbm>> -> memref<128x128xf32, #tpu.memory_space<hbm>>
        tpu.wait_dma2 semaphore(%arg10 : memref<!tpu.dma_semaphore, #tpu.memory_space<semaphore_mem>>) src(%dma_wait3A_168 : memref<128x128xf32, #tpu.memory_space<hbm>>) dst(%dma_wait3A_165 : memref<128x128xf32, #tpu.memory_space<vmem>>)
        %mul3A_169 = arith.constant 40 : i32
        %mul3A_170 = arith.muli %add3A_35, %mul3A_169 : i32
        %add3A_171 = arith.addi %mul3A_170, %add3A_153 : i32
        %run_scoped3A_172 = arith.constant 1 : i32
        "tpu.region"() ({
          %run_scoped3A_186 = tpu.sem_alloc : memref<!tpu.dma_semaphore, #tpu.memory_space<semaphore_mem>>
          %dma_start3A_187 = arith.constant 0 : i32
          %dma_start3A_188 = arith.constant 0 : i32
          %dma_start3A_189 = tpu.memref_slice %arg8[%run_scoped3A_172, %dma_start3A_187, %dma_start3A_188] : memref<2x128x128xf32, #tpu.memory_space<vmem>> -> memref<1x128x128xf32, #tpu.memory_space<vmem>>
          %dma_start3A_190 = tpu.memref_squeeze %dma_start3A_189 : memref<1x128x128xf32, #tpu.memory_space<vmem>> -> memref<128x128xf32, #tpu.memory_space<vmem>>
          %dma_start3A_191 = arith.constant 0 : i32
          %dma_start3A_192 = tpu.memref_slice %arg7[%add3A_171, %dma_start3A_191] : memref<80x128xi32, #tpu.memory_space<vmem>> -> memref<1x128xi32, #tpu.memory_space<vmem>>
          %dma_start3A_193 = tpu.memref_squeeze %dma_start3A_192 : memref<1x128xi32, #tpu.memory_space<vmem>> -> memref<128xi32, #tpu.memory_space<vmem>>
          %dma_start3A_194 = arith.constant 0 : i32
          %dma_start3A_195 = arith.constant 0 : i32
          %dma_start3A_196 = tpu.memref_slice %arg5[%dma_start3A_194, %dma_start3A_195] : memref<10240x128xf32, #tpu.memory_space<vmem_shared>> -> memref<10240x128xf32, #tpu.memory_space<vmem_shared>>
          tpu.enqueue_indirect_dma source(%dma_start3A_190 : memref<128x128xf32, #tpu.memory_space<vmem>>) target(%dma_start3A_196 : memref<10240x128xf32, #tpu.memory_space<vmem_shared>>) offsets(%dma_start3A_193 : memref<128xi32, #tpu.memory_space<vmem>>) semaphore(%run_scoped3A_186 : memref<!tpu.dma_semaphore, #tpu.memory_space<semaphore_mem>>) {add = true}
          %dma_wait3A_197 = arith.constant 0 : i32
          %dma_wait3A_198 = arith.constant 0 : i32
          %dma_wait3A_199 = tpu.memref_slice %arg8[%run_scoped3A_172, %dma_wait3A_197, %dma_wait3A_198] : memref<2x128x128xf32, #tpu.memory_space<vmem>> -> memref<1x128x128xf32, #tpu.memory_space<vmem>>
          %dma_wait3A_200 = tpu.memref_squeeze %dma_wait3A_199 : memref<1x128x128xf32, #tpu.memory_space<vmem>> -> memref<128x128xf32, #tpu.memory_space<vmem>>
          %dma_wait3A_201 = arith.constant 0 : i32
          %dma_wait3A_202 = tpu.memref_slice %arg7[%add3A_171, %dma_wait3A_201] : memref<80x128xi32, #tpu.memory_space<vmem>> -> memref<1x128xi32, #tpu.memory_space<vmem>>
          %dma_wait3A_203 = tpu.memref_squeeze %dma_wait3A_202 : memref<1x128xi32, #tpu.memory_space<vmem>> -> memref<128xi32, #tpu.memory_space<vmem>>
          %dma_wait3A_204 = arith.constant 0 : i32
          %dma_wait3A_205 = arith.constant 0 : i32
          %dma_wait3A_206 = tpu.memref_slice %arg5[%dma_wait3A_204, %dma_wait3A_205] : memref<10240x128xf32, #tpu.memory_space<vmem_shared>> -> memref<10240x128xf32, #tpu.memory_space<vmem_shared>>
          tpu.wait_indirect_dma semaphore(%run_scoped3A_186 : memref<!tpu.dma_semaphore, #tpu.memory_space<semaphore_mem>>) src(%dma_wait3A_200 : memref<128x128xf32, #tpu.memory_space<vmem>>) dst(%dma_wait3A_206 : memref<10240x128xf32, #tpu.memory_space<vmem_shared>>)
          tpu.yield
        }) : () -> ()
        %add3A_173 = arith.constant 2 : i32
        %add3A_174 = arith.addi %add3A_153, %add3A_173 : i32
        %dma_start3A_175 = arith.constant 1 : i32
        %dma_start3A_176 = arith.constant 0 : i32
        %dma_start3A_177 = arith.constant 0 : i32
        %dma_start3A_178 = tpu.memref_slice %arg8[%dma_start3A_175, %dma_start3A_176, %dma_start3A_177] : memref<2x128x128xf32, #tpu.memory_space<vmem>> -> memref<1x128x128xf32, #tpu.memory_space<vmem>>
        %dma_start3A_179 = tpu.memref_squeeze %dma_start3A_178 : memref<1x128x128xf32, #tpu.memory_space<vmem>> -> memref<128x128xf32, #tpu.memory_space<vmem>>
        %dma_start3A_180 = arith.constant 0 : i32
        %dma_start3A_181 = tpu.memref_slice %arg6[%add3A_174, %dma_start3A_180] : memref<40x128xi32, #tpu.memory_space<vmem>> -> memref<1x128xi32, #tpu.memory_space<vmem>>
        %dma_start3A_182 = tpu.memref_squeeze %dma_start3A_181 : memref<1x128xi32, #tpu.memory_space<vmem>> -> memref<128xi32, #tpu.memory_space<vmem>>
        %dma_start3A_183 = arith.constant 0 : i32
        %dma_start3A_184 = arith.constant 0 : i32
        %dma_start3A_185 = tpu.memref_slice %arg2[%dma_start3A_183, %dma_start3A_184] : memref<20000x128xf32, #tpu.memory_space<hbm>> -> memref<20000x128xf32, #tpu.memory_space<hbm>>
        tpu.enqueue_indirect_dma source(%dma_start3A_185 : memref<20000x128xf32, #tpu.memory_space<hbm>>) target(%dma_start3A_179 : memref<128x128xf32, #tpu.memory_space<vmem>>) offsets(%dma_start3A_182 : memref<128xi32, #tpu.memory_space<vmem>>) semaphore(%arg10 : memref<!tpu.dma_semaphore, #tpu.memory_space<semaphore_mem>>)
      }
      %scan3A_66 = arith.constant 19 : i32
      %dma_wait3A = arith.constant 0 : i32
      %dma_wait3A_67 = arith.constant 0 : i32
      %dma_wait3A_68 = arith.constant 0 : i32
      %dma_wait3A_69 = tpu.memref_slice %arg8[%dma_wait3A, %dma_wait3A_67, %dma_wait3A_68] : memref<2x128x128xf32, #tpu.memory_space<vmem>> -> memref<1x128x128xf32, #tpu.memory_space<vmem>>
      %dma_wait3A_70 = tpu.memref_squeeze %dma_wait3A_69 : memref<1x128x128xf32, #tpu.memory_space<vmem>> -> memref<128x128xf32, #tpu.memory_space<vmem>>
      %dma_wait3A_71 = arith.constant 0 : i32
      %dma_wait3A_72 = arith.constant 0 : i32
      %dma_wait3A_73 = tpu.memref_slice %arg2[%dma_wait3A_71, %dma_wait3A_72] : memref<20000x128xf32, #tpu.memory_space<hbm>> -> memref<128x128xf32, #tpu.memory_space<hbm>>
      %dma_wait3A_74 = arith.constant 0 : i32
      %dma_wait3A_75 = arith.constant 0 : i32
      %dma_wait3A_76 = tpu.memref_slice %arg8[%dma_wait3A, %dma_wait3A_74, %dma_wait3A_75] : memref<2x128x128xf32, #tpu.memory_space<vmem>> -> memref<1x128x128xf32, #tpu.memory_space<vmem>>
      %dma_wait3A_77 = tpu.memref_squeeze %dma_wait3A_76 : memref<1x128x128xf32, #tpu.memory_space<vmem>> -> memref<128x128xf32, #tpu.memory_space<vmem>>
      %dma_wait3A_78 = arith.constant 0 : i32
      %dma_wait3A_79 = arith.constant 0 : i32
      %dma_wait3A_80 = tpu.memref_slice %arg2[%dma_wait3A_78, %dma_wait3A_79] : memref<20000x128xf32, #tpu.memory_space<hbm>> -> memref<128x128xf32, #tpu.memory_space<hbm>>
      tpu.wait_dma2 semaphore(%arg9 : memref<!tpu.dma_semaphore, #tpu.memory_space<semaphore_mem>>) src(%dma_wait3A_80 : memref<128x128xf32, #tpu.memory_space<hbm>>) dst(%dma_wait3A_77 : memref<128x128xf32, #tpu.memory_space<vmem>>)
      %mul3A_81 = arith.constant 40 : i32
      %mul3A_82 = arith.muli %add3A_35, %mul3A_81 : i32
      %add3A_83 = arith.constant 40 : i32
      %add3A_84 = arith.addi %mul3A_82, %add3A_83 : i32
      %sub3A = arith.constant 2 : i32
      %sub3A_85 = arith.subi %add3A_84, %sub3A : i32
      %add3A_86 = arith.constant 0 : i32
      %add3A_87 = arith.addi %sub3A_85, %add3A_86 : i32
      %run_scoped3A_88 = arith.constant 0 : i32
      "tpu.region"() ({
        %run_scoped3A_113 = tpu.sem_alloc : memref<!tpu.dma_semaphore, #tpu.memory_space<semaphore_mem>>
        %dma_start3A_114 = arith.constant 0 : i32
        %dma_start3A_115 = arith.constant 0 : i32
        %dma_start3A_116 = tpu.memref_slice %arg8[%run_scoped3A_88, %dma_start3A_114, %dma_start3A_115] : memref<2x128x128xf32, #tpu.memory_space<vmem>> -> memref<1x128x128xf32, #tpu.memory_space<vmem>>
        %dma_start3A_117 = tpu.memref_squeeze %dma_start3A_116 : memref<1x128x128xf32, #tpu.memory_space<vmem>> -> memref<128x128xf32, #tpu.memory_space<vmem>>
        %dma_start3A_118 = arith.constant 0 : i32
        %dma_start3A_119 = tpu.memref_slice %arg7[%add3A_87, %dma_start3A_118] : memref<80x128xi32, #tpu.memory_space<vmem>> -> memref<1x128xi32, #tpu.memory_space<vmem>>
        %dma_start3A_120 = tpu.memref_squeeze %dma_start3A_119 : memref<1x128xi32, #tpu.memory_space<vmem>> -> memref<128xi32, #tpu.memory_space<vmem>>
        %dma_start3A_121 = arith.constant 0 : i32
        %dma_start3A_122 = arith.constant 0 : i32
        %dma_start3A_123 = tpu.memref_slice %arg5[%dma_start3A_121, %dma_start3A_122] : memref<10240x128xf32, #tpu.memory_space<vmem_shared>> -> memref<10240x128xf32, #tpu.memory_space<vmem_shared>>
        tpu.enqueue_indirect_dma source(%dma_start3A_117 : memref<128x128xf32, #tpu.memory_space<vmem>>) target(%dma_start3A_123 : memref<10240x128xf32, #tpu.memory_space<vmem_shared>>) offsets(%dma_start3A_120 : memref<128xi32, #tpu.memory_space<vmem>>) semaphore(%run_scoped3A_113 : memref<!tpu.dma_semaphore, #tpu.memory_space<semaphore_mem>>) {add = true}
        %dma_wait3A_124 = arith.constant 0 : i32
        %dma_wait3A_125 = arith.constant 0 : i32
        %dma_wait3A_126 = tpu.memref_slice %arg8[%run_scoped3A_88, %dma_wait3A_124, %dma_wait3A_125] : memref<2x128x128xf32, #tpu.memory_space<vmem>> -> memref<1x128x128xf32, #tpu.memory_space<vmem>>
        %dma_wait3A_127 = tpu.memref_squeeze %dma_wait3A_126 : memref<1x128x128xf32, #tpu.memory_space<vmem>> -> memref<128x128xf32, #tpu.memory_space<vmem>>
        %dma_wait3A_128 = arith.constant 0 : i32
        %dma_wait3A_129 = tpu.memref_slice %arg7[%add3A_87, %dma_wait3A_128] : memref<80x128xi32, #tpu.memory_space<vmem>> -> memref<1x128xi32, #tpu.memory_space<vmem>>
        %dma_wait3A_130 = tpu.memref_squeeze %dma_wait3A_129 : memref<1x128xi32, #tpu.memory_space<vmem>> -> memref<128xi32, #tpu.memory_space<vmem>>
        %dma_wait3A_131 = arith.constant 0 : i32
        %dma_wait3A_132 = arith.constant 0 : i32
        %dma_wait3A_133 = tpu.memref_slice %arg5[%dma_wait3A_131, %dma_wait3A_132] : memref<10240x128xf32, #tpu.memory_space<vmem_shared>> -> memref<10240x128xf32, #tpu.memory_space<vmem_shared>>
        tpu.wait_indirect_dma semaphore(%run_scoped3A_113 : memref<!tpu.dma_semaphore, #tpu.memory_space<semaphore_mem>>) src(%dma_wait3A_127 : memref<128x128xf32, #tpu.memory_space<vmem>>) dst(%dma_wait3A_133 : memref<10240x128xf32, #tpu.memory_space<vmem_shared>>)
        tpu.yield
      }) : () -> ()
      %dma_wait3A_89 = arith.constant 1 : i32
      %dma_wait3A_90 = arith.constant 0 : i32
      %dma_wait3A_91 = arith.constant 0 : i32
      %dma_wait3A_92 = tpu.memref_slice %arg8[%dma_wait3A_89, %dma_wait3A_90, %dma_wait3A_91] : memref<2x128x128xf32, #tpu.memory_space<vmem>> -> memref<1x128x128xf32, #tpu.memory_space<vmem>>
      %dma_wait3A_93 = tpu.memref_squeeze %dma_wait3A_92 : memref<1x128x128xf32, #tpu.memory_space<vmem>> -> memref<128x128xf32, #tpu.memory_space<vmem>>
      %dma_wait3A_94 = arith.constant 0 : i32
      %dma_wait3A_95 = arith.constant 0 : i32
      %dma_wait3A_96 = tpu.memref_slice %arg2[%dma_wait3A_94, %dma_wait3A_95] : memref<20000x128xf32, #tpu.memory_space<hbm>> -> memref<128x128xf32, #tpu.memory_space<hbm>>
      %dma_wait3A_97 = arith.constant 0 : i32
      %dma_wait3A_98 = arith.constant 0 : i32
      %dma_wait3A_99 = tpu.memref_slice %arg8[%dma_wait3A_89, %dma_wait3A_97, %dma_wait3A_98] : memref<2x128x128xf32, #tpu.memory_space<vmem>> -> memref<1x128x128xf32, #tpu.memory_space<vmem>>
      %dma_wait3A_100 = tpu.memref_squeeze %dma_wait3A_99 : memref<1x128x128xf32, #tpu.memory_space<vmem>> -> memref<128x128xf32, #tpu.memory_space<vmem>>
      %dma_wait3A_101 = arith.constant 0 : i32
      %dma_wait3A_102 = arith.constant 0 : i32
      %dma_wait3A_103 = tpu.memref_slice %arg2[%dma_wait3A_101, %dma_wait3A_102] : memref<20000x128xf32, #tpu.memory_space<hbm>> -> memref<128x128xf32, #tpu.memory_space<hbm>>
      tpu.wait_dma2 semaphore(%arg10 : memref<!tpu.dma_semaphore, #tpu.memory_space<semaphore_mem>>) src(%dma_wait3A_103 : memref<128x128xf32, #tpu.memory_space<hbm>>) dst(%dma_wait3A_100 : memref<128x128xf32, #tpu.memory_space<vmem>>)
      %mul3A_104 = arith.constant 40 : i32
      %mul3A_105 = arith.muli %add3A_35, %mul3A_104 : i32
      %add3A_106 = arith.constant 40 : i32
      %add3A_107 = arith.addi %mul3A_105, %add3A_106 : i32
      %sub3A_108 = arith.constant 2 : i32
      %sub3A_109 = arith.subi %add3A_107, %sub3A_108 : i32
      %add3A_110 = arith.constant 1 : i32
      %add3A_111 = arith.addi %sub3A_109, %add3A_110 : i32
      %run_scoped3A_112 = arith.constant 1 : i32
      "tpu.region"() ({
        %run_scoped3A_113 = tpu.sem_alloc : memref<!tpu.dma_semaphore, #tpu.memory_space<semaphore_mem>>
        %dma_start3A_114 = arith.constant 0 : i32
        %dma_start3A_115 = arith.constant 0 : i32
        %dma_start3A_116 = tpu.memref_slice %arg8[%run_scoped3A_112, %dma_start3A_114, %dma_start3A_115] : memref<2x128x128xf32, #tpu.memory_space<vmem>> -> memref<1x128x128xf32, #tpu.memory_space<vmem>>
        %dma_start3A_117 = tpu.memref_squeeze %dma_start3A_116 : memref<1x128x128xf32, #tpu.memory_space<vmem>> -> memref<128x128xf32, #tpu.memory_space<vmem>>
        %dma_start3A_118 = arith.constant 0 : i32
        %dma_start3A_119 = tpu.memref_slice %arg7[%add3A_111, %dma_start3A_118] : memref<80x128xi32, #tpu.memory_space<vmem>> -> memref<1x128xi32, #tpu.memory_space<vmem>>
        %dma_start3A_120 = tpu.memref_squeeze %dma_start3A_119 : memref<1x128xi32, #tpu.memory_space<vmem>> -> memref<128xi32, #tpu.memory_space<vmem>>
        %dma_start3A_121 = arith.constant 0 : i32
        %dma_start3A_122 = arith.constant 0 : i32
        %dma_start3A_123 = tpu.memref_slice %arg5[%dma_start3A_121, %dma_start3A_122] : memref<10240x128xf32, #tpu.memory_space<vmem_shared>> -> memref<10240x128xf32, #tpu.memory_space<vmem_shared>>
        tpu.enqueue_indirect_dma source(%dma_start3A_117 : memref<128x128xf32, #tpu.memory_space<vmem>>) target(%dma_start3A_123 : memref<10240x128xf32, #tpu.memory_space<vmem_shared>>) offsets(%dma_start3A_120 : memref<128xi32, #tpu.memory_space<vmem>>) semaphore(%run_scoped3A_113 : memref<!tpu.dma_semaphore, #tpu.memory_space<semaphore_mem>>) {add = true}
        %dma_wait3A_124 = arith.constant 0 : i32
        %dma_wait3A_125 = arith.constant 0 : i32
        %dma_wait3A_126 = tpu.memref_slice %arg8[%run_scoped3A_112, %dma_wait3A_124, %dma_wait3A_125] : memref<2x128x128xf32, #tpu.memory_space<vmem>> -> memref<1x128x128xf32, #tpu.memory_space<vmem>>
        %dma_wait3A_127 = tpu.memref_squeeze %dma_wait3A_126 : memref<1x128x128xf32, #tpu.memory_space<vmem>> -> memref<128x128xf32, #tpu.memory_space<vmem>>
        %dma_wait3A_128 = arith.constant 0 : i32
        %dma_wait3A_129 = tpu.memref_slice %arg7[%add3A_111, %dma_wait3A_128] : memref<80x128xi32, #tpu.memory_space<vmem>> -> memref<1x128xi32, #tpu.memory_space<vmem>>
        %dma_wait3A_130 = tpu.memref_squeeze %dma_wait3A_129 : memref<1x128xi32, #tpu.memory_space<vmem>> -> memref<128xi32, #tpu.memory_space<vmem>>
        %dma_wait3A_131 = arith.constant 0 : i32
        %dma_wait3A_132 = arith.constant 0 : i32
        %dma_wait3A_133 = tpu.memref_slice %arg5[%dma_wait3A_131, %dma_wait3A_132] : memref<10240x128xf32, #tpu.memory_space<vmem_shared>> -> memref<10240x128xf32, #tpu.memory_space<vmem_shared>>
        tpu.wait_indirect_dma semaphore(%run_scoped3A_113 : memref<!tpu.dma_semaphore, #tpu.memory_space<semaphore_mem>>) src(%dma_wait3A_127 : memref<128x128xf32, #tpu.memory_space<vmem>>) dst(%dma_wait3A_133 : memref<10240x128xf32, #tpu.memory_space<vmem_shared>>)
        tpu.yield
      }) : () -> ()
    }
    %scan3A_22 = arith.constant 2 : i32
    %barrier3A_23 = arith.constant 0 : index
    tpu.barrier barrier_id(%barrier3A_23)
    %scan3A_24 = arith.constant 0 : i32
    %scan3A_25 = arith.constant 0 : i32
    %scan3A_26 = arith.constant 5 : i32
    %scan3A_27 = arith.addi %scan3A_25, %scan3A_26 : i32
    %scan3A_28 = arith.constant 1 : i32
    %scan3A_29 = scf.for %scan3A_31 = %scan3A_25 to %scan3A_27 step %scan3A_28 iter_args(%scan3A_32 = %scan3A_24) -> (i32)  : i32 {
      %mul3A_33 = arith.constant 128 : i32
      %mul3A_34 = arith.muli %scan3A_31, %mul3A_33 : i32
      %add3A_35 = arith.addi %mul3A_2, %mul3A_34 : i32
      %run_scoped3A_36 = arith.constant 0 : i32
      "tpu.region"() ({
        %run_scoped3A_39 = tpu.sem_alloc : memref<!tpu.dma_semaphore, #tpu.memory_space<semaphore_mem>>
        %dma_start3A = arith.constant 0 : i32
        %dma_start3A_40 = arith.constant 0 : i32
        %dma_start3A_41 = tpu.memref_slice %arg8[%run_scoped3A_36, %dma_start3A, %dma_start3A_40] : memref<2x128x128xf32, #tpu.memory_space<vmem>> -> memref<1x128x128xf32, #tpu.memory_space<vmem>>
        %dma_start3A_42 = tpu.memref_squeeze %dma_start3A_41 : memref<1x128x128xf32, #tpu.memory_space<vmem>> -> memref<128x128xf32, #tpu.memory_space<vmem>>
        %dma_start3A_43 = arith.constant 0 : i32
        %dma_start3A_44 = tpu.memref_slice %arg5[%add3A_35, %dma_start3A_43] : memref<10240x128xf32, #tpu.memory_space<vmem_shared>> -> memref<128x128xf32, #tpu.memory_space<vmem_shared>>
        %dma_start3A_45 = arith.constant 0 : i32
        %dma_start3A_46 = arith.constant 0 : i32
        %dma_start3A_47 = tpu.memref_slice %arg8[%run_scoped3A_36, %dma_start3A_45, %dma_start3A_46] : memref<2x128x128xf32, #tpu.memory_space<vmem>> -> memref<1x128x128xf32, #tpu.memory_space<vmem>>
        %dma_start3A_48 = tpu.memref_squeeze %dma_start3A_47 : memref<1x128x128xf32, #tpu.memory_space<vmem>> -> memref<128x128xf32, #tpu.memory_space<vmem>>
        %dma_start3A_49 = arith.constant 0 : i32
        %dma_start3A_50 = tpu.memref_slice %arg5[%add3A_35, %dma_start3A_49] : memref<10240x128xf32, #tpu.memory_space<vmem_shared>> -> memref<128x128xf32, #tpu.memory_space<vmem_shared>>
        tpu.enqueue_dma source(%dma_start3A_50 : memref<128x128xf32, #tpu.memory_space<vmem_shared>>) target(%dma_start3A_48 : memref<128x128xf32, #tpu.memory_space<vmem>>) target_semaphore(%run_scoped3A_39 : memref<!tpu.dma_semaphore, #tpu.memory_space<semaphore_mem>>)
        %dma_wait3A = arith.constant 0 : i32
        %dma_wait3A_51 = arith.constant 0 : i32
        %dma_wait3A_52 = tpu.memref_slice %arg8[%run_scoped3A_36, %dma_wait3A, %dma_wait3A_51] : memref<2x128x128xf32, #tpu.memory_space<vmem>> -> memref<1x128x128xf32, #tpu.memory_space<vmem>>
        %dma_wait3A_53 = tpu.memref_squeeze %dma_wait3A_52 : memref<1x128x128xf32, #tpu.memory_space<vmem>> -> memref<128x128xf32, #tpu.memory_space<vmem>>
        %dma_wait3A_54 = arith.constant 0 : i32
        %dma_wait3A_55 = tpu.memref_slice %arg5[%add3A_35, %dma_wait3A_54] : memref<10240x128xf32, #tpu.memory_space<vmem_shared>> -> memref<128x128xf32, #tpu.memory_space<vmem_shared>>
        %dma_wait3A_56 = arith.constant 0 : i32
        %dma_wait3A_57 = arith.constant 0 : i32
        %dma_wait3A_58 = tpu.memref_slice %arg8[%run_scoped3A_36, %dma_wait3A_56, %dma_wait3A_57] : memref<2x128x128xf32, #tpu.memory_space<vmem>> -> memref<1x128x128xf32, #tpu.memory_space<vmem>>
        %dma_wait3A_59 = tpu.memref_squeeze %dma_wait3A_58 : memref<1x128x128xf32, #tpu.memory_space<vmem>> -> memref<128x128xf32, #tpu.memory_space<vmem>>
        %dma_wait3A_60 = arith.constant 0 : i32
        %dma_wait3A_61 = tpu.memref_slice %arg5[%add3A_35, %dma_wait3A_60] : memref<10240x128xf32, #tpu.memory_space<vmem_shared>> -> memref<128x128xf32, #tpu.memory_space<vmem_shared>>
        tpu.wait_dma2 semaphore(%run_scoped3A_39 : memref<!tpu.dma_semaphore, #tpu.memory_space<semaphore_mem>>) src(%dma_wait3A_61 : memref<128x128xf32, #tpu.memory_space<vmem_shared>>) dst(%dma_wait3A_59 : memref<128x128xf32, #tpu.memory_space<vmem>>)
        tpu.yield
      }) : () -> ()
      %run_scoped3A_37 = arith.constant 0 : i32
      "tpu.region"() ({
        %run_scoped3A_39 = tpu.sem_alloc : memref<!tpu.dma_semaphore, #tpu.memory_space<semaphore_mem>>
        %dma_start3A = arith.constant 0 : i32
        %dma_start3A_40 = arith.constant 0 : i32
        %dma_start3A_41 = tpu.memref_slice %arg8[%run_scoped3A_37, %dma_start3A, %dma_start3A_40] : memref<2x128x128xf32, #tpu.memory_space<vmem>> -> memref<1x128x128xf32, #tpu.memory_space<vmem>>
        %dma_start3A_42 = tpu.memref_squeeze %dma_start3A_41 : memref<1x128x128xf32, #tpu.memory_space<vmem>> -> memref<128x128xf32, #tpu.memory_space<vmem>>
        %dma_start3A_43 = arith.constant 0 : i32
        %dma_start3A_44 = tpu.memref_slice %arg4[%arg0, %add3A_35, %dma_start3A_43] : memref<2x10240x128xf32, #tpu.memory_space<hbm>> -> memref<1x128x128xf32, #tpu.memory_space<hbm>>
        %dma_start3A_45 = tpu.memref_squeeze %dma_start3A_44 : memref<1x128x128xf32, #tpu.memory_space<hbm>> -> memref<128x128xf32, #tpu.memory_space<hbm>>
        %dma_start3A_46 = arith.constant 0 : i32
        %dma_start3A_47 = tpu.memref_slice %arg4[%arg0, %add3A_35, %dma_start3A_46] : memref<2x10240x128xf32, #tpu.memory_space<hbm>> -> memref<1x128x128xf32, #tpu.memory_space<hbm>>
        %dma_start3A_48 = tpu.memref_squeeze %dma_start3A_47 : memref<1x128x128xf32, #tpu.memory_space<hbm>> -> memref<128x128xf32, #tpu.memory_space<hbm>>
        %dma_start3A_49 = arith.constant 0 : i32
        %dma_start3A_50 = arith.constant 0 : i32
        %dma_start3A_51 = tpu.memref_slice %arg8[%run_scoped3A_37, %dma_start3A_49, %dma_start3A_50] : memref<2x128x128xf32, #tpu.memory_space<vmem>> -> memref<1x128x128xf32, #tpu.memory_space<vmem>>
        %dma_start3A_52 = tpu.memref_squeeze %dma_start3A_51 : memref<1x128x128xf32, #tpu.memory_space<vmem>> -> memref<128x128xf32, #tpu.memory_space<vmem>>
        tpu.enqueue_dma source(%dma_start3A_52 : memref<128x128xf32, #tpu.memory_space<vmem>>) target(%dma_start3A_48 : memref<128x128xf32, #tpu.memory_space<hbm>>) target_semaphore(%run_scoped3A_39 : memref<!tpu.dma_semaphore, #tpu.memory_space<semaphore_mem>>)
        %dma_wait3A = arith.constant 0 : i32
        %dma_wait3A_53 = arith.constant 0 : i32
        %dma_wait3A_54 = tpu.memref_slice %arg8[%run_scoped3A_37, %dma_wait3A, %dma_wait3A_53] : memref<2x128x128xf32, #tpu.memory_space<vmem>> -> memref<1x128x128xf32, #tpu.memory_space<vmem>>
        %dma_wait3A_55 = tpu.memref_squeeze %dma_wait3A_54 : memref<1x128x128xf32, #tpu.memory_space<vmem>> -> memref<128x128xf32, #tpu.memory_space<vmem>>
        %dma_wait3A_56 = arith.constant 0 : i32
        %dma_wait3A_57 = tpu.memref_slice %arg4[%arg0, %add3A_35, %dma_wait3A_56] : memref<2x10240x128xf32, #tpu.memory_space<hbm>> -> memref<1x128x128xf32, #tpu.memory_space<hbm>>
        %dma_wait3A_58 = tpu.memref_squeeze %dma_wait3A_57 : memref<1x128x128xf32, #tpu.memory_space<hbm>> -> memref<128x128xf32, #tpu.memory_space<hbm>>
        %dma_wait3A_59 = arith.constant 0 : i32
        %dma_wait3A_60 = tpu.memref_slice %arg4[%arg0, %add3A_35, %dma_wait3A_59] : memref<2x10240x128xf32, #tpu.memory_space<hbm>> -> memref<1x128x128xf32, #tpu.memory_space<hbm>>
        %dma_wait3A_61 = tpu.memref_squeeze %dma_wait3A_60 : memref<1x128x128xf32, #tpu.memory_space<hbm>> -> memref<128x128xf32, #tpu.memory_space<hbm>>
        %dma_wait3A_62 = arith.constant 0 : i32
        %dma_wait3A_63 = arith.constant 0 : i32
        %dma_wait3A_64 = tpu.memref_slice %arg8[%run_scoped3A_37, %dma_wait3A_62, %dma_wait3A_63] : memref<2x128x128xf32, #tpu.memory_space<vmem>> -> memref<1x128x128xf32, #tpu.memory_space<vmem>>
        %dma_wait3A_65 = tpu.memref_squeeze %dma_wait3A_64 : memref<1x128x128xf32, #tpu.memory_space<vmem>> -> memref<128x128xf32, #tpu.memory_space<vmem>>
        tpu.wait_dma2 semaphore(%run_scoped3A_39 : memref<!tpu.dma_semaphore, #tpu.memory_space<semaphore_mem>>) src(%dma_wait3A_65 : memref<128x128xf32, #tpu.memory_space<vmem>>) dst(%dma_wait3A_61 : memref<128x128xf32, #tpu.memory_space<hbm>>)
        tpu.yield
      }) : () -> ()
      %scan3A_38 = arith.constant 0 : i32
      scf.yield %scan3A_38 : i32
    }
    %scan3A_30 = arith.constant 5 : i32
    return
  }
}

module attributes {stable_mosaic.version = 14 : i64} {
  func.func @_prep1_body(%arg0: i32, %arg1: memref<1000x128xf32, #tpu.memory_space<vmem>>, %arg2: memref<1000x128xf32, #tpu.memory_space<vmem>>, %arg3: memref<128x128xf32, #tpu.memory_space<vmem>>, %arg4: memref<1000x128xf32, #tpu.memory_space<vmem>>) attributes {dimension_semantics = [#tpu.dimension_semantics<arbitrary>], iteration_bounds = array<i64: 10>, scalar_prefetch = 0 : i64, scratch_operands = 0 : i64, tpu.core_type = #tpu.core_type<tc>, window_params = [{transform_indices = @transform_0, window_bounds = array<i64: 1000, 128>}, {transform_indices = @transform_1, window_bounds = array<i64: 1000, 128>}, {pipeline_mode = #tpu.pipeline_mode<synchronous>, transform_indices = @transform_2, window_bounds = array<i64: 128, 128>}, {transform_indices = @transform_3, window_bounds = array<i64: 1000, 128>}]} {
    %get3A = arith.constant 0 : index
    %get3A_0 = arith.constant 0 : index
    %get3A_1 = vector.load %arg1[%get3A, %get3A_0] : memref<1000x128xf32, #tpu.memory_space<vmem>>, vector<1000x128xf32>
    %get3A_2 = arith.constant 0 : index
    %get3A_3 = arith.constant 0 : index
    %get3A_4 = vector.load %arg2[%get3A_2, %get3A_3] : memref<1000x128xf32, #tpu.memory_space<vmem>>, vector<1000x1xf32>
    %gt3A = arith.constant 0.000000e+00 : f32
    %gt3A_5 = vector.broadcast %gt3A : f32 to vector<1000x1xf32>
    %gt3A_6 = arith.cmpf ogt, %get3A_4, %gt3A_5 : vector<1000x1xf32>
    %max3A = arith.constant 1.000000e+00 : f32
    %max3A_7 = vector.broadcast %max3A : f32 to vector<1000x1xf32>
    %max3A_8 = arith.maximumf %get3A_4, %max3A_7 : vector<1000x1xf32>
    %rsqrt3A = math.rsqrt %max3A_8 : vector<1000x1xf32>
    %jit3A = arith.constant 0.000000e+00 : f32
    %broadcast_in_dim3A = vector.broadcast %jit3A : f32 to vector<1000x1xf32>
    %select_n3A = arith.select %gt3A_6, %rsqrt3A, %broadcast_in_dim3A : vector<1000x1xi1>, vector<1000x1xf32>
    %mul3A = vector.broadcast %select_n3A : vector<1000x1xf32> to vector<1000x128xf32>
    %mul3A_9 = arith.mulf %get3A_1, %mul3A : vector<1000x128xf32>
    %get3A_10 = arith.constant 0 : index
    %get3A_11 = arith.constant 0 : index
    %get3A_12 = vector.load %arg3[%get3A_10, %get3A_11] : memref<128x128xf32, #tpu.memory_space<vmem>>, vector<128x128xf32>
    %dot_general3A = arith.constant dense<0.000000e+00> : vector<1000x128xf32>
    %dot_general3A_13 = tpu.matmul %mul3A_9, %get3A_12, %dot_general3A {dimension_numbers = #tpu.dot_dimension_numbers<[1], [0], [0], [1], [0, 0, 1, 1], [], []>, transpose_lhs_hint = false} : vector<1000x128xf32>, vector<128x128xf32>, vector<1000x128xf32> -> vector<1000x128xf32>
    %swap3A = arith.constant 0 : index
    %swap3A_14 = arith.constant 0 : index
    %swap3A_15 = vector.load %arg4[%swap3A, %swap3A_14] : memref<1000x128xf32, #tpu.memory_space<vmem>>, vector<1000x128xf32>
    tpu.vector_store %arg4[%swap3A, %swap3A_14], %dot_general3A_13 {strides = array<i32>} : memref<1000x128xf32, #tpu.memory_space<vmem>>, vector<1000x128xf32>,
    return
  }
  func.func @transform_0(%arg0: i32) -> (i32, i32) {
    %c0_i32 = arith.constant 0 : i32
    %c0_i32_0 = arith.constant 0 : i32
    return %arg0, %c0_i32 : i32, i32
  }
  func.func @transform_1(%arg0: i32) -> (i32, i32) {
    %c0_i32 = arith.constant 0 : i32
    %c0_i32_0 = arith.constant 0 : i32
    return %arg0, %c0_i32 : i32, i32
  }
  func.func @transform_2(%arg0: i32) -> (i32, i32) {
    %c0_i32 = arith.constant 0 : i32
    %c0_i32_0 = arith.constant 0 : i32
    %c0_i32_1 = arith.constant 0 : i32
    return %c0_i32, %c0_i32_0 : i32, i32
  }
  func.func @transform_3(%arg0: i32) -> (i32, i32) {
    %c0_i32 = arith.constant 0 : i32
    %c0_i32_0 = arith.constant 0 : i32
    return %arg0, %c0_i32 : i32, i32
  }
}

module attributes {stable_mosaic.version = 14 : i64} {
  func.func @_mid_body(%arg0: i32, %arg1: memref<2x1000x128xf32, #tpu.memory_space<vmem>>, %arg2: memref<1000x128xf32, #tpu.memory_space<vmem>>, %arg3: memref<1000x128xf32, #tpu.memory_space<vmem>>, %arg4: memref<1x128xf32, #tpu.memory_space<vmem>>, %arg5: memref<128x128xf32, #tpu.memory_space<vmem>>, %arg6: memref<1000x128xf32, #tpu.memory_space<vmem>>) attributes {dimension_semantics = [#tpu.dimension_semantics<arbitrary>], iteration_bounds = array<i64: 10>, scalar_prefetch = 0 : i64, scratch_operands = 0 : i64, tpu.core_type = #tpu.core_type<tc>, window_params = [{transform_indices = @transform_0, window_bounds = array<i64: 2, 1000, 128>}, {transform_indices = @transform_1, window_bounds = array<i64: 1000, 128>}, {transform_indices = @transform_2, window_bounds = array<i64: 1000, 128>}, {pipeline_mode = #tpu.pipeline_mode<synchronous>, transform_indices = @transform_3, window_bounds = array<i64: 1, 128>}, {pipeline_mode = #tpu.pipeline_mode<synchronous>, transform_indices = @transform_4, window_bounds = array<i64: 128, 128>}, {transform_indices = @transform_5, window_bounds = array<i64: 1000, 128>}]} {
    %get3A = arith.constant 0 : index
    %get3A_0 = arith.constant 0 : index
    %get3A_1 = arith.constant 0 : index
    %get3A_2 = vector.load %arg1[%get3A, %get3A_0, %get3A_1] : memref<2x1000x128xf32, #tpu.memory_space<vmem>>, vector<1x1000x128xf32>
    %get3A_3 = vector.shape_cast %get3A_2 : vector<1x1000x128xf32> to vector<1000x128xf32>
    %get3A_4 = arith.constant 1 : index
    %get3A_5 = arith.constant 0 : index
    %get3A_6 = arith.constant 0 : index
    %get3A_7 = vector.load %arg1[%get3A_4, %get3A_5, %get3A_6] : memref<2x1000x128xf32, #tpu.memory_space<vmem>>, vector<1x1000x128xf32>
    %get3A_8 = vector.shape_cast %get3A_7 : vector<1x1000x128xf32> to vector<1000x128xf32>
    %add3A = arith.addf %get3A_3, %get3A_8 : vector<1000x128xf32>
    %get3A_9 = arith.constant 0 : index
    %get3A_10 = arith.constant 0 : index
    %get3A_11 = vector.load %arg2[%get3A_9, %get3A_10] : memref<1000x128xf32, #tpu.memory_space<vmem>>, vector<1000x1xf32>
    %gt3A = arith.constant 0.000000e+00 : f32
    %gt3A_12 = vector.broadcast %gt3A : f32 to vector<1000x1xf32>
    %gt3A_13 = arith.cmpf ogt, %get3A_11, %gt3A_12 : vector<1000x1xf32>
    %max3A = arith.constant 1.000000e+00 : f32
    %max3A_14 = vector.broadcast %max3A : f32 to vector<1000x1xf32>
    %max3A_15 = arith.maximumf %get3A_11, %max3A_14 : vector<1000x1xf32>
    %rsqrt3A = math.rsqrt %max3A_15 : vector<1000x1xf32>
    %jit3A = arith.constant 0.000000e+00 : f32
    %broadcast_in_dim3A = vector.broadcast %jit3A : f32 to vector<1000x1xf32>
    %select_n3A = arith.select %gt3A_13, %rsqrt3A, %broadcast_in_dim3A : vector<1000x1xi1>, vector<1000x1xf32>
    %mul3A = vector.broadcast %select_n3A : vector<1000x1xf32> to vector<1000x128xf32>
    %mul3A_16 = arith.mulf %add3A, %mul3A : vector<1000x128xf32>
    %get3A_17 = arith.constant 0 : index
    %get3A_18 = arith.constant 0 : index
    %get3A_19 = vector.load %arg4[%get3A_17, %get3A_18] : memref<1x128xf32, #tpu.memory_space<vmem>>, vector<1x128xf32>
    %add3A_20 = vector.broadcast %get3A_19 : vector<1x128xf32> to vector<1000x128xf32>
    %add3A_21 = arith.addf %mul3A_16, %add3A_20 : vector<1000x128xf32>
    %max3A_22 = arith.constant 0.000000e+00 : f32
    %max3A_23 = vector.broadcast %max3A_22 : f32 to vector<1000x128xf32>
    %max3A_24 = arith.maximumf %add3A_21, %max3A_23 : vector<1000x128xf32>
    %get3A_25 = arith.constant 0 : index
    %get3A_26 = arith.constant 0 : index
    %get3A_27 = vector.load %arg3[%get3A_25, %get3A_26] : memref<1000x128xf32, #tpu.memory_space<vmem>>, vector<1000x1xf32>
    %gt3A_28 = arith.constant 0.000000e+00 : f32
    %gt3A_29 = vector.broadcast %gt3A_28 : f32 to vector<1000x1xf32>
    %gt3A_30 = arith.cmpf ogt, %get3A_27, %gt3A_29 : vector<1000x1xf32>
    %max3A_31 = arith.constant 1.000000e+00 : f32
    %max3A_32 = vector.broadcast %max3A_31 : f32 to vector<1000x1xf32>
    %max3A_33 = arith.maximumf %get3A_27, %max3A_32 : vector<1000x1xf32>
    %rsqrt3A_34 = math.rsqrt %max3A_33 : vector<1000x1xf32>
    %jit3A_35 = arith.constant 0.000000e+00 : f32
    %broadcast_in_dim3A_36 = vector.broadcast %jit3A_35 : f32 to vector<1000x1xf32>
    %select_n3A_37 = arith.select %gt3A_30, %rsqrt3A_34, %broadcast_in_dim3A_36 : vector<1000x1xi1>, vector<1000x1xf32>
    %mul3A_38 = vector.broadcast %select_n3A_37 : vector<1000x1xf32> to vector<1000x128xf32>
    %mul3A_39 = arith.mulf %max3A_24, %mul3A_38 : vector<1000x128xf32>
    %get3A_40 = arith.constant 0 : index
    %get3A_41 = arith.constant 0 : index
    %get3A_42 = vector.load %arg5[%get3A_40, %get3A_41] : memref<128x128xf32, #tpu.memory_space<vmem>>, vector<128x128xf32>
    %dot_general3A = arith.constant dense<0.000000e+00> : vector<1000x128xf32>
    %dot_general3A_43 = tpu.matmul %mul3A_39, %get3A_42, %dot_general3A {dimension_numbers = #tpu.dot_dimension_numbers<[1], [0], [0], [1], [0, 0, 1, 1], [], []>, transpose_lhs_hint = false} : vector<1000x128xf32>, vector<128x128xf32>, vector<1000x128xf32> -> vector<1000x128xf32>
    %swap3A = arith.constant 0 : index
    %swap3A_44 = arith.constant 0 : index
    %swap3A_45 = vector.load %arg6[%swap3A, %swap3A_44] : memref<1000x128xf32, #tpu.memory_space<vmem>>, vector<1000x128xf32>
    tpu.vector_store %arg6[%swap3A, %swap3A_44], %dot_general3A_43 {strides = array<i32>} : memref<1000x128xf32, #tpu.memory_space<vmem>>, vector<1000x128xf32>,
    return
  }
  func.func @transform_0(%arg0: i32) -> (i32, i32, i32) {
    %c0_i32 = arith.constant 0 : i32
    %c0_i32_0 = arith.constant 0 : i32
    %c0_i32_1 = arith.constant 0 : i32
    return %c0_i32, %arg0, %c0_i32_0 : i32, i32, i32
  }
  func.func @transform_1(%arg0: i32) -> (i32, i32) {
    %c0_i32 = arith.constant 0 : i32
    %c0_i32_0 = arith.constant 0 : i32
    return %arg0, %c0_i32 : i32, i32
  }
  func.func @transform_2(%arg0: i32) -> (i32, i32) {
    %c0_i32 = arith.constant 0 : i32
    %c0_i32_0 = arith.constant 0 : i32
    return %arg0, %c0_i32 : i32, i32
  }
  func.func @transform_3(%arg0: i32) -> (i32, i32) {
    %c0_i32 = arith.constant 0 : i32
    %c0_i32_0 = arith.constant 0 : i32
    %c0_i32_1 = arith.constant 0 : i32
    return %c0_i32, %c0_i32_0 : i32, i32
  }
  func.func @transform_4(%arg0: i32) -> (i32, i32) {
    %c0_i32 = arith.constant 0 : i32
    %c0_i32_0 = arith.constant 0 : i32
    %c0_i32_1 = arith.constant 0 : i32
    return %c0_i32, %c0_i32_0 : i32, i32
  }
  func.func @transform_5(%arg0: i32) -> (i32, i32) {
    %c0_i32 = arith.constant 0 : i32
    %c0_i32_0 = arith.constant 0 : i32
    return %arg0, %c0_i32 : i32, i32
  }
}

module attributes {stable_mosaic.version = 14 : i64} {
  func.func @_final_body(%arg0: i32, %arg1: memref<2x1000x128xf32, #tpu.memory_space<vmem>>, %arg2: memref<1000x128xf32, #tpu.memory_space<vmem>>, %arg3: memref<1x128xf32, #tpu.memory_space<vmem>>, %arg4: memref<1000x128xf32, #tpu.memory_space<vmem>>) attributes {dimension_semantics = [#tpu.dimension_semantics<arbitrary>], iteration_bounds = array<i64: 10>, scalar_prefetch = 0 : i64, scratch_operands = 0 : i64, tpu.core_type = #tpu.core_type<tc>, window_params = [{transform_indices = @transform_0, window_bounds = array<i64: 2, 1000, 128>}, {transform_indices = @transform_1, window_bounds = array<i64: 1000, 128>}, {pipeline_mode = #tpu.pipeline_mode<synchronous>, transform_indices = @transform_2, window_bounds = array<i64: 1, 128>}, {transform_indices = @transform_3, window_bounds = array<i64: 1000, 128>}]} {
    %get3A = arith.constant 0 : index
    %get3A_0 = arith.constant 0 : index
    %get3A_1 = arith.constant 0 : index
    %get3A_2 = vector.load %arg1[%get3A, %get3A_0, %get3A_1] : memref<2x1000x128xf32, #tpu.memory_space<vmem>>, vector<1x1000x128xf32>
    %get3A_3 = vector.shape_cast %get3A_2 : vector<1x1000x128xf32> to vector<1000x128xf32>
    %get3A_4 = arith.constant 1 : index
    %get3A_5 = arith.constant 0 : index
    %get3A_6 = arith.constant 0 : index
    %get3A_7 = vector.load %arg1[%get3A_4, %get3A_5, %get3A_6] : memref<2x1000x128xf32, #tpu.memory_space<vmem>>, vector<1x1000x128xf32>
    %get3A_8 = vector.shape_cast %get3A_7 : vector<1x1000x128xf32> to vector<1000x128xf32>
    %add3A = arith.addf %get3A_3, %get3A_8 : vector<1000x128xf32>
    %get3A_9 = arith.constant 0 : index
    %get3A_10 = arith.constant 0 : index
    %get3A_11 = vector.load %arg2[%get3A_9, %get3A_10] : memref<1000x128xf32, #tpu.memory_space<vmem>>, vector<1000x1xf32>
    %gt3A = arith.constant 0.000000e+00 : f32
    %gt3A_12 = vector.broadcast %gt3A : f32 to vector<1000x1xf32>
    %gt3A_13 = arith.cmpf ogt, %get3A_11, %gt3A_12 : vector<1000x1xf32>
    %max3A = arith.constant 1.000000e+00 : f32
    %max3A_14 = vector.broadcast %max3A : f32 to vector<1000x1xf32>
    %max3A_15 = arith.maximumf %get3A_11, %max3A_14 : vector<1000x1xf32>
    %rsqrt3A = math.rsqrt %max3A_15 : vector<1000x1xf32>
    %jit3A = arith.constant 0.000000e+00 : f32
    %broadcast_in_dim3A = vector.broadcast %jit3A : f32 to vector<1000x1xf32>
    %select_n3A = arith.select %gt3A_13, %rsqrt3A, %broadcast_in_dim3A : vector<1000x1xi1>, vector<1000x1xf32>
    %mul3A = vector.broadcast %select_n3A : vector<1000x1xf32> to vector<1000x128xf32>
    %mul3A_16 = arith.mulf %add3A, %mul3A : vector<1000x128xf32>
    %get3A_17 = arith.constant 0 : index
    %get3A_18 = arith.constant 0 : index
    %get3A_19 = vector.load %arg3[%get3A_17, %get3A_18] : memref<1x128xf32, #tpu.memory_space<vmem>>, vector<1x128xf32>
    %add3A_20 = vector.broadcast %get3A_19 : vector<1x128xf32> to vector<1000x128xf32>
    %add3A_21 = arith.addf %mul3A_16, %add3A_20 : vector<1000x128xf32>
    %swap3A = arith.constant 0 : index
    %swap3A_22 = arith.constant 0 : index
    %swap3A_23 = vector.load %arg4[%swap3A, %swap3A_22] : memref<1000x128xf32, #tpu.memory_space<vmem>>, vector<1000x128xf32>
    tpu.vector_store %arg4[%swap3A, %swap3A_22], %add3A_21 {strides = array<i32>} : memref<1000x128xf32, #tpu.memory_space<vmem>>, vector<1000x128xf32>,
    return
  }
  func.func @transform_0(%arg0: i32) -> (i32, i32, i32) {
    %c0_i32 = arith.constant 0 : i32
    %c0_i32_0 = arith.constant 0 : i32
    %c0_i32_1 = arith.constant 0 : i32
    return %c0_i32, %arg0, %c0_i32_0 : i32, i32, i32
  }
  func.func @transform_1(%arg0: i32) -> (i32, i32) {
    %c0_i32 = arith.constant 0 : i32
    %c0_i32_0 = arith.constant 0 : i32
    return %arg0, %c0_i32 : i32, i32
  }
  func.func @transform_2(%arg0: i32) -> (i32, i32) {
    %c0_i32 = arith.constant 0 : i32
    %c0_i32_0 = arith.constant 0 : i32
    %c0_i32_1 = arith.constant 0 : i32
    return %c0_i32, %c0_i32_0 : i32, i32
  }
  func.func @transform_3(%arg0: i32) -> (i32, i32) {
    %c0_i32 = arith.constant 0 : i32
    %c0_i32_0 = arith.constant 0 : i32
    return %arg0, %c0_i32 : i32, i32
  }
}

</mosaic_0001>

<sc_bundles>
// kernel: kernel.11.cloned.1.call-start
scs
__scs_entry_jumppad:
0x0: {  	(pc) =	sbr.rel $0x88, $3  }
0x1: {  	(tag) =	ssettag $0x0;
	lr =	simm.s32 $0x1  }
0x2: {  	[smem:$0x3F9B] =	sst lr;
	_ =	strace $0xD0000000  }
0x3: {  	_ = 	snop  }
0x4: {  	_ = 	snop  }
0x5: {  	_ = 	snop  }
0x6: {  	_ = 	snop  }
0x7: {  	_ = 	snop  }
__scs_overlays_trampoline_lowered:
0x8: {  	[smem:$0x3FAA] =	sst s0  }
0x9: {  	[smem:$0x3FAB] =	sst s1  }
0xa: {  	[smem:$0x3FAC] =	sst s2  }
0xb: {  	[smem:$0x3FAD] =	sst s3  }
0xc: {  	[smem:$0x3FAE] =	sst s4  }
0xd: {  	[smem:$0x3FAF] =	sst s5  }
0xe: {  	[smem:$0x3FB0] =	sst s6  }
0xf: {  	[smem:$0x3FB1] =	sst s7  }
0x10: {  	[smem:$0x3FB2] =	sst s8  }
0x11: {  	[smem:$0x3FB3] =	sst s9;
	s0 =	simm.s32 @!p0 $0x0  }
0x12: {  	s1 =	sld [smem:$0x3F99];
	s0 =	simm.s32 @p0 $0x1  }
0x13: {  	[smem:$0x3FB4] =	sst s0;
	s0 =	simm.s32 @!p1 $0x0  }
0x14: {  	s2 =	sld [smem:$0x3F98];
	s0 =	simm.s32 @p1 $0x1  }
0x15: {  	[smem:$0x3FB5] =	sst s0;
	s0 =	simm.s32 @!p2 $0x0  }
0x16: {  	s3 =	sld [smem:$0x3FDB];
	s0 =	simm.s32 @p2 $0x1  }
0x17: {  	s4 =	simm.s32 $0x1BF5;
	[smem:$0x3FB7] =	sst s0  }
0x18: {  	s0 =	sld [smem:$0x3F9A];
	_ =	swait.ge [sflag:s4], $0x0  }
0x19: {  	s7 =	sld [smem:$0x3F9B]  }
0x1a: {  	s8 =	sadd.s32 $0xFFFFE003, lr  }
0x1b: {  	s9 =	sadd.s32 $0xFFFFFEF7, lr;
	s5 =	simm.s32 $0xFFFFFFFF;
	p2 =	slt.u32 s8, $0xFFFFF086  }
0x1c: {  	p1 =	slt.u32 s9, $0xF7A;
	s5 =	simm.s32 @!p2 $0x0  }
0x1d: {  	s5 =	simm.s32 @p1 $0x1;
	p0 =	seq.s32 s7, s2  }
0x1e: {  	s7 =	smul.u32 @!p0 $0xF7A, s2;
	p2 =	seq.s32 @!p0 s5, $0x0  }
0x1f: {  	s9 =	smul.u32 $0xF7A, s1;
	s8 =	simm.s32 @!p0 $0x1BF5;
	p2 =	por !p2, p0  }
0x20: {  	[sflag:s8] =	ssyncset.s32 @!p0 $0xFFFFF086;
	s6 =	sadd.s32 @!p0 s3, s7;
	s7 =	simm.s32 @!p0 $0x108  }
0x21: {  	s3 =	sadd.s32 s3, s9;
	s6 =	sadd.s32 @!p0 $0x88, s6;
	s7 =	simm.s32 @p2 $0x1082  }
0x22: {  	[simem:s7], [sflag:s8] =	dma.local @!p0 [hbm:s6], $0xF7A  }
0x23: {  	s9 =	sor.u32 $0xD0000000, s2;
	s6 =	simm.s32 $0x108;
	_ =	swait.ge @!p0 [sflag:s8], $0x0  }
0x24: {  	s3 =	sadd.s32 $0x88, s3;
	s6 =	simm.s32 @!p1 $0x1082;
	[sflag:s4] =	ssyncset.s32 $0xFFFFF086  }
0x25: {  	[simem:s6], [sflag:s4] =	dma.local [hbm:s3], $0xF7A  }
0x26: {  	[smem:$0x3F9B] =	sst s1;
	(tag) =	ssettag s2;
	_ =	strace s9  }
0x27: {  	s1 =	sld [smem:$0x3FAB]  }
0x28: {  	s2 =	sld [smem:$0x3FAC]  }
0x29: {  	s4 =	sld [smem:$0x3FAE]  }
0x2a: {  	p0 =	seq.s32 s5, $0x0;
	s5 =	sld [smem:$0x3FAF]  }
0x2b: {  	s6 =	sld [smem:$0x3FB0]  }
0x2c: {  	s7 =	sld [smem:$0x3FB1]  }
0x2d: {  	s3 =	simm.s32 $0x108;
	s8 =	sld [smem:$0x3FB2]  }
0x2e: {  	s3 =	simm.s32 @!p0 $0x1082;
	s9 =	sld [smem:$0x3FB3]  }
0x2f: {  	lr =	sadd.s32 s0, s3;
	s0 =	sld [smem:$0x3FAA]  }
0x30: {  	s3 =	sld [smem:$0x3FAD]  }
0x31: {  	[smem:$0x3FB6] =	sst s10  }
0x32: {  	s10 =	sld [smem:$0x3FB4];
	_ =	sdelay $0x3  }
0x33: {  	p0 =	seq.s32 s10, $0x1;
	s10 =	sld [smem:$0x3FB6];
	_ =	sdelay $0x3  }
0x34: {  	[smem:$0x3FB6] =	sst s10  }
0x35: {  	s10 =	sld [smem:$0x3FB5];
	_ =	sdelay $0x3  }
0x36: {  	p1 =	seq.s32 s10, $0x1;
	s10 =	sld [smem:$0x3FB6];
	_ =	sdelay $0x3  }
0x37: {  	[smem:$0x3FB6] =	sst s10  }
0x38: {  	s10 =	sld [smem:$0x3FB7]  }
0x39: {  	_ = 	snop;
	(pc) =	sbr.ind lr, $3  }
0x3a: {  	_ = 	snop  }
0x3b: {  	_ = 	snop  }
0x3c: {  	p2 =	seq.s32 s10, $0x1;
	s10 =	sld [smem:$0x3FB6]  }
0x3d: {  	_ =	shalt  }
0x3e: {  	_ =	shalt  }
0x3f: {  	_ =	shalt  }
0x40: {  	_ =	shalt  }
0x41: {  	_ =	shalt  }
0x42: {  	_ =	shalt  }
0x43: {  	_ =	shalt  }
0x44: {  	_ =	shalt  }
0x45: {  	_ =	shalt  }
0x46: {  	_ =	shalt  }
0x47: {  	_ =	shalt  }
0x48: {  	_ =	shalt  }
0x49: {  	_ =	shalt  }
0x4a: {  	_ =	shalt  }
0x4b: {  	_ =	shalt  }
0x4c: {  	_ =	shalt  }
0x4d: {  	_ =	shalt  }
0x4e: {  	_ =	shalt  }
0x4f: {  	_ =	shalt  }
0x50: {  	_ =	shalt  }
0x51: {  	_ =	shalt  }
0x52: {  	_ =	shalt  }
0x53: {  	_ =	shalt  }
0x54: {  	_ =	shalt  }
0x55: {  	_ =	shalt  }
0x56: {  	_ =	shalt  }
0x57: {  	_ =	shalt  }
0x58: {  	_ =	shalt  }
0x59: {  	_ =	shalt  }
0x5a: {  	_ =	shalt  }
0x5b: {  	_ =	shalt  }
0x5c: {  	_ =	shalt  }
0x5d: {  	_ =	shalt  }
0x5e: {  	_ =	shalt  }
0x5f: {  	_ =	shalt  }
0x60: {  	_ =	shalt  }
0x61: {  	_ =	shalt  }
0x62: {  	_ =	shalt  }
0x63: {  	_ =	shalt  }
0x64: {  	_ =	shalt  }
0x65: {  	_ =	shalt  }
0x66: {  	_ =	shalt  }
0x67: {  	_ =	shalt  }
0x68: {  	_ =	shalt  }
0x69: {  	_ =	shalt  }
0x6a: {  	_ =	shalt  }
0x6b: {  	_ =	shalt  }
0x6c: {  	_ =	shalt  }
0x6d: {  	_ =	shalt  }
0x6e: {  	_ =	shalt  }
0x6f: {  	_ =	shalt  }
0x70: {  	_ =	shalt  }
0x71: {  	_ =	shalt  }
0x72: {  	_ =	shalt  }
0x73: {  	_ =	shalt  }
0x74: {  	_ =	shalt  }
0x75: {  	_ =	shalt  }
0x76: {  	_ =	shalt  }
0x77: {  	_ =	shalt  }
0x78: {  	_ =	shalt  }
0x79: {  	_ =	shalt  }
0x7a: {  	_ =	shalt  }
0x7b: {  	_ =	shalt  }
0x7c: {  	_ =	shalt  }
0x7d: {  	_ =	shalt  }
0x7e: {  	_ =	shalt  }
0x7f: {  	_ =	shalt  }
0x80: {  	_ =	shalt  }
0x81: {  	_ =	shalt  }
0x82: {  	_ =	shalt  }
0x83: {  	_ =	shalt  }
0x84: {  	_ =	shalt  }
0x85: {  	_ =	shalt  }
0x86: {  	_ =	shalt  }
0x87: {  	_ =	shalt  }
.Lfunc_end0:
.L_simem_size_0:
called_computation.1_lowered:
.L_overlay_start_0:
0x88: {  	s2 =	sld [smem:$0x3FD9]  }
0x89: {  	s3 =	sld [smem:$0x3FFE];
	_ =	sdelay $0x1  }
0x8a: {  	s1 =	srdreg.scid  }
0x8b: {  	s0 =	sand.u32 $0x1, s1  }
0x8c: {  	s16 =	sshll.u32 s0, $0xA;
	s2 =	sadd.s32 s3, s2  }
0x8d: {  	s2 =	sadd.s32 s2, s16  }
0x8e: {  	[smem:$0x3FC2] =	sst s2  }
0x8f: {  	_ = 	snop  }
0x90: {  	(tm) =	ssettm $0x1  }
0x91: {  	s17 =	sld [smem:$0x3FFB];
	_ =	sdelay $0x3  }
0x92: {  	_ =	strace s17  }
0x93: {  	s2 =	sld [smem:$0x3FFC];
	_ =	sdelay $0x3  }
0x94: {  	_ =	strace s2  }
0x95: {  	s2 =	sld [smem:$0x3FFD];
	_ =	sdelay $0x3  }
0x96: {  	_ =	strace s2  }
0x97: {  	_ =	strace $0x8FFFFFFF  }
0x98: {  	s18 =	sld [smem:$0x3FDB];
	_ =	sdelay $0x1  }
0x99: {  	s19 =	simm.s32 $_scs_section_size  }
0x9a: {  	s4 =	simm.s32 $_size__tile_overlayer_lowered;
	s5 =	simm.s32 $_tile_overlayer_lowered  }
0x9b: {  	s22 =	simm.s32 $0x1BFF;
	s21 =	sshll.u32 s5, $0x1;
	s2 =	sadd.s32 s19, s18  }
0x9c: {  	s6 =	simm.s32 $0x0;
	s20 =	sshll.u32 s4, $0x1;
	s4 =	sadd.s32 s21, s2  }
0x9d: {  	[timem:s6], [sflag:s22] =	dma.local [hbm:s4], s20  }
0x9e: {  	_ =	swait.ge [sflag:s22], s20  }
0x9f: {  	s3 =	ssub.s32 $0x0, s20;
	[sflag:s22] =	ssyncset.done $0x0  }
0xa0: {  	[sflag:s22] =	ssyncadd.s32 s3;
	_ =	sdelay $0x1  }
0xa1: {  	s23 =	simm.s32 $0x1B8B  }
0xa2: {  	_ =	swait.ge [sflag:s23], $0x1  }
0xa3: {  	[sflag:s23] =	ssyncset.done $0x0  }
0xa4: {  	s25 =	simm.s32 $0x1B8E;
	s24 =	sld [smem:$0x3FFE];
	[sflag:s23] =	ssyncadd.s32 $0xFFFFFFFF  }
0xa5: {  	s26 =	simm.s32 $execute0_lowered;
	[smem:$0x3FD2] =	sst s25  }
0xa6: {  	s4 =	sshll.u32 s26, $0x1;
	_ =	strace $0x80000049;
	[dreg:$0x1] =	wrdreg $0xFFFFFFFF  }
0xa7: {  	s28 =	simm.s32 $_size_execute0_lowered;
	s2 =	sadd.s32 s2, s4;
	[dreg:$0x0] =	wrdreg $0x0  }
0xa8: {  	s4 =	sshll.u32 s28, $0x1;
	[dreg:$0x2] =	wrdreg s2  }
0xa9: {  	[dreg:$0x3] =	wrdreg s4  }
0xaa: {  	[dreg:$0x4] =	wrdreg $0xC0  }
0xab: {  	_ =	task [dreg:s6], $0x5FFFF  }
0xac: {  	[dreg:$0x1] =	wrdreg $0xFFFFFFFF  }
0xad: {  	[dreg:$0x0] =	wrdreg $0x60  }
0xae: {  	[dreg:$0x2] =	wrdreg s24  }
0xaf: {  	[dreg:$0x3] =	wrdreg $0x0  }
0xb0: {  	[dreg:$0x4] =	wrdreg $0x9  }
0xb1: {  	_ =	task.clear_ibuf [dreg:s6], $0x5FFFF;
	_ =	strace $0x90000049  }
0xb2: {  	s29 =	simm.s32 $0x9;
	_ =	strace $0x8000004B  }
0xb3: {  	_ =	swait.ge [sflag:s29], $0x1  }
0xb4: {  	[sflag:s29] =	ssyncadd.s32 $0xFFFFFFFF  }
0xb5: {  	_ =	strace $0x9000004B  }
0xb6: {  	_ =	sfence  }
0xb7: {  	s30 =	sld [smem:$0x0];
	_ =	sdelay $0x2  }
0xb8: {  	s31 =	sshll.u32 s1, $0xD;
	s1 =	sshrl.u32 s1, $0x2  }
0xb9: {  	s3 =	sand.u32 $0x4000, s31;
	s1 =	sadd.s32 s1, s30  }
0xba: {  	s0 =	sor.u32 s3, s0;
	s1 =	sshll.u32 s1, $0x11  }
0xbb: {  	s0 =	sor.u32 s1, s0  }
0xbc: {  	s0 =	sadd.s32 $0x8F2B, s0  }
0xbd: {  	[sflag:s0] =	ssyncadd.remote.s32 $0x1  }
0xbe: {  	_ =	sfence.sel $0xFFFF  }
0xbf: {  	[dreg:$0x0] =	wrdreg $0xFFFFFFFF;
	(pc) =	sbr.abs _section_cstart, $3  }
0xc0: {  	[dreg:$0x1] =	wrdreg $0xFFFFFFFF  }
0xc1: {  	_ =	task.clear_ibuf [dreg:s6], $0x2FFFF;
	_ =	strace $0x9FFFFFFF  }
0xc2: {  	(tm) =	ssettm $0x7FFFFFFF  }
0xc3: {  	_ =	shalt  }
tec
execute0_lowered:
.L_overlay_start_1:
0x0: {  	(tag) =	ssettag $0x1  }
0x1: {  	s0 =	rddreg [dreg:$0x0]  }
0x2: {  	s1 =	srdreg.scid;
	s8 =	stileid.u32  }
0x3: {  	s2 =	rddreg [dreg:$0x1];
	s3 =	simm.s32 $0x0;
	s28 =	simm.s32 $0x80  }
0x4: {  	s29 =	simm.s32 $0x14080;
	s30 =	simm.s32 $0x1BC00;
	s31 =	simm.s32 $0x1  }
0x5: {  	s1 =	sand.u32 $0x1, s1;
	s4 =	sshll.u32 s8, $0x1;
	s7 =	smul.u32 $0x50000, s8  }
0x6: {  	[smem:$0x7FF] =	sst s3;
	s22 =	smul.u32 $0x14000, s8;
	s4 =	sor.u32 s1, s4  }
0x7: {  	_ =	strace $0x8000004A;
	s6 =	ssub.s32 $0x2, s1;
	s1 =	smul.u32 $0x140000, s1  }
0x8: {  	s4 =	smul.u32 $0x2800, s4;
	s18 =	sshrl.u32 s6, $0x1;
	s19 =	sshrl.u32 s7, $0x2  }
0x9: {  	s15 =	sadd.s32 $0x4000, s22;
	s17 =	sadd.s32 $0x8000, s22;
	s6 =	ssub.s32 s6, s18  }
0xa: {  	s23 =	sadd.s32 s1, s22;
	s16 =	sadd.s32 s1, s15;
	s15 =	sadd.s32 s15, s2  }
0xb: {  	s25 =	sadd.s32 s1, s17;
	s17 =	sadd.s32 s17, s2;
	s5 =	sshrl.u32 s4, $0x3  }
0xc: {  	s4 =	sadd.s32 $0x1A00, s0;
	s6 =	smax.u32 s6, $0x1;
	s7 =	sshrl.u32 s23, $0x3  }
0xd: {  	s24 =	sshrl.u32 s16, $0x3;
	s23 =	simm.s32 $0x17C00;
	s13 =	sadd.s32 s5, s0  }
0xe: {  	s0 =	sadd.s32 $0x65A00, s0;
	s5 =	sadd.s32 s19, s2;
	[dreg:$0x4] =	wrdreg s6  }
0xf: {  	s19 =	sadd.s32 $0xC000, s22;
	s6 =	sadd.s32 $0x10000, s22;
	s20 =	sadd.s32 $0x5BA00, s13  }
0x10: {  	s21 =	sadd.s32 $0x4000, s5;
	s9 =	sadd.s32 $0x8000, s5;
	s10 =	sadd.s32 $0xC000, s5  }
0x11: {  	s11 =	sadd.s32 $0x10000, s5;
	s12 =	sadd.s32 $0x51A00, s13;
	s13 =	sadd.s32 $0x51C80, s13  }
0x12: {  	s14 =	sadd.s32 s0, s7;
	s16 =	sadd.s32 s0, s24;
	s7 =	sshrl.u32 s25, $0x3  }
0x13: {  	s26 =	sadd.s32 s1, s19;
	s19 =	sadd.s32 s19, s2;
	[dreg:$0x3] =	wrdreg s20  }
0x14: {  	s1 =	sadd.s32 s1, s6;
	s24 =	simm.s32 $0x3;
	[dreg:$0x5] =	wrdreg s21  }
0x15: {  	s18 =	sadd.s32 s0, s7;
	s7 =	sshrl.u32 s26, $0x3;
	s21 =	sadd.s32 s6, s2  }
0x16: {  	s1 =	sshrl.u32 s1, $0x3;
	s26 =	simm.s32 $0x14000;
	s20 =	sadd.s32 s0, s7  }
0x17: {  	v0 =	vimm.f32 $0.0e+00;
	s22 =	sadd.s32 s0, s1;
	s1 =	simm.s32 $0x2;
	s0 =	simm.s32 $0x0  }
.LBB2_1:
0x18: {  	s6 =	sand.u32 $0xFE00, s3  }
0x19: {  	s7 =	sand.u32 $0x70, s3;
	s6 =	sshrl.u32 s6, $0x2  }
0x1a: {  	s25 =	simm.s32 $0x40;
	s7 =	sor.u32 s7, s6;
	s6 =	simm.s32 $0x0  }
.LBB2_2:
0x1b: {  	p0 =	sne.s32 s25, $0xFFC0  }
0x1c: {  	[tilespmem:s7+$0x17C00] =	vst v0;
	s6 =	sadd.s32 $0x10, s6;
	s7 =	smov.u32 s25;
	s25 =	sadd.s32 $0x40, s25  }
.Ltmp0:
0x1d: {  	(pc) =	sbr.rel @p0 .LBB2_2-.Ltmp0, $4  }
0x1e: {  	_ = 	snop  }
0x1f: {  	s7 =	sand.u32 $0xFE00, s7  }
0x20: {  	s8 =	sand.u32 $0x70, s6;
	s7 =	sshrl.u32 s7, $0x2  }
0x21: {  	s7 =	sor.u32 s8, s7  }
0x22: {  	[tilespmem:s7+$0x17C00] =	vst v0  }
0x23: {  	[spmem:s5] =	stream.linear.scatter [tilespmem:s23], [sflag:$0x3], $0x4000, $0x38;
	[tilespmem:$0x1FC00] =	vst v63  }
0x24: {  	_ =	swait.ge [sflag:s24], $0x4000  }
0x25: {  	[sflag:s24] =	ssyncset.done $0x0  }
0x26: {  	s6 =	rddreg [dreg:$0x5];
	[sflag:s24] =	ssyncadd.s32 $0xFFFFC000  }
0x27: {  	[spmem:s6] =	stream.linear.scatter [tilespmem:s23], [sflag:$0x3], $0x4000, $0x38;
	[tilespmem:$0x1FC00] =	vst v63  }
0x28: {  	_ =	swait.ge [sflag:s24], $0x4000  }
0x29: {  	[sflag:s24] =	ssyncset.done $0x0  }
0x2a: {  	[sflag:s24] =	ssyncadd.s32 $0xFFFFC000  }
0x2b: {  	[spmem:s9] =	stream.linear.scatter [tilespmem:s23], [sflag:$0x3], $0x4000, $0x38;
	[tilespmem:$0x1FC00] =	vst v63  }
0x2c: {  	_ =	swait.ge [sflag:s24], $0x4000  }
0x2d: {  	[sflag:s24] =	ssyncset.done $0x0  }
0x2e: {  	[sflag:s24] =	ssyncadd.s32 $0xFFFFC000  }
0x2f: {  	[spmem:s10] =	stream.linear.scatter [tilespmem:s23], [sflag:$0x3], $0x4000, $0x38;
	[tilespmem:$0x1FC00] =	vst v63  }
0x30: {  	_ =	swait.ge [sflag:s24], $0x4000  }
0x31: {  	[sflag:s24] =	ssyncset.done $0x0  }
0x32: {  	[sflag:s24] =	ssyncadd.s32 $0xFFFFC000  }
0x33: {  	[spmem:s11] =	stream.linear.scatter [tilespmem:s23], [sflag:$0x3], $0x4000, $0x38;
	[tilespmem:$0x1FC00] =	vst v63  }
0x34: {  	_ =	swait.ge [sflag:s24], $0x4000  }
0x35: {  	s8 =	simm.s32 $0x15400;
	[sflag:s24] =	ssyncset.done $0x0  }
0x36: {  	s6 =	simm.s32 $0x0;
	s25 =	rddreg [dreg:$0x3];
	[sflag:s24] =	ssyncadd.s32 $0xFFFFC000  }
0x37: {  	[tilespmem:s8], [sflag:$0x3] =	stream.linear.gather [hbm4b:s25+s6], $0x2800, $0x38;
	[tilespmem:$0x1FC00] =	vst v63  }
0x38: {  	_ =	swait.ge [sflag:s24], $0x2800  }
0x39: {  	[sflag:s24] =	ssyncset.done $0x0  }
0x3a: {  	[sflag:s24] =	ssyncadd.s32 $0xFFFFD800  }
0x3b: {  	[bflag:$0x0] =	sbarrier.arrive $0xFFFF  }
0x3c: {  	[tilespmem:s26], [sflag:$0x3] =	stream.linear.gather [hbm4b:s12+s6], $0x1400, $0x38;
	[tilespmem:$0x1FC00] =	vst v63  }
0x3d: {  	_ =	swait.ge [sflag:s24], $0x1400  }
0x3e: {  	[sflag:s24] =	ssyncset.done $0x0  }
0x3f: {  	[sflag:s24] =	ssyncadd.s32 $0xFFFFEC00  }
0x40: {  	[tilespmem:s23], [sflag:$0x1] =	stream.indirect.gather [hbm4b:s4+s28], $0x80, s26, s28, $0xb8;
	[tilespmem:$0x1FC00] =	vst v63  }
0x41: {  	_ = 	snop  }
0x42: {  	[tilespmem:s30], [sflag:$0x2] =	stream.indirect.gather [hbm4b:s4+s28], $0x80, s29, s28, $0xb8;
	[tilespmem:$0x1FC00] =	vst v63  }
0x43: {  	_ =	swait.ge [sflag:s31], $0x4000  }
0x44: {  	[sflag:s31] =	ssyncset.done $0x0  }
0x45: {  	s7 =	simm.s32 $0x15400;
	[sflag:s31] =	ssyncadd.s32 $0xFFFFC000  }
0x46: {  	[spmem:s2] =	stream.indirect.scatter.add.f32 [tilespmem:s23], [sflag:$0x3], $0x80, s7, s28, $0xb8;
	[tilespmem:$0x1FC00] =	vst v63  }
0x47: {  	_ =	swait.ge [sflag:s24], $0x4000  }
0x48: {  	[sflag:s24] =	ssyncset.done $0x0  }
0x49: {  	s8 =	simm.s32 $0x14100;
	[sflag:s24] =	ssyncadd.s32 $0xFFFFC000  }
0x4a: {  	[tilespmem:s23], [sflag:$0x1] =	stream.indirect.gather [hbm4b:s4+s28], $0x80, s8, s28, $0xb8;
	[tilespmem:$0x1FC00] =	vst v63  }
0x4b: {  	_ =	swait.ge [sflag:s1], $0x4000  }
0x4c: {  	[sflag:s1] =	ssyncset.done $0x0  }
0x4d: {  	s25 =	simm.s32 $0x15480;
	[sflag:s1] =	ssyncadd.s32 $0xFFFFC000  }
0x4e: {  	[spmem:s2] =	stream.indirect.scatter.add.f32 [tilespmem:s30], [sflag:$0x3], $0x80, s25, s28, $0xb8;
	[tilespmem:$0x1FC00] =	vst v63  }
0x4f: {  	_ =	swait.ge [sflag:s24], $0x4000  }
0x50: {  	[sflag:s24] =	ssyncset.done $0x0  }
0x51: {  	s6 =	simm.s32 $0x14180;
	s25 =	simm.s32 $0x400;
	[sflag:s24] =	ssyncadd.s32 $0xFFFFC000  }
.LBB2_4:
0x52: {  	[tilespmem:s30], [sflag:$0x2] =	stream.indirect.gather [hbm4b:s4+s28], $0x80, s6, s28, $0xb8;
	[tilespmem:$0x1FC00] =	vst v63  }
0x53: {  	s6 =	smov.u32 s25  }
0x54: {  	p0 =	sne.s32 s25, $0x4800;
	s25 =	sadd.s32 $0x400, s25;
	_ =	swait.ge [sflag:s31], $0x4000  }
0x55: {  	s6 =	sshra.s32 s6, $0x2;
	[sflag:s31] =	ssyncset.done $0x0  }
0x56: {  	s7 =	sadd.s32 $0x15400, s6;
	[sflag:s31] =	ssyncadd.s32 $0xFFFFC000  }
0x57: {  	[spmem:s2] =	stream.indirect.scatter.add.f32 [tilespmem:s23], [sflag:$0x3], $0x80, s7, s28, $0xb8;
	[tilespmem:$0x1FC00] =	vst v63  }
0x58: {  	_ =	swait.ge [sflag:s24], $0x4000  }
0x59: {  	[sflag:s24] =	ssyncset.done $0x0  }
0x5a: {  	s7 =	sadd.s32 $0x14100, s6;
	[sflag:s24] =	ssyncadd.s32 $0xFFFFC000  }
0x5b: {  	[tilespmem:s23], [sflag:$0x1] =	stream.indirect.gather [hbm4b:s4+s28], $0x80, s7, s28, $0xb8;
	[tilespmem:$0x1FC00] =	vst v63  }
0x5c: {  	_ =	swait.ge [sflag:s1], $0x4000  }
0x5d: {  	[sflag:s1] =	ssyncset.done $0x0  }
.Ltmp1:
0x5e: {  	s7 =	sadd.s32 $0x15480, s6;
	[sflag:s1] =	ssyncadd.s32 $0xFFFFC000;
	(pc) =	sbr.rel @p0 .LBB2_4-.Ltmp1, $4  }
0x5f: {  	[spmem:s2] =	stream.indirect.scatter.add.f32 [tilespmem:s30], [sflag:$0x3], $0x80, s7, s28, $0xb8;
	[tilespmem:$0x1FC00] =	vst v63  }
0x60: {  	_ =	swait.ge [sflag:s24], $0x4000  }
0x61: {  	[sflag:s24] =	ssyncset.done $0x0  }
0x62: {  	s6 =	sadd.s32 $0x14180, s6;
	[sflag:s24] =	ssyncadd.s32 $0xFFFFC000  }
0x63: {  	[tilespmem:s30], [sflag:$0x2] =	stream.indirect.gather [hbm4b:s4+s28], $0x80, s6, s28, $0xb8;
	[tilespmem:$0x1FC00] =	vst v63  }
0x64: {  	_ =	swait.ge [sflag:s31], $0x4000  }
0x65: {  	[sflag:s31] =	ssyncset.done $0x0  }
0x66: {  	s8 =	simm.s32 $0x16700;
	[sflag:s31] =	ssyncadd.s32 $0xFFFFC000  }
0x67: {  	[spmem:s2] =	stream.indirect.scatter.add.f32 [tilespmem:s23], [sflag:$0x3], $0x80, s8, s28, $0xb8;
	[tilespmem:$0x1FC00] =	vst v63  }
0x68: {  	_ =	swait.ge [sflag:s24], $0x4000  }
0x69: {  	[sflag:s24] =	ssyncset.done $0x0  }
0x6a: {  	[sflag:s24] =	ssyncadd.s32 $0xFFFFC000  }
0x6b: {  	_ =	swait.ge [sflag:s1], $0x4000  }
0x6c: {  	[sflag:s1] =	ssyncset.done $0x0  }
0x6d: {  	s25 =	simm.s32 $0x16780;
	[sflag:s1] =	ssyncadd.s32 $0xFFFFC000  }
0x6e: {  	[spmem:s2] =	stream.indirect.scatter.add.f32 [tilespmem:s30], [sflag:$0x3], $0x80, s25, s28, $0xb8;
	[tilespmem:$0x1FC00] =	vst v63  }
0x6f: {  	_ =	swait.ge [sflag:s24], $0x4000  }
0x70: {  	[sflag:s24] =	ssyncset.done $0x0  }
0x71: {  	[sflag:s24] =	ssyncadd.s32 $0xFFFFC000  }
0x72: {  	[tilespmem:s26], [sflag:$0x3] =	stream.linear.gather [hbm4b:s13+s3], $0x1400, $0x38;
	[tilespmem:$0x1FC00] =	vst v63  }
0x73: {  	_ =	swait.ge [sflag:s24], $0x1400  }
0x74: {  	[sflag:s24] =	ssyncset.done $0x0  }
0x75: {  	[sflag:s24] =	ssyncadd.s32 $0xFFFFEC00  }
0x76: {  	[tilespmem:s23], [sflag:$0x1] =	stream.indirect.gather [hbm4b:s4+s28], $0x80, s26, s28, $0xb8;
	[tilespmem:$0x1FC00] =	vst v63  }
0x77: {  	_ = 	snop  }
0x78: {  	[tilespmem:s30], [sflag:$0x2] =	stream.indirect.gather [hbm4b:s4+s28], $0x80, s29, s28, $0xb8;
	[tilespmem:$0x1FC00] =	vst v63  }
0x79: {  	_ =	swait.ge [sflag:s31], $0x4000  }
0x7a: {  	[sflag:s31] =	ssyncset.done $0x0  }
0x7b: {  	s7 =	simm.s32 $0x16800;
	[sflag:s31] =	ssyncadd.s32 $0xFFFFC000  }
0x7c: {  	[spmem:s2] =	stream.indirect.scatter.add.f32 [tilespmem:s23], [sflag:$0x3], $0x80, s7, s28, $0xb8;
	[tilespmem:$0x1FC00] =	vst v63  }
0x7d: {  	_ =	swait.ge [sflag:s24], $0x4000  }
0x7e: {  	[sflag:s24] =	ssyncset.done $0x0  }
0x7f: {  	s8 =	simm.s32 $0x14100;
	[sflag:s24] =	ssyncadd.s32 $0xFFFFC000  }
0x80: {  	[tilespmem:s23], [sflag:$0x1] =	stream.indirect.gather [hbm4b:s4+s28], $0x80, s8, s28, $0xb8;
	[tilespmem:$0x1FC00] =	vst v63  }
0x81: {  	_ =	swait.ge [sflag:s1], $0x4000  }
0x82: {  	[sflag:s1] =	ssyncset.done $0x0  }
0x83: {  	s25 =	simm.s32 $0x16880;
	[sflag:s1] =	ssyncadd.s32 $0xFFFFC000  }
0x84: {  	[spmem:s2] =	stream.indirect.scatter.add.f32 [tilespmem:s30], [sflag:$0x3], $0x80, s25, s28, $0xb8;
	[tilespmem:$0x1FC00] =	vst v63  }
0x85: {  	_ =	swait.ge [sflag:s24], $0x4000  }
0x86: {  	[sflag:s24] =	ssyncset.done $0x0  }
0x87: {  	s6 =	simm.s32 $0x14180;
	s25 =	simm.s32 $0xFFFFB800;
	[sflag:s24] =	ssyncadd.s32 $0xFFFFC000  }
.LBB2_6:
0x88: {  	[tilespmem:s30], [sflag:$0x2] =	stream.indirect.gather [hbm4b:s4+s28], $0x80, s6, s28, $0xb8;
	[tilespmem:$0x1FC00] =	vst v63  }
0x89: {  	s6 =	smov.u32 s25  }
0x8a: {  	p0 =	sne.s32 s25, $0xFFFFFC00;
	s25 =	sadd.s32 $0x400, s25;
	_ =	swait.ge [sflag:s31], $0x4000  }
0x8b: {  	s6 =	sshra.s32 s6, $0x2;
	[sflag:s31] =	ssyncset.done $0x0  }
0x8c: {  	s7 =	sadd.s32 $0x17B00, s6;
	[sflag:s31] =	ssyncadd.s32 $0xFFFFC000  }
0x8d: {  	[spmem:s2] =	stream.indirect.scatter.add.f32 [tilespmem:s23], [sflag:$0x3], $0x80, s7, s28, $0xb8;
	[tilespmem:$0x1FC00] =	vst v63  }
0x8e: {  	_ =	swait.ge [sflag:s24], $0x4000  }
0x8f: {  	[sflag:s24] =	ssyncset.done $0x0  }
0x90: {  	s7 =	sadd.s32 $0x15400, s6;
	[sflag:s24] =	ssyncadd.s32 $0xFFFFC000  }
0x91: {  	[tilespmem:s23], [sflag:$0x1] =	stream.indirect.gather [hbm4b:s4+s28], $0x80, s7, s28, $0xb8;
	[tilespmem:$0x1FC00] =	vst v63  }
0x92: {  	_ =	swait.ge [sflag:s1], $0x4000  }
0x93: {  	[sflag:s1] =	ssyncset.done $0x0  }
.Ltmp2:
0x94: {  	s7 =	sadd.s32 $0x17B80, s6;
	[sflag:s1] =	ssyncadd.s32 $0xFFFFC000;
	(pc) =	sbr.rel @p0 .LBB2_6-.Ltmp2, $4  }
0x95: {  	[spmem:s2] =	stream.indirect.scatter.add.f32 [tilespmem:s30], [sflag:$0x3], $0x80, s7, s28, $0xb8;
	[tilespmem:$0x1FC00] =	vst v63  }
0x96: {  	_ =	swait.ge [sflag:s24], $0x4000  }
0x97: {  	[sflag:s24] =	ssyncset.done $0x0  }
0x98: {  	s6 =	sadd.s32 $0x15480, s6;
	[sflag:s24] =	ssyncadd.s32 $0xFFFFC000  }
0x99: {  	[tilespmem:s30], [sflag:$0x2] =	stream.indirect.gather [hbm4b:s4+s28], $0x80, s6, s28, $0xb8;
	[tilespmem:$0x1FC00] =	vst v63  }
0x9a: {  	_ =	swait.ge [sflag:s31], $0x4000  }
0x9b: {  	[sflag:s31] =	ssyncset.done $0x0  }
0x9c: {  	s7 =	simm.s32 $0x17B00;
	[sflag:s31] =	ssyncadd.s32 $0xFFFFC000  }
0x9d: {  	[spmem:s2] =	stream.indirect.scatter.add.f32 [tilespmem:s23], [sflag:$0x3], $0x80, s7, s28, $0xb8;
	[tilespmem:$0x1FC00] =	vst v63  }
0x9e: {  	_ =	swait.ge [sflag:s24], $0x4000  }
0x9f: {  	[sflag:s24] =	ssyncset.done $0x0  }
0xa0: {  	[sflag:s24] =	ssyncadd.s32 $0xFFFFC000  }
0xa1: {  	_ =	swait.ge [sflag:s1], $0x4000  }
0xa2: {  	[sflag:s1] =	ssyncset.done $0x0  }
0xa3: {  	s8 =	simm.s32 $0x17B80;
	[sflag:s1] =	ssyncadd.s32 $0xFFFFC000  }
0xa4: {  	[spmem:s2] =	stream.indirect.scatter.add.f32 [tilespmem:s30], [sflag:$0x3], $0x80, s8, s28, $0xb8;
	[tilespmem:$0x1FC00] =	vst v63  }
0xa5: {  	_ =	swait.ge [sflag:s24], $0x4000  }
0xa6: {  	[sflag:s24] =	ssyncset.done $0x0  }
0xa7: {  	[sflag:s24] =	ssyncadd.s32 $0xFFFFC000  }
0xa8: {  	[bflag:$0x0] =	sbarrier.arrive $0xFFFF  }
0xa9: {  	[tilespmem:s23], [sflag:$0x3] =	stream.linear.gather [spmem:s5], $0x4000, $0x38;
	[tilespmem:$0x1FC00] =	vst v63  }
0xaa: {  	_ =	swait.ge [sflag:s24], $0x4000  }
0xab: {  	[sflag:s24] =	ssyncset.done $0x0  }
0xac: {  	[sflag:s24] =	ssyncadd.s32 $0xFFFFC000  }
0xad: {  	[hbm4b:s14+s3] =	stream.linear.scatter [tilespmem:s23], [sflag:$0x3], $0x4000, $0x38;
	[tilespmem:$0x1FC00] =	vst v63  }
0xae: {  	_ =	swait.ge [sflag:s24], $0x4000  }
0xaf: {  	[sflag:s24] =	ssyncset.done $0x0  }
0xb0: {  	[sflag:s24] =	ssyncadd.s32 $0xFFFFC000  }
0xb1: {  	[tilespmem:s23], [sflag:$0x3] =	stream.linear.gather [spmem:s15], $0x4000, $0x38;
	[tilespmem:$0x1FC00] =	vst v63  }
0xb2: {  	_ =	swait.ge [sflag:s24], $0x4000  }
0xb3: {  	[sflag:s24] =	ssyncset.done $0x0  }
0xb4: {  	[sflag:s24] =	ssyncadd.s32 $0xFFFFC000  }
0xb5: {  	[hbm4b:s16+s3] =	stream.linear.scatter [tilespmem:s23], [sflag:$0x3], $0x4000, $0x38;
	[tilespmem:$0x1FC00] =	vst v63  }
0xb6: {  	_ =	swait.ge [sflag:s24], $0x4000  }
0xb7: {  	[sflag:s24] =	ssyncset.done $0x0  }
0xb8: {  	[sflag:s24] =	ssyncadd.s32 $0xFFFFC000  }
0xb9: {  	[tilespmem:s23], [sflag:$0x3] =	stream.linear.gather [spmem:s17], $0x4000, $0x38;
	[tilespmem:$0x1FC00] =	vst v63  }
0xba: {  	_ =	swait.ge [sflag:s24], $0x4000  }
0xbb: {  	[sflag:s24] =	ssyncset.done $0x0  }
0xbc: {  	[sflag:s24] =	ssyncadd.s32 $0xFFFFC000  }
0xbd: {  	[hbm4b:s18+s3] =	stream.linear.scatter [tilespmem:s23], [sflag:$0x3], $0x4000, $0x38;
	[tilespmem:$0x1FC00] =	vst v63  }
0xbe: {  	_ =	swait.ge [sflag:s24], $0x4000  }
0xbf: {  	[sflag:s24] =	ssyncset.done $0x0  }
0xc0: {  	[sflag:s24] =	ssyncadd.s32 $0xFFFFC000  }
0xc1: {  	[tilespmem:s23], [sflag:$0x3] =	stream.linear.gather [spmem:s19], $0x4000, $0x38;
	[tilespmem:$0x1FC00] =	vst v63  }
0xc2: {  	_ =	swait.ge [sflag:s24], $0x4000  }
0xc3: {  	[sflag:s24] =	ssyncset.done $0x0  }
0xc4: {  	[sflag:s24] =	ssyncadd.s32 $0xFFFFC000  }
0xc5: {  	[hbm4b:s20+s3] =	stream.linear.scatter [tilespmem:s23], [sflag:$0x3], $0x4000, $0x38;
	[tilespmem:$0x1FC00] =	vst v63  }
0xc6: {  	_ =	swait.ge [sflag:s24], $0x4000  }
0xc7: {  	[sflag:s24] =	ssyncset.done $0x0  }
0xc8: {  	[sflag:s24] =	ssyncadd.s32 $0xFFFFC000  }
0xc9: {  	[tilespmem:s23], [sflag:$0x3] =	stream.linear.gather [spmem:s21], $0x4000, $0x38;
	[tilespmem:$0x1FC00] =	vst v63  }
0xca: {  	_ =	swait.ge [sflag:s24], $0x4000  }
0xcb: {  	[sflag:s24] =	ssyncset.done $0x0  }
0xcc: {  	[sflag:s24] =	ssyncadd.s32 $0xFFFFC000  }
0xcd: {  	[hbm4b:s22+s3] =	stream.linear.scatter [tilespmem:s23], [sflag:$0x3], $0x4000, $0x38;
	[tilespmem:$0x1FC00] =	vst v63  }
0xce: {  	_ =	swait.ge [sflag:s24], $0x4000  }
0xcf: {  	s0 =	sadd.s32 $0x1, s0;
	s25 =	rddreg [dreg:$0x4]  }
0xd0: {  	p0 =	sne.s32 s0, s25  }
.Ltmp3:
0xd1: {  	_ = 	snop;
	(pc) =	sbr.rel @p0 .LBB2_1-.Ltmp3, $3  }
0xd2: {  	_ =	sdelay $0x1  }
0xd3: {  	[sflag:s24] =	ssyncset.done $0x0  }
0xd4: {  	[sflag:s24] =	ssyncadd.s32 $0xFFFFC000  }
0xd5: {  	_ =	sfence.sel $0x180000  }
0xd6: {  	[bflag:$0x0] =	sbarrier.arrive $0xFFFF  }
0xd7: {  	_ =	strace $0x9000004A  }
0xd8: {  	s0 =	stileid.u32;
	[bflag:$0x2] =	sbarrier.arrive $0xFFFF  }
0xd9: {  	p0 =	sne.s32 s0, $0x0;
	s0 =	rddreg [dreg:$0x2]  }
0xda: {  	s0 =	sadd.s32 @!p0 $0x100000, s0  }
0xdb: {  	[sflag:s0] =	ssyncadd.tile.s32 @!p0 $0x1;
	_ =	shalt  }
.Lfunc_end2:
_tile_overlayer_lowered:
.L_overlay_start_2:
0xdc: {  	(tag) =	ssettag $0x2  }
0xdd: {  	s0 =	rddreg [dreg:$0x0];
	s2 =	stileid.u32  }
0xde: {  	s1 =	rddreg [dreg:$0x1];
	p0 =	sne.s32 s2, $0x0  }
0xdf: {  	s3 =	rddreg [dreg:$0x2];
	[bflag:$0x3] =	sbarrier.arrive $0xFFFF;
	s2 =	simm.s32 @!p0 $0x1C03  }
0xe0: {  	[timem:s3], [sflag:s2] =	dma.local @!p0 [hbm:s0], s1  }
0xe1: {  	s0 =	simm.s32 @!p0 $0x3  }
0xe2: {  	_ =	swait.ge @!p0 [sflag:s0], s1  }
0xe3: {  	s1 =	ssub.s32 @!p0 $0x0, s1;
	[sflag:s0] =	ssyncset.done @!p0 $0x0  }
0xe4: {  	[sflag:s0] =	ssyncadd.s32 @!p0 s1  }
0xe5: {  	[bflag:$0x3] =	sbarrier.arrive $0xFFFF  }
0xe6: {  	_ =	shalt  }

// kernel: kernel.14.cloned.1.call-start
scs
__scs_entry_jumppad:
0x0: {  	(pc) =	sbr.rel $0x88, $3  }
0x1: {  	(tag) =	ssettag $0x0;
	lr =	simm.s32 $0x1  }
0x2: {  	[smem:$0x3F9B] =	sst lr;
	_ =	strace $0xD0000000  }
0x3: {  	_ = 	snop  }
0x4: {  	_ = 	snop  }
0x5: {  	_ = 	snop  }
0x6: {  	_ = 	snop  }
0x7: {  	_ = 	snop  }
__scs_overlays_trampoline_lowered:
0x8: {  	[smem:$0x3FAA] =	sst s0  }
0x9: {  	[smem:$0x3FAB] =	sst s1  }
0xa: {  	[smem:$0x3FAC] =	sst s2  }
0xb: {  	[smem:$0x3FAD] =	sst s3  }
0xc: {  	[smem:$0x3FAE] =	sst s4  }
0xd: {  	[smem:$0x3FAF] =	sst s5  }
0xe: {  	[smem:$0x3FB0] =	sst s6  }
0xf: {  	[smem:$0x3FB1] =	sst s7  }
0x10: {  	[smem:$0x3FB2] =	sst s8  }
0x11: {  	[smem:$0x3FB3] =	sst s9;
	s0 =	simm.s32 @!p0 $0x0  }
0x12: {  	s1 =	sld [smem:$0x3F99];
	s0 =	simm.s32 @p0 $0x1  }
0x13: {  	[smem:$0x3FB4] =	sst s0;
	s0 =	simm.s32 @!p1 $0x0  }
0x14: {  	s2 =	sld [smem:$0x3F98];
	s0 =	simm.s32 @p1 $0x1  }
0x15: {  	[smem:$0x3FB5] =	sst s0;
	s0 =	simm.s32 @!p2 $0x0  }
0x16: {  	s3 =	sld [smem:$0x3FDB];
	s0 =	simm.s32 @p2 $0x1  }
0x17: {  	s4 =	simm.s32 $0x1BF5;
	[smem:$0x3FB7] =	sst s0  }
0x18: {  	s0 =	sld [smem:$0x3F9A];
	_ =	swait.ge [sflag:s4], $0x0  }
0x19: {  	s7 =	sld [smem:$0x3F9B]  }
0x1a: {  	s8 =	sadd.s32 $0xFFFFE003, lr  }
0x1b: {  	s9 =	sadd.s32 $0xFFFFFEF7, lr;
	s5 =	simm.s32 $0xFFFFFFFF;
	p2 =	slt.u32 s8, $0xFFFFF086  }
0x1c: {  	p1 =	slt.u32 s9, $0xF7A;
	s5 =	simm.s32 @!p2 $0x0  }
0x1d: {  	s5 =	simm.s32 @p1 $0x1;
	p0 =	seq.s32 s7, s2  }
0x1e: {  	s7 =	smul.u32 @!p0 $0xF7A, s2;
	p2 =	seq.s32 @!p0 s5, $0x0  }
0x1f: {  	s9 =	smul.u32 $0xF7A, s1;
	s8 =	simm.s32 @!p0 $0x1BF5;
	p2 =	por !p2, p0  }
0x20: {  	[sflag:s8] =	ssyncset.s32 @!p0 $0xFFFFF086;
	s6 =	sadd.s32 @!p0 s3, s7;
	s7 =	simm.s32 @!p0 $0x108  }
0x21: {  	s3 =	sadd.s32 s3, s9;
	s6 =	sadd.s32 @!p0 $0x88, s6;
	s7 =	simm.s32 @p2 $0x1082  }
0x22: {  	[simem:s7], [sflag:s8] =	dma.local @!p0 [hbm:s6], $0xF7A  }
0x23: {  	s9 =	sor.u32 $0xD0000000, s2;
	s6 =	simm.s32 $0x108;
	_ =	swait.ge @!p0 [sflag:s8], $0x0  }
0x24: {  	s3 =	sadd.s32 $0x88, s3;
	s6 =	simm.s32 @!p1 $0x1082;
	[sflag:s4] =	ssyncset.s32 $0xFFFFF086  }
0x25: {  	[simem:s6], [sflag:s4] =	dma.local [hbm:s3], $0xF7A  }
0x26: {  	[smem:$0x3F9B] =	sst s1;
	(tag) =	ssettag s2;
	_ =	strace s9  }
0x27: {  	s1 =	sld [smem:$0x3FAB]  }
0x28: {  	s2 =	sld [smem:$0x3FAC]  }
0x29: {  	s4 =	sld [smem:$0x3FAE]  }
0x2a: {  	p0 =	seq.s32 s5, $0x0;
	s5 =	sld [smem:$0x3FAF]  }
0x2b: {  	s6 =	sld [smem:$0x3FB0]  }
0x2c: {  	s7 =	sld [smem:$0x3FB1]  }
0x2d: {  	s3 =	simm.s32 $0x108;
	s8 =	sld [smem:$0x3FB2]  }
0x2e: {  	s3 =	simm.s32 @!p0 $0x1082;
	s9 =	sld [smem:$0x3FB3]  }
0x2f: {  	lr =	sadd.s32 s0, s3;
	s0 =	sld [smem:$0x3FAA]  }
0x30: {  	s3 =	sld [smem:$0x3FAD]  }
0x31: {  	[smem:$0x3FB6] =	sst s10  }
0x32: {  	s10 =	sld [smem:$0x3FB4];
	_ =	sdelay $0x3  }
0x33: {  	p0 =	seq.s32 s10, $0x1;
	s10 =	sld [smem:$0x3FB6];
	_ =	sdelay $0x3  }
0x34: {  	[smem:$0x3FB6] =	sst s10  }
0x35: {  	s10 =	sld [smem:$0x3FB5];
	_ =	sdelay $0x3  }
0x36: {  	p1 =	seq.s32 s10, $0x1;
	s10 =	sld [smem:$0x3FB6];
	_ =	sdelay $0x3  }
0x37: {  	[smem:$0x3FB6] =	sst s10  }
0x38: {  	s10 =	sld [smem:$0x3FB7]  }
0x39: {  	_ = 	snop;
	(pc) =	sbr.ind lr, $3  }
0x3a: {  	_ = 	snop  }
0x3b: {  	_ = 	snop  }
0x3c: {  	p2 =	seq.s32 s10, $0x1;
	s10 =	sld [smem:$0x3FB6]  }
0x3d: {  	_ =	shalt  }
0x3e: {  	_ =	shalt  }
0x3f: {  	_ =	shalt  }
0x40: {  	_ =	shalt  }
0x41: {  	_ =	shalt  }
0x42: {  	_ =	shalt  }
0x43: {  	_ =	shalt  }
0x44: {  	_ =	shalt  }
0x45: {  	_ =	shalt  }
0x46: {  	_ =	shalt  }
0x47: {  	_ =	shalt  }
0x48: {  	_ =	shalt  }
0x49: {  	_ =	shalt  }
0x4a: {  	_ =	shalt  }
0x4b: {  	_ =	shalt  }
0x4c: {  	_ =	shalt  }
0x4d: {  	_ =	shalt  }
0x4e: {  	_ =	shalt  }
0x4f: {  	_ =	shalt  }
0x50: {  	_ =	shalt  }
0x51: {  	_ =	shalt  }
0x52: {  	_ =	shalt  }
0x53: {  	_ =	shalt  }
0x54: {  	_ =	shalt  }
0x55: {  	_ =	shalt  }
0x56: {  	_ =	shalt  }
0x57: {  	_ =	shalt  }
0x58: {  	_ =	shalt  }
0x59: {  	_ =	shalt  }
0x5a: {  	_ =	shalt  }
0x5b: {  	_ =	shalt  }
0x5c: {  	_ =	shalt  }
0x5d: {  	_ =	shalt  }
0x5e: {  	_ =	shalt  }
0x5f: {  	_ =	shalt  }
0x60: {  	_ =	shalt  }
0x61: {  	_ =	shalt  }
0x62: {  	_ =	shalt  }
0x63: {  	_ =	shalt  }
0x64: {  	_ =	shalt  }
0x65: {  	_ =	shalt  }
0x66: {  	_ =	shalt  }
0x67: {  	_ =	shalt  }
0x68: {  	_ =	shalt  }
0x69: {  	_ =	shalt  }
0x6a: {  	_ =	shalt  }
0x6b: {  	_ =	shalt  }
0x6c: {  	_ =	shalt  }
0x6d: {  	_ =	shalt  }
0x6e: {  	_ =	shalt  }
0x6f: {  	_ =	shalt  }
0x70: {  	_ =	shalt  }
0x71: {  	_ =	shalt  }
0x72: {  	_ =	shalt  }
0x73: {  	_ =	shalt  }
0x74: {  	_ =	shalt  }
0x75: {  	_ =	shalt  }
0x76: {  	_ =	shalt  }
0x77: {  	_ =	shalt  }
0x78: {  	_ =	shalt  }
0x79: {  	_ =	shalt  }
0x7a: {  	_ =	shalt  }
0x7b: {  	_ =	shalt  }
0x7c: {  	_ =	shalt  }
0x7d: {  	_ =	shalt  }
0x7e: {  	_ =	shalt  }
0x7f: {  	_ =	shalt  }
0x80: {  	_ =	shalt  }
0x81: {  	_ =	shalt  }
0x82: {  	_ =	shalt  }
0x83: {  	_ =	shalt  }
0x84: {  	_ =	shalt  }
0x85: {  	_ =	shalt  }
0x86: {  	_ =	shalt  }
0x87: {  	_ =	shalt  }
.Lfunc_end0:
.L_simem_size_0:
called_computation.2_lowered:
.L_overlay_start_0:
0x88: {  	s2 =	sld [smem:$0x3FD9]  }
0x89: {  	s3 =	sld [smem:$0x3FFE];
	_ =	sdelay $0x1  }
0x8a: {  	s1 =	srdreg.scid  }
0x8b: {  	s0 =	sand.u32 $0x1, s1  }
0x8c: {  	s16 =	sshll.u32 s0, $0xA;
	s2 =	sadd.s32 s3, s2  }
0x8d: {  	s2 =	sadd.s32 s2, s16  }
0x8e: {  	[smem:$0x3FC2] =	sst s2  }
0x8f: {  	_ = 	snop  }
0x90: {  	(tm) =	ssettm $0x1  }
0x91: {  	s17 =	sld [smem:$0x3FFB];
	_ =	sdelay $0x3  }
0x92: {  	_ =	strace s17  }
0x93: {  	s2 =	sld [smem:$0x3FFC];
	_ =	sdelay $0x3  }
0x94: {  	_ =	strace s2  }
0x95: {  	s2 =	sld [smem:$0x3FFD];
	_ =	sdelay $0x3  }
0x96: {  	_ =	strace s2  }
0x97: {  	_ =	strace $0x8FFFFFFF  }
0x98: {  	s18 =	sld [smem:$0x3FDB];
	_ =	sdelay $0x1  }
0x99: {  	s19 =	simm.s32 $_scs_section_size  }
0x9a: {  	s4 =	simm.s32 $_size__tile_overlayer_lowered;
	s5 =	simm.s32 $_tile_overlayer_lowered  }
0x9b: {  	s22 =	simm.s32 $0x1BFF;
	s21 =	sshll.u32 s5, $0x1;
	s2 =	sadd.s32 s19, s18  }
0x9c: {  	s6 =	simm.s32 $0x0;
	s20 =	sshll.u32 s4, $0x1;
	s4 =	sadd.s32 s21, s2  }
0x9d: {  	[timem:s6], [sflag:s22] =	dma.local [hbm:s4], s20  }
0x9e: {  	_ =	swait.ge [sflag:s22], s20  }
0x9f: {  	s3 =	ssub.s32 $0x0, s20;
	[sflag:s22] =	ssyncset.done $0x0  }
0xa0: {  	[sflag:s22] =	ssyncadd.s32 s3;
	_ =	sdelay $0x1  }
0xa1: {  	s23 =	simm.s32 $0x1B8B  }
0xa2: {  	_ =	swait.ge [sflag:s23], $0x1  }
0xa3: {  	[sflag:s23] =	ssyncset.done $0x0  }
0xa4: {  	s25 =	simm.s32 $0x1B8E;
	s24 =	sld [smem:$0x3FFE];
	[sflag:s23] =	ssyncadd.s32 $0xFFFFFFFF  }
0xa5: {  	s26 =	simm.s32 $execute0_lowered;
	[smem:$0x3FD2] =	sst s25  }
0xa6: {  	s4 =	sshll.u32 s26, $0x1;
	_ =	strace $0x8000004C;
	[dreg:$0x1] =	wrdreg $0xFFFFFFFF  }
0xa7: {  	s28 =	simm.s32 $_size_execute0_lowered;
	s2 =	sadd.s32 s2, s4;
	[dreg:$0x0] =	wrdreg $0x0  }
0xa8: {  	s4 =	sshll.u32 s28, $0x1;
	[dreg:$0x2] =	wrdreg s2  }
0xa9: {  	[dreg:$0x3] =	wrdreg s4  }
0xaa: {  	[dreg:$0x4] =	wrdreg $0xC0  }
0xab: {  	_ =	task [dreg:s6], $0x5FFFF  }
0xac: {  	[dreg:$0x1] =	wrdreg $0xFFFFFFFF  }
0xad: {  	[dreg:$0x0] =	wrdreg $0x60  }
0xae: {  	[dreg:$0x2] =	wrdreg s24  }
0xaf: {  	[dreg:$0x3] =	wrdreg $0x0  }
0xb0: {  	[dreg:$0x4] =	wrdreg $0x9  }
0xb1: {  	_ =	task.clear_ibuf [dreg:s6], $0x5FFFF;
	_ =	strace $0x9000004C  }
0xb2: {  	s29 =	simm.s32 $0x9;
	_ =	strace $0x8000004E  }
0xb3: {  	_ =	swait.ge [sflag:s29], $0x1  }
0xb4: {  	[sflag:s29] =	ssyncadd.s32 $0xFFFFFFFF  }
0xb5: {  	_ =	strace $0x9000004E  }
0xb6: {  	_ =	sfence  }
0xb7: {  	s30 =	sld [smem:$0x0];
	_ =	sdelay $0x2  }
0xb8: {  	s31 =	sshll.u32 s1, $0xD;
	s1 =	sshrl.u32 s1, $0x2  }
0xb9: {  	s3 =	sand.u32 $0x4000, s31;
	s1 =	sadd.s32 s1, s30  }
0xba: {  	s0 =	sor.u32 s3, s0;
	s1 =	sshll.u32 s1, $0x11  }
0xbb: {  	s0 =	sor.u32 s1, s0  }
0xbc: {  	s0 =	sadd.s32 $0x8F2B, s0  }
0xbd: {  	[sflag:s0] =	ssyncadd.remote.s32 $0x1  }
0xbe: {  	_ =	sfence.sel $0xFFFF  }
0xbf: {  	[dreg:$0x0] =	wrdreg $0xFFFFFFFF;
	(pc) =	sbr.abs _section_cstart, $3  }
0xc0: {  	[dreg:$0x1] =	wrdreg $0xFFFFFFFF  }
0xc1: {  	_ =	task.clear_ibuf [dreg:s6], $0x2FFFF;
	_ =	strace $0x9FFFFFFF  }
0xc2: {  	(tm) =	ssettm $0x7FFFFFFF  }
0xc3: {  	_ =	shalt  }
tec
execute0_lowered:
.L_overlay_start_1:
0x0: {  	(tag) =	ssettag $0x1  }
0x1: {  	s0 =	rddreg [dreg:$0x0]  }
0x2: {  	s1 =	srdreg.scid;
	s8 =	stileid.u32  }
0x3: {  	s2 =	rddreg [dreg:$0x1];
	s3 =	simm.s32 $0x0;
	s28 =	simm.s32 $0x80  }
0x4: {  	s29 =	simm.s32 $0x14080;
	s30 =	simm.s32 $0x1BC00;
	s31 =	simm.s32 $0x1  }
0x5: {  	s1 =	sand.u32 $0x1, s1;
	s4 =	sshll.u32 s8, $0x1;
	s7 =	smul.u32 $0x50000, s8  }
0x6: {  	[smem:$0x7FF] =	sst s3;
	s22 =	smul.u32 $0x14000, s8;
	s4 =	sor.u32 s1, s4  }
0x7: {  	_ =	strace $0x8000004D;
	s6 =	ssub.s32 $0x2, s1;
	s1 =	smul.u32 $0x140000, s1  }
0x8: {  	s4 =	smul.u32 $0x2800, s4;
	s18 =	sshrl.u32 s6, $0x1;
	s19 =	sshrl.u32 s7, $0x2  }
0x9: {  	s15 =	sadd.s32 $0x4000, s22;
	s17 =	sadd.s32 $0x8000, s22;
	s6 =	ssub.s32 s6, s18  }
0xa: {  	s23 =	sadd.s32 s1, s22;
	s16 =	sadd.s32 s1, s15;
	s15 =	sadd.s32 s15, s2  }
0xb: {  	s25 =	sadd.s32 s1, s17;
	s17 =	sadd.s32 s17, s2;
	s5 =	sshrl.u32 s4, $0x3  }
0xc: {  	s4 =	sadd.s32 $0x1A00, s0;
	s6 =	smax.u32 s6, $0x1;
	s7 =	sshrl.u32 s23, $0x3  }
0xd: {  	s24 =	sshrl.u32 s16, $0x3;
	s23 =	simm.s32 $0x17C00;
	s13 =	sadd.s32 s5, s0  }
0xe: {  	s0 =	sadd.s32 $0x65A00, s0;
	s5 =	sadd.s32 s19, s2;
	[dreg:$0x4] =	wrdreg s6  }
0xf: {  	s19 =	sadd.s32 $0xC000, s22;
	s6 =	sadd.s32 $0x10000, s22;
	s20 =	sadd.s32 $0x5BA00, s13  }
0x10: {  	s21 =	sadd.s32 $0x4000, s5;
	s9 =	sadd.s32 $0x8000, s5;
	s10 =	sadd.s32 $0xC000, s5  }
0x11: {  	s11 =	sadd.s32 $0x10000, s5;
	s12 =	sadd.s32 $0x51A00, s13;
	s13 =	sadd.s32 $0x51C80, s13  }
0x12: {  	s14 =	sadd.s32 s0, s7;
	s16 =	sadd.s32 s0, s24;
	s7 =	sshrl.u32 s25, $0x3  }
0x13: {  	s26 =	sadd.s32 s1, s19;
	s19 =	sadd.s32 s19, s2;
	[dreg:$0x3] =	wrdreg s20  }
0x14: {  	s1 =	sadd.s32 s1, s6;
	s24 =	simm.s32 $0x3;
	[dreg:$0x5] =	wrdreg s21  }
0x15: {  	s18 =	sadd.s32 s0, s7;
	s7 =	sshrl.u32 s26, $0x3;
	s21 =	sadd.s32 s6, s2  }
0x16: {  	s1 =	sshrl.u32 s1, $0x3;
	s26 =	simm.s32 $0x14000;
	s20 =	sadd.s32 s0, s7  }
0x17: {  	v0 =	vimm.f32 $0.0e+00;
	s22 =	sadd.s32 s0, s1;
	s1 =	simm.s32 $0x2;
	s0 =	simm.s32 $0x0  }
.LBB2_1:
0x18: {  	s6 =	sand.u32 $0xFE00, s3  }
0x19: {  	s7 =	sand.u32 $0x70, s3;
	s6 =	sshrl.u32 s6, $0x2  }
0x1a: {  	s25 =	simm.s32 $0x40;
	s7 =	sor.u32 s7, s6;
	s6 =	simm.s32 $0x0  }
.LBB2_2:
0x1b: {  	p0 =	sne.s32 s25, $0xFFC0  }
0x1c: {  	[tilespmem:s7+$0x17C00] =	vst v0;
	s6 =	sadd.s32 $0x10, s6;
	s7 =	smov.u32 s25;
	s25 =	sadd.s32 $0x40, s25  }
.Ltmp0:
0x1d: {  	(pc) =	sbr.rel @p0 .LBB2_2-.Ltmp0, $4  }
0x1e: {  	_ = 	snop  }
0x1f: {  	s7 =	sand.u32 $0xFE00, s7  }
0x20: {  	s8 =	sand.u32 $0x70, s6;
	s7 =	sshrl.u32 s7, $0x2  }
0x21: {  	s7 =	sor.u32 s8, s7  }
0x22: {  	[tilespmem:s7+$0x17C00] =	vst v0  }
0x23: {  	[spmem:s5] =	stream.linear.scatter [tilespmem:s23], [sflag:$0x3], $0x4000, $0x38;
	[tilespmem:$0x1FC00] =	vst v63  }
0x24: {  	_ =	swait.ge [sflag:s24], $0x4000  }
0x25: {  	[sflag:s24] =	ssyncset.done $0x0  }
0x26: {  	s6 =	rddreg [dreg:$0x5];
	[sflag:s24] =	ssyncadd.s32 $0xFFFFC000  }
0x27: {  	[spmem:s6] =	stream.linear.scatter [tilespmem:s23], [sflag:$0x3], $0x4000, $0x38;
	[tilespmem:$0x1FC00] =	vst v63  }
0x28: {  	_ =	swait.ge [sflag:s24], $0x4000  }
0x29: {  	[sflag:s24] =	ssyncset.done $0x0  }
0x2a: {  	[sflag:s24] =	ssyncadd.s32 $0xFFFFC000  }
0x2b: {  	[spmem:s9] =	stream.linear.scatter [tilespmem:s23], [sflag:$0x3], $0x4000, $0x38;
	[tilespmem:$0x1FC00] =	vst v63  }
0x2c: {  	_ =	swait.ge [sflag:s24], $0x4000  }
0x2d: {  	[sflag:s24] =	ssyncset.done $0x0  }
0x2e: {  	[sflag:s24] =	ssyncadd.s32 $0xFFFFC000  }
0x2f: {  	[spmem:s10] =	stream.linear.scatter [tilespmem:s23], [sflag:$0x3], $0x4000, $0x38;
	[tilespmem:$0x1FC00] =	vst v63  }
0x30: {  	_ =	swait.ge [sflag:s24], $0x4000  }
0x31: {  	[sflag:s24] =	ssyncset.done $0x0  }
0x32: {  	[sflag:s24] =	ssyncadd.s32 $0xFFFFC000  }
0x33: {  	[spmem:s11] =	stream.linear.scatter [tilespmem:s23], [sflag:$0x3], $0x4000, $0x38;
	[tilespmem:$0x1FC00] =	vst v63  }
0x34: {  	_ =	swait.ge [sflag:s24], $0x4000  }
0x35: {  	s8 =	simm.s32 $0x15400;
	[sflag:s24] =	ssyncset.done $0x0  }
0x36: {  	s6 =	simm.s32 $0x0;
	s25 =	rddreg [dreg:$0x3];
	[sflag:s24] =	ssyncadd.s32 $0xFFFFC000  }
0x37: {  	[tilespmem:s8], [sflag:$0x3] =	stream.linear.gather [hbm4b:s25+s6], $0x2800, $0x38;
	[tilespmem:$0x1FC00] =	vst v63  }
0x38: {  	_ =	swait.ge [sflag:s24], $0x2800  }
0x39: {  	[sflag:s24] =	ssyncset.done $0x0  }
0x3a: {  	[sflag:s24] =	ssyncadd.s32 $0xFFFFD800  }
0x3b: {  	[bflag:$0x0] =	sbarrier.arrive $0xFFFF  }
0x3c: {  	[tilespmem:s26], [sflag:$0x3] =	stream.linear.gather [hbm4b:s12+s6], $0x1400, $0x38;
	[tilespmem:$0x1FC00] =	vst v63  }
0x3d: {  	_ =	swait.ge [sflag:s24], $0x1400  }
0x3e: {  	[sflag:s24] =	ssyncset.done $0x0  }
0x3f: {  	[sflag:s24] =	ssyncadd.s32 $0xFFFFEC00  }
0x40: {  	[tilespmem:s23], [sflag:$0x1] =	stream.indirect.gather [hbm4b:s4+s28], $0x80, s26, s28, $0xb8;
	[tilespmem:$0x1FC00] =	vst v63  }
0x41: {  	_ = 	snop  }
0x42: {  	[tilespmem:s30], [sflag:$0x2] =	stream.indirect.gather [hbm4b:s4+s28], $0x80, s29, s28, $0xb8;
	[tilespmem:$0x1FC00] =	vst v63  }
0x43: {  	_ =	swait.ge [sflag:s31], $0x4000  }
0x44: {  	[sflag:s31] =	ssyncset.done $0x0  }
0x45: {  	s7 =	simm.s32 $0x15400;
	[sflag:s31] =	ssyncadd.s32 $0xFFFFC000  }
0x46: {  	[spmem:s2] =	stream.indirect.scatter.add.f32 [tilespmem:s23], [sflag:$0x3], $0x80, s7, s28, $0xb8;
	[tilespmem:$0x1FC00] =	vst v63  }
0x47: {  	_ =	swait.ge [sflag:s24], $0x4000  }
0x48: {  	[sflag:s24] =	ssyncset.done $0x0  }
0x49: {  	s8 =	simm.s32 $0x14100;
	[sflag:s24] =	ssyncadd.s32 $0xFFFFC000  }
0x4a: {  	[tilespmem:s23], [sflag:$0x1] =	stream.indirect.gather [hbm4b:s4+s28], $0x80, s8, s28, $0xb8;
	[tilespmem:$0x1FC00] =	vst v63  }
0x4b: {  	_ =	swait.ge [sflag:s1], $0x4000  }
0x4c: {  	[sflag:s1] =	ssyncset.done $0x0  }
0x4d: {  	s25 =	simm.s32 $0x15480;
	[sflag:s1] =	ssyncadd.s32 $0xFFFFC000  }
0x4e: {  	[spmem:s2] =	stream.indirect.scatter.add.f32 [tilespmem:s30], [sflag:$0x3], $0x80, s25, s28, $0xb8;
	[tilespmem:$0x1FC00] =	vst v63  }
0x4f: {  	_ =	swait.ge [sflag:s24], $0x4000  }
0x50: {  	[sflag:s24] =	ssyncset.done $0x0  }
0x51: {  	s6 =	simm.s32 $0x14180;
	s25 =	simm.s32 $0x400;
	[sflag:s24] =	ssyncadd.s32 $0xFFFFC000  }
.LBB2_4:
0x52: {  	[tilespmem:s30], [sflag:$0x2] =	stream.indirect.gather [hbm4b:s4+s28], $0x80, s6, s28, $0xb8;
	[tilespmem:$0x1FC00] =	vst v63  }
0x53: {  	s6 =	smov.u32 s25  }
0x54: {  	p0 =	sne.s32 s25, $0x4800;
	s25 =	sadd.s32 $0x400, s25;
	_ =	swait.ge [sflag:s31], $0x4000  }
0x55: {  	s6 =	sshra.s32 s6, $0x2;
	[sflag:s31] =	ssyncset.done $0x0  }
0x56: {  	s7 =	sadd.s32 $0x15400, s6;
	[sflag:s31] =	ssyncadd.s32 $0xFFFFC000  }
0x57: {  	[spmem:s2] =	stream.indirect.scatter.add.f32 [tilespmem:s23], [sflag:$0x3], $0x80, s7, s28, $0xb8;
	[tilespmem:$0x1FC00] =	vst v63  }
0x58: {  	_ =	swait.ge [sflag:s24], $0x4000  }
0x59: {  	[sflag:s24] =	ssyncset.done $0x0  }
0x5a: {  	s7 =	sadd.s32 $0x14100, s6;
	[sflag:s24] =	ssyncadd.s32 $0xFFFFC000  }
0x5b: {  	[tilespmem:s23], [sflag:$0x1] =	stream.indirect.gather [hbm4b:s4+s28], $0x80, s7, s28, $0xb8;
	[tilespmem:$0x1FC00] =	vst v63  }
0x5c: {  	_ =	swait.ge [sflag:s1], $0x4000  }
0x5d: {  	[sflag:s1] =	ssyncset.done $0x0  }
.Ltmp1:
0x5e: {  	s7 =	sadd.s32 $0x15480, s6;
	[sflag:s1] =	ssyncadd.s32 $0xFFFFC000;
	(pc) =	sbr.rel @p0 .LBB2_4-.Ltmp1, $4  }
0x5f: {  	[spmem:s2] =	stream.indirect.scatter.add.f32 [tilespmem:s30], [sflag:$0x3], $0x80, s7, s28, $0xb8;
	[tilespmem:$0x1FC00] =	vst v63  }
0x60: {  	_ =	swait.ge [sflag:s24], $0x4000  }
0x61: {  	[sflag:s24] =	ssyncset.done $0x0  }
0x62: {  	s6 =	sadd.s32 $0x14180, s6;
	[sflag:s24] =	ssyncadd.s32 $0xFFFFC000  }
0x63: {  	[tilespmem:s30], [sflag:$0x2] =	stream.indirect.gather [hbm4b:s4+s28], $0x80, s6, s28, $0xb8;
	[tilespmem:$0x1FC00] =	vst v63  }
0x64: {  	_ =	swait.ge [sflag:s31], $0x4000  }
0x65: {  	[sflag:s31] =	ssyncset.done $0x0  }
0x66: {  	s8 =	simm.s32 $0x16700;
	[sflag:s31] =	ssyncadd.s32 $0xFFFFC000  }
0x67: {  	[spmem:s2] =	stream.indirect.scatter.add.f32 [tilespmem:s23], [sflag:$0x3], $0x80, s8, s28, $0xb8;
	[tilespmem:$0x1FC00] =	vst v63  }
0x68: {  	_ =	swait.ge [sflag:s24], $0x4000  }
0x69: {  	[sflag:s24] =	ssyncset.done $0x0  }
0x6a: {  	[sflag:s24] =	ssyncadd.s32 $0xFFFFC000  }
0x6b: {  	_ =	swait.ge [sflag:s1], $0x4000  }
0x6c: {  	[sflag:s1] =	ssyncset.done $0x0  }
0x6d: {  	s25 =	simm.s32 $0x16780;
	[sflag:s1] =	ssyncadd.s32 $0xFFFFC000  }
0x6e: {  	[spmem:s2] =	stream.indirect.scatter.add.f32 [tilespmem:s30], [sflag:$0x3], $0x80, s25, s28, $0xb8;
	[tilespmem:$0x1FC00] =	vst v63  }
0x6f: {  	_ =	swait.ge [sflag:s24], $0x4000  }
0x70: {  	[sflag:s24] =	ssyncset.done $0x0  }
0x71: {  	[sflag:s24] =	ssyncadd.s32 $0xFFFFC000  }
0x72: {  	[tilespmem:s26], [sflag:$0x3] =	stream.linear.gather [hbm4b:s13+s3], $0x1400, $0x38;
	[tilespmem:$0x1FC00] =	vst v63  }
0x73: {  	_ =	swait.ge [sflag:s24], $0x1400  }
0x74: {  	[sflag:s24] =	ssyncset.done $0x0  }
0x75: {  	[sflag:s24] =	ssyncadd.s32 $0xFFFFEC00  }
0x76: {  	[tilespmem:s23], [sflag:$0x1] =	stream.indirect.gather [hbm4b:s4+s28], $0x80, s26, s28, $0xb8;
	[tilespmem:$0x1FC00] =	vst v63  }
0x77: {  	_ = 	snop  }
0x78: {  	[tilespmem:s30], [sflag:$0x2] =	stream.indirect.gather [hbm4b:s4+s28], $0x80, s29, s28, $0xb8;
	[tilespmem:$0x1FC00] =	vst v63  }
0x79: {  	_ =	swait.ge [sflag:s31], $0x4000  }
0x7a: {  	[sflag:s31] =	ssyncset.done $0x0  }
0x7b: {  	s7 =	simm.s32 $0x16800;
	[sflag:s31] =	ssyncadd.s32 $0xFFFFC000  }
0x7c: {  	[spmem:s2] =	stream.indirect.scatter.add.f32 [tilespmem:s23], [sflag:$0x3], $0x80, s7, s28, $0xb8;
	[tilespmem:$0x1FC00] =	vst v63  }
0x7d: {  	_ =	swait.ge [sflag:s24], $0x4000  }
0x7e: {  	[sflag:s24] =	ssyncset.done $0x0  }
0x7f: {  	s8 =	simm.s32 $0x14100;
	[sflag:s24] =	ssyncadd.s32 $0xFFFFC000  }
0x80: {  	[tilespmem:s23], [sflag:$0x1] =	stream.indirect.gather [hbm4b:s4+s28], $0x80, s8, s28, $0xb8;
	[tilespmem:$0x1FC00] =	vst v63  }
0x81: {  	_ =	swait.ge [sflag:s1], $0x4000  }
0x82: {  	[sflag:s1] =	ssyncset.done $0x0  }
0x83: {  	s25 =	simm.s32 $0x16880;
	[sflag:s1] =	ssyncadd.s32 $0xFFFFC000  }
0x84: {  	[spmem:s2] =	stream.indirect.scatter.add.f32 [tilespmem:s30], [sflag:$0x3], $0x80, s25, s28, $0xb8;
	[tilespmem:$0x1FC00] =	vst v63  }
0x85: {  	_ =	swait.ge [sflag:s24], $0x4000  }
0x86: {  	[sflag:s24] =	ssyncset.done $0x0  }
0x87: {  	s6 =	simm.s32 $0x14180;
	s25 =	simm.s32 $0xFFFFB800;
	[sflag:s24] =	ssyncadd.s32 $0xFFFFC000  }
.LBB2_6:
0x88: {  	[tilespmem:s30], [sflag:$0x2] =	stream.indirect.gather [hbm4b:s4+s28], $0x80, s6, s28, $0xb8;
	[tilespmem:$0x1FC00] =	vst v63  }
0x89: {  	s6 =	smov.u32 s25  }
0x8a: {  	p0 =	sne.s32 s25, $0xFFFFFC00;
	s25 =	sadd.s32 $0x400, s25;
	_ =	swait.ge [sflag:s31], $0x4000  }
0x8b: {  	s6 =	sshra.s32 s6, $0x2;
	[sflag:s31] =	ssyncset.done $0x0  }
0x8c: {  	s7 =	sadd.s32 $0x17B00, s6;
	[sflag:s31] =	ssyncadd.s32 $0xFFFFC000  }
0x8d: {  	[spmem:s2] =	stream.indirect.scatter.add.f32 [tilespmem:s23], [sflag:$0x3], $0x80, s7, s28, $0xb8;
	[tilespmem:$0x1FC00] =	vst v63  }
0x8e: {  	_ =	swait.ge [sflag:s24], $0x4000  }
0x8f: {  	[sflag:s24] =	ssyncset.done $0x0  }
0x90: {  	s7 =	sadd.s32 $0x15400, s6;
	[sflag:s24] =	ssyncadd.s32 $0xFFFFC000  }
0x91: {  	[tilespmem:s23], [sflag:$0x1] =	stream.indirect.gather [hbm4b:s4+s28], $0x80, s7, s28, $0xb8;
	[tilespmem:$0x1FC00] =	vst v63  }
0x92: {  	_ =	swait.ge [sflag:s1], $0x4000  }
0x93: {  	[sflag:s1] =	ssyncset.done $0x0  }
.Ltmp2:
0x94: {  	s7 =	sadd.s32 $0x17B80, s6;
	[sflag:s1] =	ssyncadd.s32 $0xFFFFC000;
	(pc) =	sbr.rel @p0 .LBB2_6-.Ltmp2, $4  }
0x95: {  	[spmem:s2] =	stream.indirect.scatter.add.f32 [tilespmem:s30], [sflag:$0x3], $0x80, s7, s28, $0xb8;
	[tilespmem:$0x1FC00] =	vst v63  }
0x96: {  	_ =	swait.ge [sflag:s24], $0x4000  }
0x97: {  	[sflag:s24] =	ssyncset.done $0x0  }
0x98: {  	s6 =	sadd.s32 $0x15480, s6;
	[sflag:s24] =	ssyncadd.s32 $0xFFFFC000  }
0x99: {  	[tilespmem:s30], [sflag:$0x2] =	stream.indirect.gather [hbm4b:s4+s28], $0x80, s6, s28, $0xb8;
	[tilespmem:$0x1FC00] =	vst v63  }
0x9a: {  	_ =	swait.ge [sflag:s31], $0x4000  }
0x9b: {  	[sflag:s31] =	ssyncset.done $0x0  }
0x9c: {  	s7 =	simm.s32 $0x17B00;
	[sflag:s31] =	ssyncadd.s32 $0xFFFFC000  }
0x9d: {  	[spmem:s2] =	stream.indirect.scatter.add.f32 [tilespmem:s23], [sflag:$0x3], $0x80, s7, s28, $0xb8;
	[tilespmem:$0x1FC00] =	vst v63  }
0x9e: {  	_ =	swait.ge [sflag:s24], $0x4000  }
0x9f: {  	[sflag:s24] =	ssyncset.done $0x0  }
0xa0: {  	[sflag:s24] =	ssyncadd.s32 $0xFFFFC000  }
0xa1: {  	_ =	swait.ge [sflag:s1], $0x4000  }
0xa2: {  	[sflag:s1] =	ssyncset.done $0x0  }
0xa3: {  	s8 =	simm.s32 $0x17B80;
	[sflag:s1] =	ssyncadd.s32 $0xFFFFC000  }
0xa4: {  	[spmem:s2] =	stream.indirect.scatter.add.f32 [tilespmem:s30], [sflag:$0x3], $0x80, s8, s28, $0xb8;
	[tilespmem:$0x1FC00] =	vst v63  }
0xa5: {  	_ =	swait.ge [sflag:s24], $0x4000  }
0xa6: {  	[sflag:s24] =	ssyncset.done $0x0  }
0xa7: {  	[sflag:s24] =	ssyncadd.s32 $0xFFFFC000  }
0xa8: {  	[bflag:$0x0] =	sbarrier.arrive $0xFFFF  }
0xa9: {  	[tilespmem:s23], [sflag:$0x3] =	stream.linear.gather [spmem:s5], $0x4000, $0x38;
	[tilespmem:$0x1FC00] =	vst v63  }
0xaa: {  	_ =	swait.ge [sflag:s24], $0x4000  }
0xab: {  	[sflag:s24] =	ssyncset.done $0x0  }
0xac: {  	[sflag:s24] =	ssyncadd.s32 $0xFFFFC000  }
0xad: {  	[hbm4b:s14+s3] =	stream.linear.scatter [tilespmem:s23], [sflag:$0x3], $0x4000, $0x38;
	[tilespmem:$0x1FC00] =	vst v63  }
0xae: {  	_ =	swait.ge [sflag:s24], $0x4000  }
0xaf: {  	[sflag:s24] =	ssyncset.done $0x0  }
0xb0: {  	[sflag:s24] =	ssyncadd.s32 $0xFFFFC000  }
0xb1: {  	[tilespmem:s23], [sflag:$0x3] =	stream.linear.gather [spmem:s15], $0x4000, $0x38;
	[tilespmem:$0x1FC00] =	vst v63  }
0xb2: {  	_ =	swait.ge [sflag:s24], $0x4000  }
0xb3: {  	[sflag:s24] =	ssyncset.done $0x0  }
0xb4: {  	[sflag:s24] =	ssyncadd.s32 $0xFFFFC000  }
0xb5: {  	[hbm4b:s16+s3] =	stream.linear.scatter [tilespmem:s23], [sflag:$0x3], $0x4000, $0x38;
	[tilespmem:$0x1FC00] =	vst v63  }
0xb6: {  	_ =	swait.ge [sflag:s24], $0x4000  }
0xb7: {  	[sflag:s24] =	ssyncset.done $0x0  }
0xb8: {  	[sflag:s24] =	ssyncadd.s32 $0xFFFFC000  }
0xb9: {  	[tilespmem:s23], [sflag:$0x3] =	stream.linear.gather [spmem:s17], $0x4000, $0x38;
	[tilespmem:$0x1FC00] =	vst v63  }
0xba: {  	_ =	swait.ge [sflag:s24], $0x4000  }
0xbb: {  	[sflag:s24] =	ssyncset.done $0x0  }
0xbc: {  	[sflag:s24] =	ssyncadd.s32 $0xFFFFC000  }
0xbd: {  	[hbm4b:s18+s3] =	stream.linear.scatter [tilespmem:s23], [sflag:$0x3], $0x4000, $0x38;
	[tilespmem:$0x1FC00] =	vst v63  }
0xbe: {  	_ =	swait.ge [sflag:s24], $0x4000  }
0xbf: {  	[sflag:s24] =	ssyncset.done $0x0  }
0xc0: {  	[sflag:s24] =	ssyncadd.s32 $0xFFFFC000  }
0xc1: {  	[tilespmem:s23], [sflag:$0x3] =	stream.linear.gather [spmem:s19], $0x4000, $0x38;
	[tilespmem:$0x1FC00] =	vst v63  }
0xc2: {  	_ =	swait.ge [sflag:s24], $0x4000  }
0xc3: {  	[sflag:s24] =	ssyncset.done $0x0  }
0xc4: {  	[sflag:s24] =	ssyncadd.s32 $0xFFFFC000  }
0xc5: {  	[hbm4b:s20+s3] =	stream.linear.scatter [tilespmem:s23], [sflag:$0x3], $0x4000, $0x38;
	[tilespmem:$0x1FC00] =	vst v63  }
0xc6: {  	_ =	swait.ge [sflag:s24], $0x4000  }
0xc7: {  	[sflag:s24] =	ssyncset.done $0x0  }
0xc8: {  	[sflag:s24] =	ssyncadd.s32 $0xFFFFC000  }
0xc9: {  	[tilespmem:s23], [sflag:$0x3] =	stream.linear.gather [spmem:s21], $0x4000, $0x38;
	[tilespmem:$0x1FC00] =	vst v63  }
0xca: {  	_ =	swait.ge [sflag:s24], $0x4000  }
0xcb: {  	[sflag:s24] =	ssyncset.done $0x0  }
0xcc: {  	[sflag:s24] =	ssyncadd.s32 $0xFFFFC000  }
0xcd: {  	[hbm4b:s22+s3] =	stream.linear.scatter [tilespmem:s23], [sflag:$0x3], $0x4000, $0x38;
	[tilespmem:$0x1FC00] =	vst v63  }
0xce: {  	_ =	swait.ge [sflag:s24], $0x4000  }
0xcf: {  	s0 =	sadd.s32 $0x1, s0;
	s25 =	rddreg [dreg:$0x4]  }
0xd0: {  	p0 =	sne.s32 s0, s25  }
.Ltmp3:
0xd1: {  	_ = 	snop;
	(pc) =	sbr.rel @p0 .LBB2_1-.Ltmp3, $3  }
0xd2: {  	_ =	sdelay $0x1  }
0xd3: {  	[sflag:s24] =	ssyncset.done $0x0  }
0xd4: {  	[sflag:s24] =	ssyncadd.s32 $0xFFFFC000  }
0xd5: {  	_ =	sfence.sel $0x180000  }
0xd6: {  	[bflag:$0x0] =	sbarrier.arrive $0xFFFF  }
0xd7: {  	_ =	strace $0x9000004D  }
0xd8: {  	s0 =	stileid.u32;
	[bflag:$0x2] =	sbarrier.arrive $0xFFFF  }
0xd9: {  	p0 =	sne.s32 s0, $0x0;
	s0 =	rddreg [dreg:$0x2]  }
0xda: {  	s0 =	sadd.s32 @!p0 $0x100000, s0  }
0xdb: {  	[sflag:s0] =	ssyncadd.tile.s32 @!p0 $0x1;
	_ =	shalt  }
.Lfunc_end2:
_tile_overlayer_lowered:
.L_overlay_start_2:
0xdc: {  	(tag) =	ssettag $0x2  }
0xdd: {  	s0 =	rddreg [dreg:$0x0];
	s2 =	stileid.u32  }
0xde: {  	s1 =	rddreg [dreg:$0x1];
	p0 =	sne.s32 s2, $0x0  }
0xdf: {  	s3 =	rddreg [dreg:$0x2];
	[bflag:$0x3] =	sbarrier.arrive $0xFFFF;
	s2 =	simm.s32 @!p0 $0x1C03  }
0xe0: {  	[timem:s3], [sflag:s2] =	dma.local @!p0 [hbm:s0], s1  }
0xe1: {  	s0 =	simm.s32 @!p0 $0x3  }
0xe2: {  	_ =	swait.ge @!p0 [sflag:s0], s1  }
0xe3: {  	s1 =	ssub.s32 @!p0 $0x0, s1;
	[sflag:s0] =	ssyncset.done @!p0 $0x0  }
0xe4: {  	[sflag:s0] =	ssyncadd.s32 @!p0 s1  }
0xe5: {  	[bflag:$0x3] =	sbarrier.arrive $0xFFFF  }
0xe6: {  	_ =	shalt  }

// kernel: kernel.8.cloned.1.call-start
scs
__scs_entry_jumppad:
0x0: {  	(pc) =	sbr.rel $0x88, $3  }
0x1: {  	(tag) =	ssettag $0x0;
	lr =	simm.s32 $0x1  }
0x2: {  	[smem:$0x3F9B] =	sst lr;
	_ =	strace $0xD0000000  }
0x3: {  	_ = 	snop  }
0x4: {  	_ = 	snop  }
0x5: {  	_ = 	snop  }
0x6: {  	_ = 	snop  }
0x7: {  	_ = 	snop  }
__scs_overlays_trampoline_lowered:
0x8: {  	[smem:$0x3FAA] =	sst s0  }
0x9: {  	[smem:$0x3FAB] =	sst s1  }
0xa: {  	[smem:$0x3FAC] =	sst s2  }
0xb: {  	[smem:$0x3FAD] =	sst s3  }
0xc: {  	[smem:$0x3FAE] =	sst s4  }
0xd: {  	[smem:$0x3FAF] =	sst s5  }
0xe: {  	[smem:$0x3FB0] =	sst s6  }
0xf: {  	[smem:$0x3FB1] =	sst s7  }
0x10: {  	[smem:$0x3FB2] =	sst s8  }
0x11: {  	[smem:$0x3FB3] =	sst s9;
	s0 =	simm.s32 @!p0 $0x0  }
0x12: {  	s1 =	sld [smem:$0x3F99];
	s0 =	simm.s32 @p0 $0x1  }
0x13: {  	[smem:$0x3FB4] =	sst s0;
	s0 =	simm.s32 @!p1 $0x0  }
0x14: {  	s2 =	sld [smem:$0x3F98];
	s0 =	simm.s32 @p1 $0x1  }
0x15: {  	[smem:$0x3FB5] =	sst s0;
	s0 =	simm.s32 @!p2 $0x0  }
0x16: {  	s3 =	sld [smem:$0x3FDB];
	s0 =	simm.s32 @p2 $0x1  }
0x17: {  	s4 =	simm.s32 $0x1BF5;
	[smem:$0x3FB7] =	sst s0  }
0x18: {  	s0 =	sld [smem:$0x3F9A];
	_ =	swait.ge [sflag:s4], $0x0  }
0x19: {  	s7 =	sld [smem:$0x3F9B]  }
0x1a: {  	s8 =	sadd.s32 $0xFFFFE003, lr  }
0x1b: {  	s9 =	sadd.s32 $0xFFFFFEF7, lr;
	s5 =	simm.s32 $0xFFFFFFFF;
	p2 =	slt.u32 s8, $0xFFFFF086  }
0x1c: {  	p1 =	slt.u32 s9, $0xF7A;
	s5 =	simm.s32 @!p2 $0x0  }
0x1d: {  	s5 =	simm.s32 @p1 $0x1;
	p0 =	seq.s32 s7, s2  }
0x1e: {  	s7 =	smul.u32 @!p0 $0xF7A, s2;
	p2 =	seq.s32 @!p0 s5, $0x0  }
0x1f: {  	s9 =	smul.u32 $0xF7A, s1;
	s8 =	simm.s32 @!p0 $0x1BF5;
	p2 =	por !p2, p0  }
0x20: {  	[sflag:s8] =	ssyncset.s32 @!p0 $0xFFFFF086;
	s6 =	sadd.s32 @!p0 s3, s7;
	s7 =	simm.s32 @!p0 $0x108  }
0x21: {  	s3 =	sadd.s32 s3, s9;
	s6 =	sadd.s32 @!p0 $0x88, s6;
	s7 =	simm.s32 @p2 $0x1082  }
0x22: {  	[simem:s7], [sflag:s8] =	dma.local @!p0 [hbm:s6], $0xF7A  }
0x23: {  	s9 =	sor.u32 $0xD0000000, s2;
	s6 =	simm.s32 $0x108;
	_ =	swait.ge @!p0 [sflag:s8], $0x0  }
0x24: {  	s3 =	sadd.s32 $0x88, s3;
	s6 =	simm.s32 @!p1 $0x1082;
	[sflag:s4] =	ssyncset.s32 $0xFFFFF086  }
0x25: {  	[simem:s6], [sflag:s4] =	dma.local [hbm:s3], $0xF7A  }
0x26: {  	[smem:$0x3F9B] =	sst s1;
	(tag) =	ssettag s2;
	_ =	strace s9  }
0x27: {  	s1 =	sld [smem:$0x3FAB]  }
0x28: {  	s2 =	sld [smem:$0x3FAC]  }
0x29: {  	s4 =	sld [smem:$0x3FAE]  }
0x2a: {  	p0 =	seq.s32 s5, $0x0;
	s5 =	sld [smem:$0x3FAF]  }
0x2b: {  	s6 =	sld [smem:$0x3FB0]  }
0x2c: {  	s7 =	sld [smem:$0x3FB1]  }
0x2d: {  	s3 =	simm.s32 $0x108;
	s8 =	sld [smem:$0x3FB2]  }
0x2e: {  	s3 =	simm.s32 @!p0 $0x1082;
	s9 =	sld [smem:$0x3FB3]  }
0x2f: {  	lr =	sadd.s32 s0, s3;
	s0 =	sld [smem:$0x3FAA]  }
0x30: {  	s3 =	sld [smem:$0x3FAD]  }
0x31: {  	[smem:$0x3FB6] =	sst s10  }
0x32: {  	s10 =	sld [smem:$0x3FB4];
	_ =	sdelay $0x3  }
0x33: {  	p0 =	seq.s32 s10, $0x1;
	s10 =	sld [smem:$0x3FB6];
	_ =	sdelay $0x3  }
0x34: {  	[smem:$0x3FB6] =	sst s10  }
0x35: {  	s10 =	sld [smem:$0x3FB5];
	_ =	sdelay $0x3  }
0x36: {  	p1 =	seq.s32 s10, $0x1;
	s10 =	sld [smem:$0x3FB6];
	_ =	sdelay $0x3  }
0x37: {  	[smem:$0x3FB6] =	sst s10  }
0x38: {  	s10 =	sld [smem:$0x3FB7]  }
0x39: {  	_ = 	snop;
	(pc) =	sbr.ind lr, $3  }
0x3a: {  	_ = 	snop  }
0x3b: {  	_ = 	snop  }
0x3c: {  	p2 =	seq.s32 s10, $0x1;
	s10 =	sld [smem:$0x3FB6]  }
0x3d: {  	_ =	shalt  }
0x3e: {  	_ =	shalt  }
0x3f: {  	_ =	shalt  }
0x40: {  	_ =	shalt  }
0x41: {  	_ =	shalt  }
0x42: {  	_ =	shalt  }
0x43: {  	_ =	shalt  }
0x44: {  	_ =	shalt  }
0x45: {  	_ =	shalt  }
0x46: {  	_ =	shalt  }
0x47: {  	_ =	shalt  }
0x48: {  	_ =	shalt  }
0x49: {  	_ =	shalt  }
0x4a: {  	_ =	shalt  }
0x4b: {  	_ =	shalt  }
0x4c: {  	_ =	shalt  }
0x4d: {  	_ =	shalt  }
0x4e: {  	_ =	shalt  }
0x4f: {  	_ =	shalt  }
0x50: {  	_ =	shalt  }
0x51: {  	_ =	shalt  }
0x52: {  	_ =	shalt  }
0x53: {  	_ =	shalt  }
0x54: {  	_ =	shalt  }
0x55: {  	_ =	shalt  }
0x56: {  	_ =	shalt  }
0x57: {  	_ =	shalt  }
0x58: {  	_ =	shalt  }
0x59: {  	_ =	shalt  }
0x5a: {  	_ =	shalt  }
0x5b: {  	_ =	shalt  }
0x5c: {  	_ =	shalt  }
0x5d: {  	_ =	shalt  }
0x5e: {  	_ =	shalt  }
0x5f: {  	_ =	shalt  }
0x60: {  	_ =	shalt  }
0x61: {  	_ =	shalt  }
0x62: {  	_ =	shalt  }
0x63: {  	_ =	shalt  }
0x64: {  	_ =	shalt  }
0x65: {  	_ =	shalt  }
0x66: {  	_ =	shalt  }
0x67: {  	_ =	shalt  }
0x68: {  	_ =	shalt  }
0x69: {  	_ =	shalt  }
0x6a: {  	_ =	shalt  }
0x6b: {  	_ =	shalt  }
0x6c: {  	_ =	shalt  }
0x6d: {  	_ =	shalt  }
0x6e: {  	_ =	shalt  }
0x6f: {  	_ =	shalt  }
0x70: {  	_ =	shalt  }
0x71: {  	_ =	shalt  }
0x72: {  	_ =	shalt  }
0x73: {  	_ =	shalt  }
0x74: {  	_ =	shalt  }
0x75: {  	_ =	shalt  }
0x76: {  	_ =	shalt  }
0x77: {  	_ =	shalt  }
0x78: {  	_ =	shalt  }
0x79: {  	_ =	shalt  }
0x7a: {  	_ =	shalt  }
0x7b: {  	_ =	shalt  }
0x7c: {  	_ =	shalt  }
0x7d: {  	_ =	shalt  }
0x7e: {  	_ =	shalt  }
0x7f: {  	_ =	shalt  }
0x80: {  	_ =	shalt  }
0x81: {  	_ =	shalt  }
0x82: {  	_ =	shalt  }
0x83: {  	_ =	shalt  }
0x84: {  	_ =	shalt  }
0x85: {  	_ =	shalt  }
0x86: {  	_ =	shalt  }
0x87: {  	_ =	shalt  }
.Lfunc_end0:
.L_simem_size_0:
called_computation_lowered:
.L_overlay_start_0:
0x88: {  	s2 =	sld [smem:$0x3FD9]  }
0x89: {  	s3 =	sld [smem:$0x3FFE];
	_ =	sdelay $0x1  }
0x8a: {  	s1 =	srdreg.scid  }
0x8b: {  	s0 =	sand.u32 $0x1, s1  }
0x8c: {  	s17 =	sshll.u32 s0, $0xA;
	s2 =	sadd.s32 s3, s2  }
0x8d: {  	s2 =	sadd.s32 s2, s17  }
0x8e: {  	[smem:$0x3FC2] =	sst s2  }
0x8f: {  	_ = 	snop  }
0x90: {  	s2 =	sld [smem:$0x3FD0];
	(tm) =	ssettm $0x1  }
0x91: {  	s18 =	sld [smem:$0x3FFB];
	_ =	sdelay $0x3  }
0x92: {  	_ =	strace s18  }
0x93: {  	s3 =	sld [smem:$0x3FFC];
	_ =	sdelay $0x3  }
0x94: {  	_ =	strace s3  }
0x95: {  	s3 =	sld [smem:$0x3FFD];
	_ =	sdelay $0x3  }
0x96: {  	_ =	strace s3  }
0x97: {  	_ =	strace $0x8FFFFFFF  }
0x98: {  	s19 =	sld [smem:$0x3FDB];
	_ =	sdelay $0x1  }
0x99: {  	s4 =	simm.s32 $_scs_section_size  }
0x9a: {  	s5 =	simm.s32 $_size__tile_overlayer_lowered;
	s6 =	simm.s32 $_tile_overlayer_lowered  }
0x9b: {  	s22 =	simm.s32 $0x1BFF;
	s21 =	sshll.u32 s6, $0x1;
	s3 =	sadd.s32 s4, s19  }
0x9c: {  	s7 =	simm.s32 $0x0;
	s20 =	sshll.u32 s5, $0x1;
	s5 =	sadd.s32 s21, s3  }
0x9d: {  	[timem:s7], [sflag:s22] =	dma.local [hbm:s5], s20  }
0x9e: {  	_ =	swait.ge [sflag:s22], s20  }
0x9f: {  	s4 =	ssub.s32 $0x0, s20;
	[sflag:s22] =	ssyncset.done $0x0  }
0xa0: {  	[sflag:s22] =	ssyncadd.s32 s4;
	_ =	sdelay $0x1  }
0xa1: {  	s23 =	simm.s32 $0x1B8B  }
0xa2: {  	_ =	swait.ge [sflag:s23], $0x1  }
0xa3: {  	[sflag:s23] =	ssyncset.done $0x0  }
0xa4: {  	s25 =	simm.s32 $0x1B8E;
	s24 =	sld [smem:$0x3FFE];
	[sflag:s23] =	ssyncadd.s32 $0xFFFFFFFF  }
0xa5: {  	s26 =	simm.s32 $execute0_lowered;
	[smem:$0x3FD2] =	sst s25  }
0xa6: {  	s5 =	sshll.u32 s26, $0x1;
	_ =	strace $0x80000046;
	[dreg:$0x1] =	wrdreg $0xFFFFFFFF  }
0xa7: {  	s28 =	simm.s32 $_size_execute0_lowered;
	s3 =	sadd.s32 s3, s5;
	[dreg:$0x0] =	wrdreg $0x0  }
0xa8: {  	s5 =	sshll.u32 s28, $0x1;
	[dreg:$0x2] =	wrdreg s3  }
0xa9: {  	[dreg:$0x3] =	wrdreg s5  }
0xaa: {  	[dreg:$0x4] =	wrdreg $0xC0  }
0xab: {  	_ =	task [dreg:s7], $0x5FFFF  }
0xac: {  	[dreg:$0x1] =	wrdreg $0xFFFFFFFF  }
0xad: {  	[dreg:$0x0] =	wrdreg $0x60  }
0xae: {  	[dreg:$0x2] =	wrdreg s2  }
0xaf: {  	[dreg:$0x3] =	wrdreg s24  }
0xb0: {  	[dreg:$0x4] =	wrdreg $0x0  }
0xb1: {  	[dreg:$0x5] =	wrdreg $0x9  }
0xb2: {  	_ =	task.clear_ibuf [dreg:s7], $0x6FFFF;
	_ =	strace $0x90000046  }
0xb3: {  	s29 =	simm.s32 $0x9;
	_ =	strace $0x80000048  }
0xb4: {  	_ =	swait.ge [sflag:s29], $0x1  }
0xb5: {  	[sflag:s29] =	ssyncadd.s32 $0xFFFFFFFF  }
0xb6: {  	_ =	strace $0x90000048  }
0xb7: {  	_ =	sfence  }
0xb8: {  	s30 =	sld [smem:$0x0];
	_ =	sdelay $0x2  }
0xb9: {  	s31 =	sshll.u32 s1, $0xD;
	s1 =	sshrl.u32 s1, $0x2  }
0xba: {  	s3 =	sand.u32 $0x4000, s31;
	s1 =	sadd.s32 s1, s30  }
0xbb: {  	s0 =	sor.u32 s3, s0;
	s1 =	sshll.u32 s1, $0x11  }
0xbc: {  	s0 =	sor.u32 s1, s0  }
0xbd: {  	s0 =	sadd.s32 $0x8F2B, s0  }
0xbe: {  	[sflag:s0] =	ssyncadd.remote.s32 $0x1  }
0xbf: {  	_ =	sfence.sel $0xFFFF  }
0xc0: {  	[dreg:$0x0] =	wrdreg $0xFFFFFFFF;
	(pc) =	sbr.abs _section_cstart, $3  }
0xc1: {  	[dreg:$0x1] =	wrdreg $0xFFFFFFFF  }
0xc2: {  	_ =	task.clear_ibuf [dreg:s7], $0x2FFFF;
	_ =	strace $0x9FFFFFFF  }
0xc3: {  	(tm) =	ssettm $0x7FFFFFFF  }
tec
execute0_lowered:
.L_overlay_start_1:
0x0: {  	(tag) =	ssettag $0x1  }
0x1: {  	s5 =	rddreg [dreg:$0x0]  }
0x2: {  	s4 =	rddreg [dreg:$0x1]  }
0x3: {  	s1 =	rddreg [dreg:$0x2];
	s2 =	srdreg.scid  }
0x4: {  	s0 =	rddreg [dreg:$0x3];
	s6 =	sand.u32 $0x1, s2  }
0x5: {  	s3 =	simm.s32 $0x0;
	s2 =	stileid.u32;
	s7 =	smul.u32 $0x50000, s6  }
0x6: {  	s22 =	simm.s32 $0x14000;
	s23 =	simm.s32 $0x80;
	s9 =	smul.u32 $0x5000, s2  }
0x7: {  	s24 =	simm.s32 $0x0;
	[smem:$0x7FF] =	sst s3;
	s11 =	smul.u32 $0x50000, s2  }
0x8: {  	s19 =	sadd.s32 $0x1A00, s4;
	s8 =	ssub.s32 $0x2, s6;
	s17 =	smul.u32 $0x140000, s6  }
0x9: {  	_ =	strace $0x80000047;
	s16 =	smul.u32 $0x14000, s2;
	s10 =	sshrl.u32 s8, $0x1  }
0xa: {  	s8 =	ssub.s32 s8, s10;
	s26 =	sadd.s32 s9, s7;
	s28 =	sshrl.u32 s11, $0x2  }
0xb: {  	s29 =	sadd.s32 s17, s16;
	s12 =	sadd.s32 $0x4000, s16;
	s14 =	sadd.s32 $0x8000, s16  }
0xc: {  	s18 =	sadd.s32 $0xC000, s16;
	s21 =	sadd.s32 $0x10000, s16;
	s9 =	sshrl.u32 s26, $0x3  }
0xd: {  	s4 =	sadd.s32 s28, s1;
	s6 =	smax.u32 s8, $0x1;
	s11 =	sshrl.u32 s29, $0x3  }
0xe: {  	s13 =	sadd.s32 s17, s12;
	s12 =	sadd.s32 s12, s1;
	s15 =	sadd.s32 s17, s14  }
0xf: {  	s14 =	sadd.s32 s14, s1;
	s20 =	sadd.s32 s17, s18;
	s16 =	sadd.s32 s18, s1  }
0x10: {  	s31 =	sadd.s32 s17, s21;
	s18 =	sadd.s32 s21, s1;
	s21 =	simm.s32 $0x1  }
0x11: {  	s5 =	sadd.s32 s5, s9;
	s7 =	sadd.s32 $0x4000, s4;
	s8 =	sadd.s32 $0x8000, s4  }
0x12: {  	s9 =	sadd.s32 $0xC000, s4;
	s10 =	sadd.s32 $0x10000, s4;
	s11 =	sadd.s32 s19, s11  }
0x13: {  	s13 =	sshrl.u32 s13, $0x3;
	s15 =	sshrl.u32 s15, $0x3;
	s30 =	sshrl.u32 s20, $0x3  }
0x14: {  	s20 =	sshrl.u32 s31, $0x3;
	s13 =	sadd.s32 s19, s13;
	s15 =	sadd.s32 s19, s15  }
0x15: {  	v0 =	vimm.f32 $0.0e+00;
	v1 =	vimm.f32 $1.000000000e+00;
	s17 =	sadd.s32 s19, s30;
	s19 =	sadd.s32 s19, s20;
	s20 =	simm.s32 $0x19000  }
.LBB2_1:
0x16: {  	s25 =	sand.u32 $0xFE00, s3  }
0x17: {  	s26 =	sand.u32 $0x70, s3;
	s28 =	sshrl.u32 s25, $0x2  }
0x18: {  	s25 =	simm.s32 $0x40;
	s28 =	sor.u32 s26, s28;
	s26 =	simm.s32 $0x0  }
.LBB2_2:
0x19: {  	p0 =	sne.s32 s25, $0xFFC0  }
0x1a: {  	[tilespmem:s28+$0x19000] =	vst v0;
	s26 =	sadd.s32 $0x10, s26;
	s28 =	smov.u32 s25;
	s25 =	sadd.s32 $0x40, s25  }
.Ltmp0:
0x1b: {  	(pc) =	sbr.rel @p0 .LBB2_2-.Ltmp0, $4  }
0x1c: {  	_ = 	snop  }
0x1d: {  	s28 =	sand.u32 $0xFE00, s28  }
0x1e: {  	s29 =	sand.u32 $0x70, s26;
	s28 =	sshrl.u32 s28, $0x2  }
0x1f: {  	s28 =	sor.u32 s29, s28  }
0x20: {  	[tilespmem:s28+$0x19000] =	vst v0  }
0x21: {  	[spmem:s4] =	stream.linear.scatter [tilespmem:s20], [sflag:$0x1], $0x4000, $0x38;
	[tilespmem:$0x1D000] =	vst v63  }
0x22: {  	_ =	swait.ge [sflag:s21], $0x4000  }
0x23: {  	[sflag:s21] =	ssyncset.done $0x0  }
0x24: {  	[sflag:s21] =	ssyncadd.s32 $0xFFFFC000  }
0x25: {  	[spmem:s7] =	stream.linear.scatter [tilespmem:s20], [sflag:$0x1], $0x4000, $0x38;
	[tilespmem:$0x1D000] =	vst v63  }
0x26: {  	_ =	swait.ge [sflag:s21], $0x4000  }
0x27: {  	[sflag:s21] =	ssyncset.done $0x0  }
0x28: {  	[sflag:s21] =	ssyncadd.s32 $0xFFFFC000  }
0x29: {  	[spmem:s8] =	stream.linear.scatter [tilespmem:s20], [sflag:$0x1], $0x4000, $0x38;
	[tilespmem:$0x1D000] =	vst v63  }
0x2a: {  	_ =	swait.ge [sflag:s21], $0x4000  }
0x2b: {  	[sflag:s21] =	ssyncset.done $0x0  }
0x2c: {  	[sflag:s21] =	ssyncadd.s32 $0xFFFFC000  }
0x2d: {  	[spmem:s9] =	stream.linear.scatter [tilespmem:s20], [sflag:$0x1], $0x4000, $0x38;
	[tilespmem:$0x1D000] =	vst v63  }
0x2e: {  	_ =	swait.ge [sflag:s21], $0x4000  }
0x2f: {  	[sflag:s21] =	ssyncset.done $0x0  }
0x30: {  	[sflag:s21] =	ssyncadd.s32 $0xFFFFC000  }
0x31: {  	[spmem:s10] =	stream.linear.scatter [tilespmem:s20], [sflag:$0x1], $0x4000, $0x38;
	[tilespmem:$0x1D000] =	vst v63  }
0x32: {  	_ =	swait.ge [sflag:s21], $0x4000  }
0x33: {  	[sflag:s21] =	ssyncset.done $0x0  }
0x34: {  	s25 =	simm.s32 $0x0;
	[sflag:s21] =	ssyncadd.s32 $0xFFFFC000  }
0x35: {  	[tilespmem:s22], [sflag:$0x1] =	stream.linear.gather [hbm4b:s5+s25], $0x5000, $0x38;
	[tilespmem:$0x1D000] =	vst v63  }
0x36: {  	s26 =	sand.u32 $0xFE00, s25;
	_ =	swait.ge [sflag:s21], $0x5000  }
0x37: {  	s28 =	sand.u32 $0x70, s25;
	s29 =	sshrl.u32 s26, $0x2;
	[sflag:s21] =	ssyncset.done $0x0  }
0x38: {  	s26 =	simm.s32 $0x40;
	s28 =	sor.u32 s28, s29;
	[sflag:s21] =	ssyncadd.s32 $0xFFFFB000  }
.LBB2_4:
0x39: {  	p0 =	sne.s32 s26, $0xFFC0  }
0x3a: {  	[tilespmem:s28+$0x19000] =	vst v1;
	s25 =	sadd.s32 $0x10, s25;
	s28 =	smov.u32 s26;
	s26 =	sadd.s32 $0x40, s26  }
.Ltmp1:
0x3b: {  	(pc) =	sbr.rel @p0 .LBB2_4-.Ltmp1, $4  }
0x3c: {  	_ = 	snop  }
0x3d: {  	s28 =	sand.u32 $0xFE00, s28  }
0x3e: {  	s29 =	sand.u32 $0x70, s25;
	s28 =	sshrl.u32 s28, $0x2  }
0x3f: {  	s28 =	sor.u32 s29, s28  }
0x40: {  	[tilespmem:s28+$0x19000] =	vst v1  }
0x41: {  	s25 =	simm.s32 $0x14000;
	[bflag:$0x0] =	sbarrier.arrive $0xFFFF  }
0x42: {  	[spmem:s1] =	stream.indirect.scatter.add.f32 [tilespmem:s20], [sflag:$0x1], $0x80, s25, s23, $0xb8;
	[tilespmem:$0x1D000] =	vst v63  }
0x43: {  	s25 =	simm.s32 $0x200;
	_ =	swait.ge [sflag:s21], $0x4000  }
.LBB2_6:
0x44: {  	s26 =	sshra.s32 s25, $0x2;
	[sflag:s21] =	ssyncset.done $0x0;
	p0 =	sne.s32 s25, $0x13E00  }
.Ltmp2:
0x45: {  	s26 =	sadd.s32 $0x14000, s26;
	[sflag:s21] =	ssyncadd.s32 $0xFFFFC000;
	(pc) =	sbr.rel @p0 .LBB2_6-.Ltmp2, $3  }
0x46: {  	[spmem:s1] =	stream.indirect.scatter.add.f32 [tilespmem:s20], [sflag:$0x1], $0x80, s26, s23, $0xb8;
	[tilespmem:$0x1D000] =	vst v63  }
0x47: {  	s25 =	sadd.s32 $0x200, s25;
	_ =	sdelay $0x1  }
0x48: {  	_ =	swait.ge [sflag:s21], $0x4000  }
0x49: {  	[sflag:s21] =	ssyncset.done $0x0  }
0x4a: {  	[sflag:s21] =	ssyncadd.s32 $0xFFFFC000  }
0x4b: {  	[bflag:$0x0] =	sbarrier.arrive $0xFFFF  }
0x4c: {  	[tilespmem:s20], [sflag:$0x1] =	stream.linear.gather [spmem:s4], $0x4000, $0x38;
	[tilespmem:$0x1D000] =	vst v63  }
0x4d: {  	_ =	swait.ge [sflag:s21], $0x4000  }
0x4e: {  	[sflag:s21] =	ssyncset.done $0x0  }
0x4f: {  	[sflag:s21] =	ssyncadd.s32 $0xFFFFC000  }
0x50: {  	[hbm4b:s11+s3] =	stream.linear.scatter [tilespmem:s20], [sflag:$0x1], $0x4000, $0x38;
	[tilespmem:$0x1D000] =	vst v63  }
0x51: {  	_ =	swait.ge [sflag:s21], $0x4000  }
0x52: {  	[sflag:s21] =	ssyncset.done $0x0  }
0x53: {  	[sflag:s21] =	ssyncadd.s32 $0xFFFFC000  }
0x54: {  	[tilespmem:s20], [sflag:$0x1] =	stream.linear.gather [spmem:s12], $0x4000, $0x38;
	[tilespmem:$0x1D000] =	vst v63  }
0x55: {  	_ =	swait.ge [sflag:s21], $0x4000  }
0x56: {  	[sflag:s21] =	ssyncset.done $0x0  }
0x57: {  	[sflag:s21] =	ssyncadd.s32 $0xFFFFC000  }
0x58: {  	[hbm4b:s13+s3] =	stream.linear.scatter [tilespmem:s20], [sflag:$0x1], $0x4000, $0x38;
	[tilespmem:$0x1D000] =	vst v63  }
0x59: {  	_ =	swait.ge [sflag:s21], $0x4000  }
0x5a: {  	[sflag:s21] =	ssyncset.done $0x0  }
0x5b: {  	[sflag:s21] =	ssyncadd.s32 $0xFFFFC000  }
0x5c: {  	[tilespmem:s20], [sflag:$0x1] =	stream.linear.gather [spmem:s14], $0x4000, $0x38;
	[tilespmem:$0x1D000] =	vst v63  }
0x5d: {  	_ =	swait.ge [sflag:s21], $0x4000  }
0x5e: {  	[sflag:s21] =	ssyncset.done $0x0  }
0x5f: {  	[sflag:s21] =	ssyncadd.s32 $0xFFFFC000  }
0x60: {  	[hbm4b:s15+s3] =	stream.linear.scatter [tilespmem:s20], [sflag:$0x1], $0x4000, $0x38;
	[tilespmem:$0x1D000] =	vst v63  }
0x61: {  	_ =	swait.ge [sflag:s21], $0x4000  }
0x62: {  	[sflag:s21] =	ssyncset.done $0x0  }
0x63: {  	[sflag:s21] =	ssyncadd.s32 $0xFFFFC000  }
0x64: {  	[tilespmem:s20], [sflag:$0x1] =	stream.linear.gather [spmem:s16], $0x4000, $0x38;
	[tilespmem:$0x1D000] =	vst v63  }
0x65: {  	_ =	swait.ge [sflag:s21], $0x4000  }
0x66: {  	[sflag:s21] =	ssyncset.done $0x0  }
0x67: {  	[sflag:s21] =	ssyncadd.s32 $0xFFFFC000  }
0x68: {  	[hbm4b:s17+s3] =	stream.linear.scatter [tilespmem:s20], [sflag:$0x1], $0x4000, $0x38;
	[tilespmem:$0x1D000] =	vst v63  }
0x69: {  	_ =	swait.ge [sflag:s21], $0x4000  }
0x6a: {  	[sflag:s21] =	ssyncset.done $0x0  }
0x6b: {  	[sflag:s21] =	ssyncadd.s32 $0xFFFFC000  }
0x6c: {  	[tilespmem:s20], [sflag:$0x1] =	stream.linear.gather [spmem:s18], $0x4000, $0x38;
	[tilespmem:$0x1D000] =	vst v63  }
0x6d: {  	s24 =	sadd.s32 $0x1, s24;
	_ =	swait.ge [sflag:s21], $0x4000  }
0x6e: {  	p0 =	sne.s32 s24, s6;
	[sflag:s21] =	ssyncset.done $0x0  }
.Ltmp3:
0x6f: {  	[sflag:s21] =	ssyncadd.s32 $0xFFFFC000;
	(pc) =	sbr.rel @p0 .LBB2_1-.Ltmp3, $4  }
0x70: {  	[hbm4b:s19+s3] =	stream.linear.scatter [tilespmem:s20], [sflag:$0x1], $0x4000, $0x38;
	[tilespmem:$0x1D000] =	vst v63  }
0x71: {  	_ =	swait.ge [sflag:s21], $0x4000  }
0x72: {  	[sflag:s21] =	ssyncset.done $0x0  }
0x73: {  	[sflag:s21] =	ssyncadd.s32 $0xFFFFC000  }
0x74: {  	_ =	sfence.sel $0x180000  }
0x75: {  	[bflag:$0x0] =	sbarrier.arrive $0xFFFF  }
0x76: {  	p0 =	sne.s32 s2, $0x0;
	_ =	strace $0x90000047  }
0x77: {  	s0 =	sadd.s32 @!p0 $0x100000, s0;
	[bflag:$0x2] =	sbarrier.arrive $0xFFFF  }
0x78: {  	[sflag:s0] =	ssyncadd.tile.s32 @!p0 $0x1;
	_ =	shalt  }
.Lfunc_end2:
_tile_overlayer_lowered:
.L_overlay_start_2:
0x79: {  	(tag) =	ssettag $0x2  }
0x7a: {  	s0 =	rddreg [dreg:$0x0];
	s2 =	stileid.u32  }
0x7b: {  	s1 =	rddreg [dreg:$0x1];
	p0 =	sne.s32 s2, $0x0  }
0x7c: {  	s3 =	rddreg [dreg:$0x2];
	[bflag:$0x3] =	sbarrier.arrive $0xFFFF;
	s2 =	simm.s32 @!p0 $0x1C01  }
0x7d: {  	[timem:s3], [sflag:s2] =	dma.local @!p0 [hbm:s0], s1  }
0x7e: {  	s0 =	simm.s32 @!p0 $0x1  }
0x7f: {  	_ =	swait.ge @!p0 [sflag:s0], s1  }
0x80: {  	s1 =	ssub.s32 @!p0 $0x0, s1;
	[sflag:s0] =	ssyncset.done @!p0 $0x0  }
0x81: {  	[sflag:s0] =	ssyncadd.s32 @!p0 s1  }
0x82: {  	[bflag:$0x3] =	sbarrier.arrive $0xFFFF  }
0x83: {  	_ =	shalt  }

</sc_bundles>
